<compile_context>
chip_gen: v7x
topology: tpu7x:2x2x1
jax: 0.10.2.dev20260603
libtpu: 0.0.44.dev20260713+nightly
codegen_flags: <defaults>
</compile_context>

<pallas_src>
import functools

import jax
import jax.numpy as jnp
from jax import lax
from jax.experimental import pallas as pl
from jax.experimental.pallas import tpu as pltpu
from jax.experimental.pallas import tpu_sc as plsc

N = 10000
NP = 10240
E = 160000
CH = 128
NCH_TOTAL = 1280
EP = NCH_TOTAL * CH
NTILES = 32
TCH = NCH_TOTAL // NTILES
NCH_RAW = E // CH
RPT = NP // 16
TAIL = N - 15 * RPT
DEG_F = 16

_MESH = dict(core_axis_name="c", subcore_axis_name="s", num_cores=2,
             num_subcores=16)
_SC_PARAMS = pltpu.CompilerParams(use_tc_tiling_on_sc=False)


def _edge_scatter_kernel(feat, cw=256):
    ng = EP // cw // NTILES

    @functools.partial(
        pl.kernel,
        out_type=jax.ShapeDtypeStruct((2, NP, feat), jnp.bfloat16),
        mesh=plsc.VectorSubcoreMesh(**_MESH),
        compiler_params=_SC_PARAMS,
        scratch_types=[
            pltpu.VMEM((EP // cw // NTILES, cw), jnp.int32),
            pltpu.VMEM((EP // cw // NTILES, cw), jnp.int32),
            pltpu.VMEM((cw, feat), jnp.bfloat16),
            pltpu.VMEM((cw, feat), jnp.bfloat16),
            pltpu.VMEM((cw, feat), jnp.bfloat16),
            pltpu.VMEM((cw, feat), jnp.bfloat16),
            pltpu.VMEM_SHARED((NP, feat), jnp.bfloat16),
            pltpu.VMEM_SHARED((NP, feat), jnp.bfloat16),
            pltpu.SemaphoreType.DMA,
            pltpu.SemaphoreType.DMA,
            pltpu.SemaphoreType.DMA,
            pltpu.SemaphoreType.DMA,
            pltpu.SemaphoreType.DMA,
            pltpu.SemaphoreType.DMA,
            pltpu.SemaphoreType.DMA,
            pltpu.SemaphoreType.DMA,
        ],
    )
    def sc_kernel(src_hbm, dst_hbm, table_hbm, zeros_hbm, out_hbm,
                  srcv, dstv, m0, m1, m2, m3, tab, acc,
                  g0, g1, g2, g3, c0, c1, c2, c3):
        bufs = (m0, m1, m2, m3)
        gsem = (g0, g1, g2, g3)
        csem = (c0, c1, c2, c3)
        cid = lax.axis_index("c")
        sid = lax.axis_index("s")
        wid = sid * 2 + cid
        rows = pl.ds(sid * RPT, RPT)

        def gather(j, b):
            return pltpu.async_copy(tab.at[srcv.at[j]], bufs[b], gsem[b])

        def gather_wait(b):
            pltpu.make_async_copy(tab.at[srcv.at[0]], bufs[b], gsem[b]).wait()

        def scatter(j, b):
            return pltpu.async_copy(bufs[b], acc.at[dstv.at[j]], csem[b],
                                    add=True)

        def scatter_wait(b):
            pltpu.make_async_copy(bufs[b], acc.at[dstv.at[0]], csem[b]).wait()

        @pl.when(sid < 15)
        def _():
            pltpu.sync_copy(table_hbm.at[rows], tab.at[rows])

        @pl.when(sid == 15)
        def _():
            tail = pl.ds(15 * RPT, TAIL)
            pltpu.sync_copy(table_hbm.at[tail], tab.at[tail])

        pltpu.sync_copy(zeros_hbm, acc.at[rows])
        pltpu.sync_copy(src_hbm.at[pl.ds(wid * ng, ng)], srcv)
        pltpu.sync_copy(dst_hbm.at[pl.ds(wid * ng, ng)], dstv)
        plsc.subcore_barrier()

        gather(0, 0)
        gather(1, 1)
        gather(2, 2)
        gather_wait(0)
        gather(3, 3)
        scatter(0, 0)
        for j in (1, 2, 3):
            gather_wait(j)
            scatter_wait(j - 1)
            gather(j + 3, (j + 3) % 4)
            scatter(j, j)

        def body(q, carry):
            for r in range(4):
                j = 4 + 4 * q + r
                nb = (r + 3) % 4
                gather_wait(r)
                scatter_wait(nb)
                jn = jnp.minimum(j + 3, ng - 1)
                gather(jn, nb)
                scatter(j, r)
            return carry

        lax.fori_loop(0, (ng - 4) // 4, body, 0)
        scatter_wait(3)
        for b in range(3):
            gather_wait(b)
        plsc.subcore_barrier()
        pltpu.sync_copy(acc.at[rows], out_hbm.at[cid, rows])

    return sc_kernel


def _degree_kernel():

    @functools.partial(
        pl.kernel,
        out_type=jax.ShapeDtypeStruct((2, NP, DEG_F), jnp.float32),
        mesh=plsc.VectorSubcoreMesh(**_MESH),
        compiler_params=_SC_PARAMS,
        scratch_types=[
            pltpu.VMEM((TCH, CH), jnp.int32),
            pltpu.VMEM((CH, DEG_F), jnp.float32),
            pltpu.VMEM((RPT, DEG_F), jnp.float32),
            pltpu.VMEM_SHARED((NP, DEG_F), jnp.float32),
            pltpu.SemaphoreType.DMA,
        ],
    )
    def deg_kernel(dst_hbm, ones_hbm, zeros_hbm, out_hbm,
                   dstv, onesv, stage, acc, sem):
        cid = lax.axis_index("c")
        sid = lax.axis_index("s")
        wid = sid * 2 + cid
        rows = pl.ds(sid * RPT, RPT)
        base = wid * NCH_RAW // NTILES
        tch = (wid + 1) * NCH_RAW // NTILES - base
        pltpu.sync_copy(zeros_hbm, stage)
        pltpu.sync_copy(stage, acc.at[rows])
        pltpu.sync_copy(ones_hbm, onesv)
        pltpu.sync_copy(dst_hbm.at[pl.ds(base, TCH)], dstv)
        plsc.subcore_barrier()

        def fire(j, carry):
            pltpu.async_copy(onesv, acc.at[dstv.at[j]], sem, add=True)
            return carry

        lax.fori_loop(0, tch, fire, 0)

        def drain(j, carry):
            pltpu.make_async_copy(onesv, acc.at[dstv.at[0]], sem).wait()
            return carry

        lax.fori_loop(0, tch, drain, 0)
        plsc.subcore_barrier()
        pltpu.sync_copy(acc.at[rows], out_hbm.at[cid, rows])

    return deg_kernel


_R = 1000


def _tc1_body(deg_ref, x_ref, w_ref, y_ref, dinv_ref):
    deg = deg_ref[0, :, :1] + deg_ref[1, :, :1] + 1.0
    dinv = lax.rsqrt(deg)
    h = jnp.dot(x_ref[...], w_ref[...], preferred_element_type=jnp.float32)
    y_ref[...] = (h * dinv).astype(jnp.bfloat16)
    dinv_ref[...] = dinv


def _tc_mid_body(s_ref, y_ref, dinv_ref, b_ref, w_ref, o_ref):
    dinv = dinv_ref[...]
    s = (s_ref[0].astype(jnp.float32) + s_ref[1].astype(jnp.float32)
         + y_ref[...].astype(jnp.float32))
    t = s * dinv + b_ref[...][None, :]
    z = jnp.maximum(t, 0.0)
    h = jnp.dot(z, w_ref[...], preferred_element_type=jnp.float32)
    o_ref[...] = (h * dinv).astype(jnp.bfloat16)


def _tc_last_body(s_ref, y_ref, dinv_ref, b_ref, w_ref, b4_ref, o_ref):
    dinv = dinv_ref[...]
    s = (s_ref[0].astype(jnp.float32) + s_ref[1].astype(jnp.float32)
         + y_ref[...].astype(jnp.float32))
    t = s * dinv + b_ref[...][None, :]
    z = jnp.maximum(t, 0.0)
    o_ref[...] = (jnp.dot(z, w_ref[...], preferred_element_type=jnp.float32)
                  + b4_ref[...][None, :])


def _row_spec(feat):
    return pl.BlockSpec((_R, feat), lambda i: (i, 0))


def _vec_spec():
    return pl.BlockSpec((_R, 1), lambda i: (i, 0))


def _pair_spec(feat):
    return pl.BlockSpec((2, _R, feat), lambda i: (0, i, 0))


def _full_spec(*shape):
    n = len(shape)
    return pl.BlockSpec(shape, lambda i: (0,) * n)


def _tc1(deg_p, x, w1):
    return pl.pallas_call(
        _tc1_body,
        grid=(N // _R,),
        in_specs=[pl.BlockSpec((2, _R, DEG_F), lambda i: (0, i, 0)),
                  _row_spec(256), _full_spec(256, 64)],
        out_specs=[_row_spec(64), _vec_spec()],
        out_shape=[jax.ShapeDtypeStruct((N, 64), jnp.bfloat16),
                   jax.ShapeDtypeStruct((N, 1), jnp.float32)],
    )(deg_p, x, w1)


def _tc_mid(s, y, dinv, b, w, f_in, f_out):
    return pl.pallas_call(
        _tc_mid_body,
        grid=(N // _R,),
        in_specs=[_pair_spec(f_in), _row_spec(f_in), _vec_spec(),
                  _full_spec(f_in), _full_spec(f_in, f_out)],
        out_specs=_row_spec(f_out),
        out_shape=jax.ShapeDtypeStruct((N, f_out), jnp.bfloat16),
    )(s, y, dinv, b, w)


def _tc_last(s, y, dinv, b3, w4, b4):
    return pl.pallas_call(
        _tc_last_body,
        grid=(N // _R,),
        in_specs=[_pair_spec(16), _row_spec(16), _vec_spec(),
                  _full_spec(16), _full_spec(16, 2), _full_spec(2)],
        out_specs=_row_spec(2),
        out_shape=jax.ShapeDtypeStruct((N, 2), jnp.float32),
    )(s, y, dinv, b3, w4, b4)


def kernel(x, edge_index, W1, b1, W2, b2, W3, b3, W4, b4):
    src = edge_index[0].astype(jnp.int32)
    dst = edge_index[1].astype(jnp.int32)
    pad = EP - E
    src = jnp.concatenate([src, jnp.zeros((pad,), jnp.int32)])
    dst = jnp.concatenate([dst, jnp.full((pad,), NP - 1, jnp.int32)])
    src128 = src.reshape(EP // 128, 128)
    dst128 = dst.reshape(EP // 128, 128)

    ones_deg = jnp.ones((CH, DEG_F), jnp.float32)
    zeros_deg = jnp.zeros((RPT, DEG_F), jnp.float32)

    dst_raw = edge_index[1].astype(jnp.int32).reshape(NCH_RAW, CH)
    deg_p = _degree_kernel()(dst_raw, ones_deg, zeros_deg)

    y1, dinv = _tc1(deg_p, x, W1)

    s1 = _edge_scatter_kernel(64, 128)(src128, dst128, y1, jnp.zeros((RPT, 64), jnp.bfloat16))
    y2 = _tc_mid(s1, y1, dinv, b1, W2, 64, 32)

    s2 = _edge_scatter_kernel(32, 128)(src128, dst128, y2, jnp.zeros((RPT, 32), jnp.bfloat16))
    y3 = _tc_mid(s2, y2, dinv, b2, W3, 32, 16)

    s3 = _edge_scatter_kernel(16, 128)(src128, dst128, y3, jnp.zeros((RPT, 16), jnp.bfloat16))
    return _tc_last(s3, y3, dinv, b3, W4, b4)

# --- scband reference (transcript-rebuilt; emitter-appended) ---
"""Pipeline reference for scband-syst-risk-gcn-9259949490636 (READ-ONLY COPY).

The authoritative reference and input builder live on the scoring server;
editing this copy changes nothing except your own understanding.
"""

import jax, jax.numpy as jnp
import numpy as np

N = 10000
D_IN = 256
H1, H2, H3 = 64, 32, 16

def glorot(key, shape):
    fan_in, fan_out = shape[0], shape[1]
    lim = jnp.sqrt(6.0 / (fan_in + fan_out))
    return jax.random.uniform(key, shape, minval=-lim, maxval=lim, dtype=jnp.float32)

def setup_inputs(seed: int = 0) -> dict:
    key = jax.random.key(seed)
    ks = jax.random.split(key, 12)
    x = jax.random.normal(ks[0], (N, D_IN), dtype=jnp.float32)
    edge_index = jax.random.randint(ks[1], (2, 160000), 0, N, dtype=jnp.int64)
    W1 = glorot(ks[2], (D_IN, H1)); b1 = jnp.zeros((H1,), jnp.float32)
    W2 = glorot(ks[3], (H1, H2));  b2 = jnp.zeros((H2,), jnp.float32)
    W3 = glorot(ks[4], (H2, H3));  b3 = jnp.zeros((H3,), jnp.float32)
    W4 = glorot(ks[5], (H3, 2));   b4 = jnp.zeros((2,), jnp.float32)
    return {"x": x, "edge_index": edge_index, "W1": W1, "b1": b1,
            "W2": W2, "b2": b2, "W3": W3, "b3": b3, "W4": W4, "b4": b4}

def gcn_conv(x, src, dst, W, b):
    # PyG GCNConv: h = x W; out = D^{-1/2} (A+I) D^{-1/2} h + b
    h = x @ W
    n = x.shape[0]
    deg = jnp.zeros((n,), jnp.float32).at[dst].add(1.0)
    dinv = 1.0 / jnp.sqrt(deg)  # self loops guarantee deg >= 1
    norm = dinv[src] * dinv[dst]
    msg = h[src] * norm[:, None]
    out = jnp.zeros((n, h.shape[1]), jnp.float32).at[dst].add(msg)
    return out + b

def reference(x, edge_index, W1, b1, W2, b2, W3, b3, W4, b4):
    n = x.shape[0]
    loop = jnp.arange(n, dtype=edge_index.dtype)
    src = jnp.concatenate([edge_index[0], loop])
    dst = jnp.concatenate([edge_index[1], loop])
    h = jax.nn.relu(gcn_conv(x, src, dst, W1, b1))
    # dropout is identity in eval mode
    h = jax.nn.relu(gcn_conv(h, src, dst, W2, b2))
    h = jax.nn.relu(gcn_conv(h, src, dst, W3, b3))
    logits = h @ W4 + b4
    return logits

if __name__ == "__main__":
    import jax
    _d = setup_inputs()
    print(jax.jit(kernel)(*tuple(_d.values())))

</pallas_src>

<mosaic_0001>
#map = affine_map<(d0, d1) -> (0, 0)>
#map1 = affine_map<(d0, d1) -> (0, 0, 0)>
module attributes {stable_mosaic.version = 14 : i64} {
  func.func @deg_kernel(%arg0: i32, %arg1: i32, %arg2: memref<1250x128xi32, #tpu.memory_space<hbm>>, %arg3: memref<128x16xf32, #tpu.memory_space<hbm>>, %arg4: memref<640x16xf32, #tpu.memory_space<hbm>>, %arg5: memref<2x10240x16xf32, #tpu.memory_space<hbm>>, %arg6: memref<40x128xi32, #tpu.memory_space<vmem>>, %arg7: memref<128x16xf32, #tpu.memory_space<vmem>>, %arg8: memref<640x16xf32, #tpu.memory_space<vmem>>, %arg9: memref<10240x16xf32, #tpu.memory_space<vmem_shared>>, %arg10: memref<!tpu.dma_semaphore, #tpu.memory_space<semaphore_mem>>) attributes {dimension_semantics = [#tpu.dimension_semantics<core_parallel>, #tpu.dimension_semantics<subcore_parallel>], iteration_bounds = array<i64: 2, 16>, scalar_prefetch = 0 : i64, scratch_operands = 5 : i64, tpu.core_type = #tpu.core_type<sc_vector_subcore>, window_params = [{transform_indices = #map}, {transform_indices = #map}, {transform_indices = #map}, {transform_indices = #map1}]} {
    %mul3A = arith.constant 2 : i32
    %mul3A_0 = arith.muli %arg1, %mul3A : i32
    %add3A = arith.addi %mul3A_0, %arg0 : i32
    %mul3A_1 = arith.constant 640 : i32
    %mul3A_2 = arith.muli %arg1, %mul3A_1 : i32
    %mul3A_3 = arith.constant 1250 : i32
    %mul3A_4 = arith.muli %add3A, %mul3A_3 : i32
    %jit3A = arith.constant 32 : i32
    %div3A = arith.divsi %mul3A_4, %jit3A : i32
    %sign3A = arith.constant 0 : i32
    %sign3A_5 = arith.cmpi sgt, %mul3A_4, %sign3A : i32
    %sign3A_6 = arith.extui %sign3A_5 : i1 to i32
    %sign3A_7 = arith.constant 0 : i32
    %sign3A_8 = arith.cmpi slt, %mul3A_4, %sign3A_7 : i32
    %sign3A_9 = arith.extui %sign3A_8 : i1 to i32
    %sign3A_10 = arith.subi %sign3A_6, %sign3A_9 : i32
    %sign3A_11 = arith.constant 0 : i32
    %sign3A_12 = arith.cmpi sgt, %jit3A, %sign3A_11 : i32
    %sign3A_13 = arith.extui %sign3A_12 : i1 to i32
    %sign3A_14 = arith.constant 0 : i32
    %sign3A_15 = arith.cmpi slt, %jit3A, %sign3A_14 : i32
    %sign3A_16 = arith.extui %sign3A_15 : i1 to i32
    %sign3A_17 = arith.subi %sign3A_13, %sign3A_16 : i32
    %ne3A = arith.cmpi ne, %sign3A_10, %sign3A_17 : i32
    %rem3A = arith.remsi %mul3A_4, %jit3A : i32
    %ne3A_18 = arith.constant 0 : i32
    %ne3A_19 = arith.cmpi ne, %rem3A, %ne3A_18 : i32
    %and3A = arith.andi %ne3A, %ne3A_19 : i1
    %sub3A = arith.constant 1 : i32
    %sub3A_20 = arith.subi %div3A, %sub3A : i32
    %select_n3A = arith.select %and3A, %sub3A_20, %div3A : i32
    %add3A_21 = arith.constant 1 : i32
    %add3A_22 = arith.addi %add3A, %add3A_21 : i32
    %mul3A_23 = arith.constant 1250 : i32
    %mul3A_24 = arith.muli %add3A_22, %mul3A_23 : i32
    %jit3A_25 = arith.constant 32 : i32
    %div3A_26 = arith.divsi %mul3A_24, %jit3A_25 : i32
    %sign3A_27 = arith.constant 0 : i32
    %sign3A_28 = arith.cmpi sgt, %mul3A_24, %sign3A_27 : i32
    %sign3A_29 = arith.extui %sign3A_28 : i1 to i32
    %sign3A_30 = arith.constant 0 : i32
    %sign3A_31 = arith.cmpi slt, %mul3A_24, %sign3A_30 : i32
    %sign3A_32 = arith.extui %sign3A_31 : i1 to i32
    %sign3A_33 = arith.subi %sign3A_29, %sign3A_32 : i32
    %sign3A_34 = arith.constant 0 : i32
    %sign3A_35 = arith.cmpi sgt, %jit3A_25, %sign3A_34 : i32
    %sign3A_36 = arith.extui %sign3A_35 : i1 to i32
    %sign3A_37 = arith.constant 0 : i32
    %sign3A_38 = arith.cmpi slt, %jit3A_25, %sign3A_37 : i32
    %sign3A_39 = arith.extui %sign3A_38 : i1 to i32
    %sign3A_40 = arith.subi %sign3A_36, %sign3A_39 : i32
    %ne3A_41 = arith.cmpi ne, %sign3A_33, %sign3A_40 : i32
    %rem3A_42 = arith.remsi %mul3A_24, %jit3A_25 : i32
    %ne3A_43 = arith.constant 0 : i32
    %ne3A_44 = arith.cmpi ne, %rem3A_42, %ne3A_43 : i32
    %and3A_45 = arith.andi %ne3A_41, %ne3A_44 : i1
    %sub3A_46 = arith.constant 1 : i32
    %sub3A_47 = arith.subi %div3A_26, %sub3A_46 : i32
    %select_n3A_48 = arith.select %and3A_45, %sub3A_47, %div3A_26 : i32
    %sub3A_49 = arith.subi %select_n3A_48, %select_n3A : i32
    "tpu.region"() ({
      %run_scoped3A = tpu.sem_alloc : memref<!tpu.dma_semaphore, #tpu.memory_space<semaphore_mem>>
      tpu.enqueue_dma source(%arg4 : memref<640x16xf32, #tpu.memory_space<hbm>>) target(%arg8 : memref<640x16xf32, #tpu.memory_space<vmem>>) target_semaphore(%run_scoped3A : memref<!tpu.dma_semaphore, #tpu.memory_space<semaphore_mem>>)
      tpu.wait_dma2 semaphore(%run_scoped3A : memref<!tpu.dma_semaphore, #tpu.memory_space<semaphore_mem>>) src(%arg4 : memref<640x16xf32, #tpu.memory_space<hbm>>) dst(%arg8 : memref<640x16xf32, #tpu.memory_space<vmem>>)
      tpu.yield
    }) : () -> ()
    "tpu.region"() ({
      %run_scoped3A = tpu.sem_alloc : memref<!tpu.dma_semaphore, #tpu.memory_space<semaphore_mem>>
      %dma_start3A = arith.constant 0 : i32
      %dma_start3A_70 = tpu.memref_slice %arg9[%mul3A_2, %dma_start3A] : memref<10240x16xf32, #tpu.memory_space<vmem_shared>> -> memref<640x16xf32, #tpu.memory_space<vmem_shared>>
      %dma_start3A_71 = arith.constant 0 : i32
      %dma_start3A_72 = tpu.memref_slice %arg9[%mul3A_2, %dma_start3A_71] : memref<10240x16xf32, #tpu.memory_space<vmem_shared>> -> memref<640x16xf32, #tpu.memory_space<vmem_shared>>
      tpu.enqueue_dma source(%arg8 : memref<640x16xf32, #tpu.memory_space<vmem>>) target(%dma_start3A_72 : memref<640x16xf32, #tpu.memory_space<vmem_shared>>) target_semaphore(%run_scoped3A : memref<!tpu.dma_semaphore, #tpu.memory_space<semaphore_mem>>)
      %dma_wait3A = arith.constant 0 : i32
      %dma_wait3A_73 = tpu.memref_slice %arg9[%mul3A_2, %dma_wait3A] : memref<10240x16xf32, #tpu.memory_space<vmem_shared>> -> memref<640x16xf32, #tpu.memory_space<vmem_shared>>
      %dma_wait3A_74 = arith.constant 0 : i32
      %dma_wait3A_75 = tpu.memref_slice %arg9[%mul3A_2, %dma_wait3A_74] : memref<10240x16xf32, #tpu.memory_space<vmem_shared>> -> memref<640x16xf32, #tpu.memory_space<vmem_shared>>
      tpu.wait_dma2 semaphore(%run_scoped3A : memref<!tpu.dma_semaphore, #tpu.memory_space<semaphore_mem>>) src(%arg8 : memref<640x16xf32, #tpu.memory_space<vmem>>) dst(%dma_wait3A_75 : memref<640x16xf32, #tpu.memory_space<vmem_shared>>)
      tpu.yield
    }) : () -> ()
    "tpu.region"() ({
      %run_scoped3A = tpu.sem_alloc : memref<!tpu.dma_semaphore, #tpu.memory_space<semaphore_mem>>
      tpu.enqueue_dma source(%arg3 : memref<128x16xf32, #tpu.memory_space<hbm>>) target(%arg7 : memref<128x16xf32, #tpu.memory_space<vmem>>) target_semaphore(%run_scoped3A : memref<!tpu.dma_semaphore, #tpu.memory_space<semaphore_mem>>)
      tpu.wait_dma2 semaphore(%run_scoped3A : memref<!tpu.dma_semaphore, #tpu.memory_space<semaphore_mem>>) src(%arg3 : memref<128x16xf32, #tpu.memory_space<hbm>>) dst(%arg7 : memref<128x16xf32, #tpu.memory_space<vmem>>)
      tpu.yield
    }) : () -> ()
    "tpu.region"() ({
      %run_scoped3A = tpu.sem_alloc : memref<!tpu.dma_semaphore, #tpu.memory_space<semaphore_mem>>
      %dma_start3A = arith.constant 0 : i32
      %dma_start3A_70 = tpu.memref_slice %arg2[%select_n3A, %dma_start3A] : memref<1250x128xi32, #tpu.memory_space<hbm>> -> memref<40x128xi32, #tpu.memory_space<hbm>>
      %dma_start3A_71 = arith.constant 0 : i32
      %dma_start3A_72 = tpu.memref_slice %arg2[%select_n3A, %dma_start3A_71] : memref<1250x128xi32, #tpu.memory_space<hbm>> -> memref<40x128xi32, #tpu.memory_space<hbm>>
      tpu.enqueue_dma source(%dma_start3A_72 : memref<40x128xi32, #tpu.memory_space<hbm>>) target(%arg6 : memref<40x128xi32, #tpu.memory_space<vmem>>) target_semaphore(%run_scoped3A : memref<!tpu.dma_semaphore, #tpu.memory_space<semaphore_mem>>)
      %dma_wait3A = arith.constant 0 : i32
      %dma_wait3A_73 = tpu.memref_slice %arg2[%select_n3A, %dma_wait3A] : memref<1250x128xi32, #tpu.memory_space<hbm>> -> memref<40x128xi32, #tpu.memory_space<hbm>>
      %dma_wait3A_74 = arith.constant 0 : i32
      %dma_wait3A_75 = tpu.memref_slice %arg2[%select_n3A, %dma_wait3A_74] : memref<1250x128xi32, #tpu.memory_space<hbm>> -> memref<40x128xi32, #tpu.memory_space<hbm>>
      tpu.wait_dma2 semaphore(%run_scoped3A : memref<!tpu.dma_semaphore, #tpu.memory_space<semaphore_mem>>) src(%dma_wait3A_75 : memref<40x128xi32, #tpu.memory_space<hbm>>) dst(%arg6 : memref<40x128xi32, #tpu.memory_space<vmem>>)
      tpu.yield
    }) : () -> ()
    %barrier3A = arith.constant 0 : index
    tpu.barrier barrier_id(%barrier3A)
    %while3A = arith.constant 0 : i32
    %while3A_50 = arith.constant 0 : i32
    %while3A_51 = arith.subi %sub3A_49, %while3A_50 : i32
    %while3A_52 = arith.addi %while3A_50, %while3A_51 : i32
    %while3A_53 = arith.constant 1 : i32
    %while3A_54 = arith.divsi %while3A_51, %while3A_53 : i32
    %while3A_55 = arith.muli %while3A_54, %while3A_53 : i32
    %while3A_56 = arith.addi %while3A_50, %while3A_55 : i32
    %while3A_57 = arith.constant 1 : i32
    scf.for %while3A_70 = %while3A_50 to %while3A_56 step %while3A_57  : i32 {
      %dma_start3A = arith.constant 0 : i32
      %dma_start3A_71 = tpu.memref_slice %arg6[%while3A_70, %dma_start3A] : memref<40x128xi32, #tpu.memory_space<vmem>> -> memref<1x128xi32, #tpu.memory_space<vmem>>
      %dma_start3A_72 = tpu.memref_squeeze %dma_start3A_71 : memref<1x128xi32, #tpu.memory_space<vmem>> -> memref<128xi32, #tpu.memory_space<vmem>>
      %dma_start3A_73 = arith.constant 0 : i32
      %dma_start3A_74 = arith.constant 0 : i32
      %dma_start3A_75 = tpu.memref_slice %arg9[%dma_start3A_73, %dma_start3A_74] : memref<10240x16xf32, #tpu.memory_space<vmem_shared>> -> memref<10240x16xf32, #tpu.memory_space<vmem_shared>>
      tpu.enqueue_indirect_dma source(%arg7 : memref<128x16xf32, #tpu.memory_space<vmem>>) target(%dma_start3A_75 : memref<10240x16xf32, #tpu.memory_space<vmem_shared>>) offsets(%dma_start3A_72 : memref<128xi32, #tpu.memory_space<vmem>>) semaphore(%arg10 : memref<!tpu.dma_semaphore, #tpu.memory_space<semaphore_mem>>) {add = true}
    }
    %while3A_58 = arith.constant 1 : i32
    scf.for %while3A_70 = %while3A_56 to %while3A_52 step %while3A_58  : i32 {
      %dma_start3A = arith.constant 0 : i32
      %dma_start3A_71 = tpu.memref_slice %arg6[%while3A_70, %dma_start3A] : memref<40x128xi32, #tpu.memory_space<vmem>> -> memref<1x128xi32, #tpu.memory_space<vmem>>
      %dma_start3A_72 = tpu.memref_squeeze %dma_start3A_71 : memref<1x128xi32, #tpu.memory_space<vmem>> -> memref<128xi32, #tpu.memory_space<vmem>>
      %dma_start3A_73 = arith.constant 0 : i32
      %dma_start3A_74 = arith.constant 0 : i32
      %dma_start3A_75 = tpu.memref_slice %arg9[%dma_start3A_73, %dma_start3A_74] : memref<10240x16xf32, #tpu.memory_space<vmem_shared>> -> memref<10240x16xf32, #tpu.memory_space<vmem_shared>>
      tpu.enqueue_indirect_dma source(%arg7 : memref<128x16xf32, #tpu.memory_space<vmem>>) target(%dma_start3A_75 : memref<10240x16xf32, #tpu.memory_space<vmem_shared>>) offsets(%dma_start3A_72 : memref<128xi32, #tpu.memory_space<vmem>>) semaphore(%arg10 : memref<!tpu.dma_semaphore, #tpu.memory_space<semaphore_mem>>) {add = true}
    }
    %while3A_59 = arith.constant 0 : i32
    %while3A_60 = arith.constant 0 : i32
    %while3A_61 = arith.subi %sub3A_49, %while3A_60 : i32
    %while3A_62 = arith.addi %while3A_60, %while3A_61 : i32
    %while3A_63 = arith.constant 1 : i32
    %while3A_64 = arith.divsi %while3A_61, %while3A_63 : i32
    %while3A_65 = arith.muli %while3A_64, %while3A_63 : i32
    %while3A_66 = arith.addi %while3A_60, %while3A_65 : i32
    %while3A_67 = arith.constant 1 : i32
    scf.for %while3A_70 = %while3A_60 to %while3A_66 step %while3A_67  : i32 {
      %dma_wait3A = arith.constant 0 : i32
      %dma_wait3A_71 = arith.constant 0 : i32
      %dma_wait3A_72 = tpu.memref_slice %arg6[%dma_wait3A, %dma_wait3A_71] : memref<40x128xi32, #tpu.memory_space<vmem>> -> memref<1x128xi32, #tpu.memory_space<vmem>>
      %dma_wait3A_73 = tpu.memref_squeeze %dma_wait3A_72 : memref<1x128xi32, #tpu.memory_space<vmem>> -> memref<128xi32, #tpu.memory_space<vmem>>
      %dma_wait3A_74 = arith.constant 0 : i32
      %dma_wait3A_75 = arith.constant 0 : i32
      %dma_wait3A_76 = tpu.memref_slice %arg9[%dma_wait3A_74, %dma_wait3A_75] : memref<10240x16xf32, #tpu.memory_space<vmem_shared>> -> memref<10240x16xf32, #tpu.memory_space<vmem_shared>>
      tpu.wait_indirect_dma semaphore(%arg10 : memref<!tpu.dma_semaphore, #tpu.memory_space<semaphore_mem>>) src(%arg7 : memref<128x16xf32, #tpu.memory_space<vmem>>) dst(%dma_wait3A_76 : memref<10240x16xf32, #tpu.memory_space<vmem_shared>>)
    }
    %while3A_68 = arith.constant 1 : i32
    scf.for %while3A_70 = %while3A_66 to %while3A_62 step %while3A_68  : i32 {
      %dma_wait3A = arith.constant 0 : i32
      %dma_wait3A_71 = arith.constant 0 : i32
      %dma_wait3A_72 = tpu.memref_slice %arg6[%dma_wait3A, %dma_wait3A_71] : memref<40x128xi32, #tpu.memory_space<vmem>> -> memref<1x128xi32, #tpu.memory_space<vmem>>
      %dma_wait3A_73 = tpu.memref_squeeze %dma_wait3A_72 : memref<1x128xi32, #tpu.memory_space<vmem>> -> memref<128xi32, #tpu.memory_space<vmem>>
      %dma_wait3A_74 = arith.constant 0 : i32
      %dma_wait3A_75 = arith.constant 0 : i32
      %dma_wait3A_76 = tpu.memref_slice %arg9[%dma_wait3A_74, %dma_wait3A_75] : memref<10240x16xf32, #tpu.memory_space<vmem_shared>> -> memref<10240x16xf32, #tpu.memory_space<vmem_shared>>
      tpu.wait_indirect_dma semaphore(%arg10 : memref<!tpu.dma_semaphore, #tpu.memory_space<semaphore_mem>>) src(%arg7 : memref<128x16xf32, #tpu.memory_space<vmem>>) dst(%dma_wait3A_76 : memref<10240x16xf32, #tpu.memory_space<vmem_shared>>)
    }
    %barrier3A_69 = arith.constant 0 : index
    tpu.barrier barrier_id(%barrier3A_69)
    "tpu.region"() ({
      %run_scoped3A = tpu.sem_alloc : memref<!tpu.dma_semaphore, #tpu.memory_space<semaphore_mem>>
      %dma_start3A = arith.constant 0 : i32
      %dma_start3A_70 = tpu.memref_slice %arg5[%arg0, %mul3A_2, %dma_start3A] : memref<2x10240x16xf32, #tpu.memory_space<hbm>> -> memref<1x640x16xf32, #tpu.memory_space<hbm>>
      %dma_start3A_71 = tpu.memref_squeeze %dma_start3A_70 : memref<1x640x16xf32, #tpu.memory_space<hbm>> -> memref<640x16xf32, #tpu.memory_space<hbm>>
      %dma_start3A_72 = arith.constant 0 : i32
      %dma_start3A_73 = tpu.memref_slice %arg9[%mul3A_2, %dma_start3A_72] : memref<10240x16xf32, #tpu.memory_space<vmem_shared>> -> memref<640x16xf32, #tpu.memory_space<vmem_shared>>
      tpu.enqueue_dma source(%dma_start3A_73 : memref<640x16xf32, #tpu.memory_space<vmem_shared>>) target(%dma_start3A_71 : memref<640x16xf32, #tpu.memory_space<hbm>>) target_semaphore(%run_scoped3A : memref<!tpu.dma_semaphore, #tpu.memory_space<semaphore_mem>>)
      %dma_wait3A = arith.constant 0 : i32
      %dma_wait3A_74 = tpu.memref_slice %arg5[%arg0, %mul3A_2, %dma_wait3A] : memref<2x10240x16xf32, #tpu.memory_space<hbm>> -> memref<1x640x16xf32, #tpu.memory_space<hbm>>
      %dma_wait3A_75 = tpu.memref_squeeze %dma_wait3A_74 : memref<1x640x16xf32, #tpu.memory_space<hbm>> -> memref<640x16xf32, #tpu.memory_space<hbm>>
      %dma_wait3A_76 = arith.constant 0 : i32
      %dma_wait3A_77 = tpu.memref_slice %arg9[%mul3A_2, %dma_wait3A_76] : memref<10240x16xf32, #tpu.memory_space<vmem_shared>> -> memref<640x16xf32, #tpu.memory_space<vmem_shared>>
      tpu.wait_dma2 semaphore(%run_scoped3A : memref<!tpu.dma_semaphore, #tpu.memory_space<semaphore_mem>>) src(%dma_wait3A_77 : memref<640x16xf32, #tpu.memory_space<vmem_shared>>) dst(%dma_wait3A_75 : memref<640x16xf32, #tpu.memory_space<hbm>>)
      tpu.yield
    }) : () -> ()
    return
  }
}

#map = affine_map<(d0, d1) -> (0, 0)>
#map1 = affine_map<(d0, d1) -> (0, 0, 0)>
module attributes {stable_mosaic.version = 14 : i64} {
  func.func @sc_kernel(%arg0: i32, %arg1: i32, %arg2: memref<1280x128xi32, #tpu.memory_space<hbm>>, %arg3: memref<1280x128xi32, #tpu.memory_space<hbm>>, %arg4: memref<10000x32xbf16, #tpu.memory_space<hbm>>, %arg5: memref<640x32xbf16, #tpu.memory_space<hbm>>, %arg6: memref<2x10240x32xbf16, #tpu.memory_space<hbm>>, %arg7: memref<40x128xi32, #tpu.memory_space<vmem>>, %arg8: memref<40x128xi32, #tpu.memory_space<vmem>>, %arg9: memref<128x32xbf16, #tpu.memory_space<vmem>>, %arg10: memref<128x32xbf16, #tpu.memory_space<vmem>>, %arg11: memref<128x32xbf16, #tpu.memory_space<vmem>>, %arg12: memref<128x32xbf16, #tpu.memory_space<vmem>>, %arg13: memref<10240x32xbf16, #tpu.memory_space<vmem_shared>>, %arg14: memref<10240x32xbf16, #tpu.memory_space<vmem_shared>>, %arg15: memref<!tpu.dma_semaphore, #tpu.memory_space<semaphore_mem>>, %arg16: memref<!tpu.dma_semaphore, #tpu.memory_space<semaphore_mem>>, %arg17: memref<!tpu.dma_semaphore, #tpu.memory_space<semaphore_mem>>, %arg18: memref<!tpu.dma_semaphore, #tpu.memory_space<semaphore_mem>>, %arg19: memref<!tpu.dma_semaphore, #tpu.memory_space<semaphore_mem>>, %arg20: memref<!tpu.dma_semaphore, #tpu.memory_space<semaphore_mem>>, %arg21: memref<!tpu.dma_semaphore, #tpu.memory_space<semaphore_mem>>, %arg22: memref<!tpu.dma_semaphore, #tpu.memory_space<semaphore_mem>>) attributes {dimension_semantics = [#tpu.dimension_semantics<core_parallel>, #tpu.dimension_semantics<subcore_parallel>], iteration_bounds = array<i64: 2, 16>, scalar_prefetch = 0 : i64, scratch_operands = 16 : i64, tpu.core_type = #tpu.core_type<sc_vector_subcore>, window_params = [{transform_indices = #map}, {transform_indices = #map}, {transform_indices = #map}, {transform_indices = #map}, {transform_indices = #map1}]} {
    %mul3A = arith.constant 2 : i32
    %mul3A_0 = arith.muli %arg1, %mul3A : i32
    %add3A = arith.addi %mul3A_0, %arg0 : i32
    %mul3A_1 = arith.constant 640 : i32
    %mul3A_2 = arith.muli %arg1, %mul3A_1 : i32
    %lt3A = arith.constant 15 : i32
    %lt3A_3 = arith.cmpi slt, %arg1, %lt3A : i32
    %convert_element_type3A = arith.extui %lt3A_3 : i1 to i32
    %cond3A = arith.constant 0 : i32
    %cond3A_4 = arith.cmpi ne, %convert_element_type3A, %cond3A : i32
    scf.if %cond3A_4 {
      "tpu.region"() ({
        %run_scoped3A = tpu.sem_alloc : memref<!tpu.dma_semaphore, #tpu.memory_space<semaphore_mem>>
        %dma_start3A_171 = arith.constant 0 : i32
        %dma_start3A_172 = tpu.memref_slice %arg13[%mul3A_2, %dma_start3A_171] : memref<10240x32xbf16, #tpu.memory_space<vmem_shared>> -> memref<640x32xbf16, #tpu.memory_space<vmem_shared>>
        %dma_start3A_173 = arith.constant 0 : i32
        %dma_start3A_174 = tpu.memref_slice %arg4[%mul3A_2, %dma_start3A_173] : memref<10000x32xbf16, #tpu.memory_space<hbm>> -> memref<640x32xbf16, #tpu.memory_space<hbm>>
        tpu.enqueue_dma source(%dma_start3A_174 : memref<640x32xbf16, #tpu.memory_space<hbm>>) target(%dma_start3A_172 : memref<640x32xbf16, #tpu.memory_space<vmem_shared>>) target_semaphore(%run_scoped3A : memref<!tpu.dma_semaphore, #tpu.memory_space<semaphore_mem>>)
        %dma_wait3A_175 = arith.constant 0 : i32
        %dma_wait3A_176 = tpu.memref_slice %arg13[%mul3A_2, %dma_wait3A_175] : memref<10240x32xbf16, #tpu.memory_space<vmem_shared>> -> memref<640x32xbf16, #tpu.memory_space<vmem_shared>>
        %dma_wait3A_177 = arith.constant 0 : i32
        %dma_wait3A_178 = tpu.memref_slice %arg4[%mul3A_2, %dma_wait3A_177] : memref<10000x32xbf16, #tpu.memory_space<hbm>> -> memref<640x32xbf16, #tpu.memory_space<hbm>>
        tpu.wait_dma2 semaphore(%run_scoped3A : memref<!tpu.dma_semaphore, #tpu.memory_space<semaphore_mem>>) src(%dma_wait3A_178 : memref<640x32xbf16, #tpu.memory_space<hbm>>) dst(%dma_wait3A_176 : memref<640x32xbf16, #tpu.memory_space<vmem_shared>>)
        tpu.yield
      }) : () -> ()
    } else {
    }
    %eq3A = arith.constant 15 : i32
    %eq3A_5 = arith.cmpi eq, %arg1, %eq3A : i32
    %convert_element_type3A_6 = arith.extui %eq3A_5 : i1 to i32
    %cond3A_7 = arith.constant 0 : i32
    %cond3A_8 = arith.cmpi ne, %convert_element_type3A_6, %cond3A_7 : i32
    scf.if %cond3A_8 {
      "tpu.region"() ({
        %run_scoped3A = tpu.sem_alloc : memref<!tpu.dma_semaphore, #tpu.memory_space<semaphore_mem>>
        %dma_start3A_171 = arith.constant 9600 : i32
        %dma_start3A_172 = arith.constant 0 : i32
        %dma_start3A_173 = tpu.memref_slice %arg13[%dma_start3A_171, %dma_start3A_172] : memref<10240x32xbf16, #tpu.memory_space<vmem_shared>> -> memref<400x32xbf16, #tpu.memory_space<vmem_shared>>
        %dma_start3A_174 = arith.constant 9600 : i32
        %dma_start3A_175 = arith.constant 0 : i32
        %dma_start3A_176 = tpu.memref_slice %arg4[%dma_start3A_174, %dma_start3A_175] : memref<10000x32xbf16, #tpu.memory_space<hbm>> -> memref<400x32xbf16, #tpu.memory_space<hbm>>
        tpu.enqueue_dma source(%dma_start3A_176 : memref<400x32xbf16, #tpu.memory_space<hbm>>) target(%dma_start3A_173 : memref<400x32xbf16, #tpu.memory_space<vmem_shared>>) target_semaphore(%run_scoped3A : memref<!tpu.dma_semaphore, #tpu.memory_space<semaphore_mem>>)
        %dma_wait3A_177 = arith.constant 9600 : i32
        %dma_wait3A_178 = arith.constant 0 : i32
        %dma_wait3A_179 = tpu.memref_slice %arg13[%dma_wait3A_177, %dma_wait3A_178] : memref<10240x32xbf16, #tpu.memory_space<vmem_shared>> -> memref<400x32xbf16, #tpu.memory_space<vmem_shared>>
        %dma_wait3A_180 = arith.constant 9600 : i32
        %dma_wait3A_181 = arith.constant 0 : i32
        %dma_wait3A_182 = tpu.memref_slice %arg4[%dma_wait3A_180, %dma_wait3A_181] : memref<10000x32xbf16, #tpu.memory_space<hbm>> -> memref<400x32xbf16, #tpu.memory_space<hbm>>
        tpu.wait_dma2 semaphore(%run_scoped3A : memref<!tpu.dma_semaphore, #tpu.memory_space<semaphore_mem>>) src(%dma_wait3A_182 : memref<400x32xbf16, #tpu.memory_space<hbm>>) dst(%dma_wait3A_179 : memref<400x32xbf16, #tpu.memory_space<vmem_shared>>)
        tpu.yield
      }) : () -> ()
    } else {
    }
    "tpu.region"() ({
      %run_scoped3A = tpu.sem_alloc : memref<!tpu.dma_semaphore, #tpu.memory_space<semaphore_mem>>
      %dma_start3A_171 = arith.constant 0 : i32
      %dma_start3A_172 = tpu.memref_slice %arg14[%mul3A_2, %dma_start3A_171] : memref<10240x32xbf16, #tpu.memory_space<vmem_shared>> -> memref<640x32xbf16, #tpu.memory_space<vmem_shared>>
      tpu.enqueue_dma source(%arg5 : memref<640x32xbf16, #tpu.memory_space<hbm>>) target(%dma_start3A_172 : memref<640x32xbf16, #tpu.memory_space<vmem_shared>>) target_semaphore(%run_scoped3A : memref<!tpu.dma_semaphore, #tpu.memory_space<semaphore_mem>>)
      %dma_wait3A_173 = arith.constant 0 : i32
      %dma_wait3A_174 = tpu.memref_slice %arg14[%mul3A_2, %dma_wait3A_173] : memref<10240x32xbf16, #tpu.memory_space<vmem_shared>> -> memref<640x32xbf16, #tpu.memory_space<vmem_shared>>
      tpu.wait_dma2 semaphore(%run_scoped3A : memref<!tpu.dma_semaphore, #tpu.memory_space<semaphore_mem>>) src(%arg5 : memref<640x32xbf16, #tpu.memory_space<hbm>>) dst(%dma_wait3A_174 : memref<640x32xbf16, #tpu.memory_space<vmem_shared>>)
      tpu.yield
    }) : () -> ()
    %mul3A_9 = arith.constant 40 : i32
    %mul3A_10 = arith.muli %add3A, %mul3A_9 : i32
    "tpu.region"() ({
      %run_scoped3A = tpu.sem_alloc : memref<!tpu.dma_semaphore, #tpu.memory_space<semaphore_mem>>
      %dma_start3A_171 = arith.constant 0 : i32
      %dma_start3A_172 = tpu.memref_slice %arg2[%mul3A_10, %dma_start3A_171] : memref<1280x128xi32, #tpu.memory_space<hbm>> -> memref<40x128xi32, #tpu.memory_space<hbm>>
      %dma_start3A_173 = arith.constant 0 : i32
      %dma_start3A_174 = tpu.memref_slice %arg2[%mul3A_10, %dma_start3A_173] : memref<1280x128xi32, #tpu.memory_space<hbm>> -> memref<40x128xi32, #tpu.memory_space<hbm>>
      tpu.enqueue_dma source(%dma_start3A_174 : memref<40x128xi32, #tpu.memory_space<hbm>>) target(%arg7 : memref<40x128xi32, #tpu.memory_space<vmem>>) target_semaphore(%run_scoped3A : memref<!tpu.dma_semaphore, #tpu.memory_space<semaphore_mem>>)
      %dma_wait3A_175 = arith.constant 0 : i32
      %dma_wait3A_176 = tpu.memref_slice %arg2[%mul3A_10, %dma_wait3A_175] : memref<1280x128xi32, #tpu.memory_space<hbm>> -> memref<40x128xi32, #tpu.memory_space<hbm>>
      %dma_wait3A_177 = arith.constant 0 : i32
      %dma_wait3A_178 = tpu.memref_slice %arg2[%mul3A_10, %dma_wait3A_177] : memref<1280x128xi32, #tpu.memory_space<hbm>> -> memref<40x128xi32, #tpu.memory_space<hbm>>
      tpu.wait_dma2 semaphore(%run_scoped3A : memref<!tpu.dma_semaphore, #tpu.memory_space<semaphore_mem>>) src(%dma_wait3A_178 : memref<40x128xi32, #tpu.memory_space<hbm>>) dst(%arg7 : memref<40x128xi32, #tpu.memory_space<vmem>>)
      tpu.yield
    }) : () -> ()
    %mul3A_11 = arith.constant 40 : i32
    %mul3A_12 = arith.muli %add3A, %mul3A_11 : i32
    "tpu.region"() ({
      %run_scoped3A = tpu.sem_alloc : memref<!tpu.dma_semaphore, #tpu.memory_space<semaphore_mem>>
      %dma_start3A_171 = arith.constant 0 : i32
      %dma_start3A_172 = tpu.memref_slice %arg3[%mul3A_12, %dma_start3A_171] : memref<1280x128xi32, #tpu.memory_space<hbm>> -> memref<40x128xi32, #tpu.memory_space<hbm>>
      %dma_start3A_173 = arith.constant 0 : i32
      %dma_start3A_174 = tpu.memref_slice %arg3[%mul3A_12, %dma_start3A_173] : memref<1280x128xi32, #tpu.memory_space<hbm>> -> memref<40x128xi32, #tpu.memory_space<hbm>>
      tpu.enqueue_dma source(%dma_start3A_174 : memref<40x128xi32, #tpu.memory_space<hbm>>) target(%arg8 : memref<40x128xi32, #tpu.memory_space<vmem>>) target_semaphore(%run_scoped3A : memref<!tpu.dma_semaphore, #tpu.memory_space<semaphore_mem>>)
      %dma_wait3A_175 = arith.constant 0 : i32
      %dma_wait3A_176 = tpu.memref_slice %arg3[%mul3A_12, %dma_wait3A_175] : memref<1280x128xi32, #tpu.memory_space<hbm>> -> memref<40x128xi32, #tpu.memory_space<hbm>>
      %dma_wait3A_177 = arith.constant 0 : i32
      %dma_wait3A_178 = tpu.memref_slice %arg3[%mul3A_12, %dma_wait3A_177] : memref<1280x128xi32, #tpu.memory_space<hbm>> -> memref<40x128xi32, #tpu.memory_space<hbm>>
      tpu.wait_dma2 semaphore(%run_scoped3A : memref<!tpu.dma_semaphore, #tpu.memory_space<semaphore_mem>>) src(%dma_wait3A_178 : memref<40x128xi32, #tpu.memory_space<hbm>>) dst(%arg8 : memref<40x128xi32, #tpu.memory_space<vmem>>)
      tpu.yield
    }) : () -> ()
    %barrier3A = arith.constant 0 : index
    tpu.barrier barrier_id(%barrier3A)
    %dma_start3A = arith.constant 0 : i32
    %dma_start3A_13 = arith.constant 0 : i32
    %dma_start3A_14 = tpu.memref_slice %arg7[%dma_start3A, %dma_start3A_13] : memref<40x128xi32, #tpu.memory_space<vmem>> -> memref<1x128xi32, #tpu.memory_space<vmem>>
    %dma_start3A_15 = tpu.memref_squeeze %dma_start3A_14 : memref<1x128xi32, #tpu.memory_space<vmem>> -> memref<128xi32, #tpu.memory_space<vmem>>
    %dma_start3A_16 = arith.constant 0 : i32
    %dma_start3A_17 = arith.constant 0 : i32
    %dma_start3A_18 = tpu.memref_slice %arg13[%dma_start3A_16, %dma_start3A_17] : memref<10240x32xbf16, #tpu.memory_space<vmem_shared>> -> memref<10240x32xbf16, #tpu.memory_space<vmem_shared>>
    tpu.enqueue_indirect_dma source(%dma_start3A_18 : memref<10240x32xbf16, #tpu.memory_space<vmem_shared>>) target(%arg9 : memref<128x32xbf16, #tpu.memory_space<vmem>>) offsets(%dma_start3A_15 : memref<128xi32, #tpu.memory_space<vmem>>) semaphore(%arg15 : memref<!tpu.dma_semaphore, #tpu.memory_space<semaphore_mem>>)
    %dma_start3A_19 = arith.constant 1 : i32
    %dma_start3A_20 = arith.constant 0 : i32
    %dma_start3A_21 = tpu.memref_slice %arg7[%dma_start3A_19, %dma_start3A_20] : memref<40x128xi32, #tpu.memory_space<vmem>> -> memref<1x128xi32, #tpu.memory_space<vmem>>
    %dma_start3A_22 = tpu.memref_squeeze %dma_start3A_21 : memref<1x128xi32, #tpu.memory_space<vmem>> -> memref<128xi32, #tpu.memory_space<vmem>>
    %dma_start3A_23 = arith.constant 0 : i32
    %dma_start3A_24 = arith.constant 0 : i32
    %dma_start3A_25 = tpu.memref_slice %arg13[%dma_start3A_23, %dma_start3A_24] : memref<10240x32xbf16, #tpu.memory_space<vmem_shared>> -> memref<10240x32xbf16, #tpu.memory_space<vmem_shared>>
    tpu.enqueue_indirect_dma source(%dma_start3A_25 : memref<10240x32xbf16, #tpu.memory_space<vmem_shared>>) target(%arg10 : memref<128x32xbf16, #tpu.memory_space<vmem>>) offsets(%dma_start3A_22 : memref<128xi32, #tpu.memory_space<vmem>>) semaphore(%arg16 : memref<!tpu.dma_semaphore, #tpu.memory_space<semaphore_mem>>)
    %dma_start3A_26 = arith.constant 2 : i32
    %dma_start3A_27 = arith.constant 0 : i32
    %dma_start3A_28 = tpu.memref_slice %arg7[%dma_start3A_26, %dma_start3A_27] : memref<40x128xi32, #tpu.memory_space<vmem>> -> memref<1x128xi32, #tpu.memory_space<vmem>>
    %dma_start3A_29 = tpu.memref_squeeze %dma_start3A_28 : memref<1x128xi32, #tpu.memory_space<vmem>> -> memref<128xi32, #tpu.memory_space<vmem>>
    %dma_start3A_30 = arith.constant 0 : i32
    %dma_start3A_31 = arith.constant 0 : i32
    %dma_start3A_32 = tpu.memref_slice %arg13[%dma_start3A_30, %dma_start3A_31] : memref<10240x32xbf16, #tpu.memory_space<vmem_shared>> -> memref<10240x32xbf16, #tpu.memory_space<vmem_shared>>
    tpu.enqueue_indirect_dma source(%dma_start3A_32 : memref<10240x32xbf16, #tpu.memory_space<vmem_shared>>) target(%arg11 : memref<128x32xbf16, #tpu.memory_space<vmem>>) offsets(%dma_start3A_29 : memref<128xi32, #tpu.memory_space<vmem>>) semaphore(%arg17 : memref<!tpu.dma_semaphore, #tpu.memory_space<semaphore_mem>>)
    %dma_wait3A = arith.constant 0 : i32
    %dma_wait3A_33 = arith.constant 0 : i32
    %dma_wait3A_34 = tpu.memref_slice %arg7[%dma_wait3A, %dma_wait3A_33] : memref<40x128xi32, #tpu.memory_space<vmem>> -> memref<1x128xi32, #tpu.memory_space<vmem>>
    %dma_wait3A_35 = tpu.memref_squeeze %dma_wait3A_34 : memref<1x128xi32, #tpu.memory_space<vmem>> -> memref<128xi32, #tpu.memory_space<vmem>>
    %dma_wait3A_36 = arith.constant 0 : i32
    %dma_wait3A_37 = arith.constant 0 : i32
    %dma_wait3A_38 = tpu.memref_slice %arg13[%dma_wait3A_36, %dma_wait3A_37] : memref<10240x32xbf16, #tpu.memory_space<vmem_shared>> -> memref<10240x32xbf16, #tpu.memory_space<vmem_shared>>
    tpu.wait_indirect_dma semaphore(%arg15 : memref<!tpu.dma_semaphore, #tpu.memory_space<semaphore_mem>>) src(%dma_wait3A_38 : memref<10240x32xbf16, #tpu.memory_space<vmem_shared>>) dst(%arg9 : memref<128x32xbf16, #tpu.memory_space<vmem>>)
    %dma_start3A_39 = arith.constant 3 : i32
    %dma_start3A_40 = arith.constant 0 : i32
    %dma_start3A_41 = tpu.memref_slice %arg7[%dma_start3A_39, %dma_start3A_40] : memref<40x128xi32, #tpu.memory_space<vmem>> -> memref<1x128xi32, #tpu.memory_space<vmem>>
    %dma_start3A_42 = tpu.memref_squeeze %dma_start3A_41 : memref<1x128xi32, #tpu.memory_space<vmem>> -> memref<128xi32, #tpu.memory_space<vmem>>
    %dma_start3A_43 = arith.constant 0 : i32
    %dma_start3A_44 = arith.constant 0 : i32
    %dma_start3A_45 = tpu.memref_slice %arg13[%dma_start3A_43, %dma_start3A_44] : memref<10240x32xbf16, #tpu.memory_space<vmem_shared>> -> memref<10240x32xbf16, #tpu.memory_space<vmem_shared>>
    tpu.enqueue_indirect_dma source(%dma_start3A_45 : memref<10240x32xbf16, #tpu.memory_space<vmem_shared>>) target(%arg12 : memref<128x32xbf16, #tpu.memory_space<vmem>>) offsets(%dma_start3A_42 : memref<128xi32, #tpu.memory_space<vmem>>) semaphore(%arg18 : memref<!tpu.dma_semaphore, #tpu.memory_space<semaphore_mem>>)
    %dma_start3A_46 = arith.constant 0 : i32
    %dma_start3A_47 = arith.constant 0 : i32
    %dma_start3A_48 = tpu.memref_slice %arg8[%dma_start3A_46, %dma_start3A_47] : memref<40x128xi32, #tpu.memory_space<vmem>> -> memref<1x128xi32, #tpu.memory_space<vmem>>
    %dma_start3A_49 = tpu.memref_squeeze %dma_start3A_48 : memref<1x128xi32, #tpu.memory_space<vmem>> -> memref<128xi32, #tpu.memory_space<vmem>>
    %dma_start3A_50 = arith.constant 0 : i32
    %dma_start3A_51 = arith.constant 0 : i32
    %dma_start3A_52 = tpu.memref_slice %arg14[%dma_start3A_50, %dma_start3A_51] : memref<10240x32xbf16, #tpu.memory_space<vmem_shared>> -> memref<10240x32xbf16, #tpu.memory_space<vmem_shared>>
    tpu.enqueue_indirect_dma source(%arg9 : memref<128x32xbf16, #tpu.memory_space<vmem>>) target(%dma_start3A_52 : memref<10240x32xbf16, #tpu.memory_space<vmem_shared>>) offsets(%dma_start3A_49 : memref<128xi32, #tpu.memory_space<vmem>>) semaphore(%arg19 : memref<!tpu.dma_semaphore, #tpu.memory_space<semaphore_mem>>) {add = true}
    %dma_wait3A_53 = arith.constant 0 : i32
    %dma_wait3A_54 = arith.constant 0 : i32
    %dma_wait3A_55 = tpu.memref_slice %arg7[%dma_wait3A_53, %dma_wait3A_54] : memref<40x128xi32, #tpu.memory_space<vmem>> -> memref<1x128xi32, #tpu.memory_space<vmem>>
    %dma_wait3A_56 = tpu.memref_squeeze %dma_wait3A_55 : memref<1x128xi32, #tpu.memory_space<vmem>> -> memref<128xi32, #tpu.memory_space<vmem>>
    %dma_wait3A_57 = arith.constant 0 : i32
    %dma_wait3A_58 = arith.constant 0 : i32
    %dma_wait3A_59 = tpu.memref_slice %arg13[%dma_wait3A_57, %dma_wait3A_58] : memref<10240x32xbf16, #tpu.memory_space<vmem_shared>> -> memref<10240x32xbf16, #tpu.memory_space<vmem_shared>>
    tpu.wait_indirect_dma semaphore(%arg16 : memref<!tpu.dma_semaphore, #tpu.memory_space<semaphore_mem>>) src(%dma_wait3A_59 : memref<10240x32xbf16, #tpu.memory_space<vmem_shared>>) dst(%arg10 : memref<128x32xbf16, #tpu.memory_space<vmem>>)
    %dma_wait3A_60 = arith.constant 0 : i32
    %dma_wait3A_61 = arith.constant 0 : i32
    %dma_wait3A_62 = tpu.memref_slice %arg8[%dma_wait3A_60, %dma_wait3A_61] : memref<40x128xi32, #tpu.memory_space<vmem>> -> memref<1x128xi32, #tpu.memory_space<vmem>>
    %dma_wait3A_63 = tpu.memref_squeeze %dma_wait3A_62 : memref<1x128xi32, #tpu.memory_space<vmem>> -> memref<128xi32, #tpu.memory_space<vmem>>
    %dma_wait3A_64 = arith.constant 0 : i32
    %dma_wait3A_65 = arith.constant 0 : i32
    %dma_wait3A_66 = tpu.memref_slice %arg14[%dma_wait3A_64, %dma_wait3A_65] : memref<10240x32xbf16, #tpu.memory_space<vmem_shared>> -> memref<10240x32xbf16, #tpu.memory_space<vmem_shared>>
    tpu.wait_indirect_dma semaphore(%arg19 : memref<!tpu.dma_semaphore, #tpu.memory_space<semaphore_mem>>) src(%arg9 : memref<128x32xbf16, #tpu.memory_space<vmem>>) dst(%dma_wait3A_66 : memref<10240x32xbf16, #tpu.memory_space<vmem_shared>>)
    %dma_start3A_67 = arith.constant 4 : i32
    %dma_start3A_68 = arith.constant 0 : i32
    %dma_start3A_69 = tpu.memref_slice %arg7[%dma_start3A_67, %dma_start3A_68] : memref<40x128xi32, #tpu.memory_space<vmem>> -> memref<1x128xi32, #tpu.memory_space<vmem>>
    %dma_start3A_70 = tpu.memref_squeeze %dma_start3A_69 : memref<1x128xi32, #tpu.memory_space<vmem>> -> memref<128xi32, #tpu.memory_space<vmem>>
    %dma_start3A_71 = arith.constant 0 : i32
    %dma_start3A_72 = arith.constant 0 : i32
    %dma_start3A_73 = tpu.memref_slice %arg13[%dma_start3A_71, %dma_start3A_72] : memref<10240x32xbf16, #tpu.memory_space<vmem_shared>> -> memref<10240x32xbf16, #tpu.memory_space<vmem_shared>>
    tpu.enqueue_indirect_dma source(%dma_start3A_73 : memref<10240x32xbf16, #tpu.memory_space<vmem_shared>>) target(%arg9 : memref<128x32xbf16, #tpu.memory_space<vmem>>) offsets(%dma_start3A_70 : memref<128xi32, #tpu.memory_space<vmem>>) semaphore(%arg15 : memref<!tpu.dma_semaphore, #tpu.memory_space<semaphore_mem>>)
    %dma_start3A_74 = arith.constant 1 : i32
    %dma_start3A_75 = arith.constant 0 : i32
    %dma_start3A_76 = tpu.memref_slice %arg8[%dma_start3A_74, %dma_start3A_75] : memref<40x128xi32, #tpu.memory_space<vmem>> -> memref<1x128xi32, #tpu.memory_space<vmem>>
    %dma_start3A_77 = tpu.memref_squeeze %dma_start3A_76 : memref<1x128xi32, #tpu.memory_space<vmem>> -> memref<128xi32, #tpu.memory_space<vmem>>
    %dma_start3A_78 = arith.constant 0 : i32
    %dma_start3A_79 = arith.constant 0 : i32
    %dma_start3A_80 = tpu.memref_slice %arg14[%dma_start3A_78, %dma_start3A_79] : memref<10240x32xbf16, #tpu.memory_space<vmem_shared>> -> memref<10240x32xbf16, #tpu.memory_space<vmem_shared>>
    tpu.enqueue_indirect_dma source(%arg10 : memref<128x32xbf16, #tpu.memory_space<vmem>>) target(%dma_start3A_80 : memref<10240x32xbf16, #tpu.memory_space<vmem_shared>>) offsets(%dma_start3A_77 : memref<128xi32, #tpu.memory_space<vmem>>) semaphore(%arg20 : memref<!tpu.dma_semaphore, #tpu.memory_space<semaphore_mem>>) {add = true}
    %dma_wait3A_81 = arith.constant 0 : i32
    %dma_wait3A_82 = arith.constant 0 : i32
    %dma_wait3A_83 = tpu.memref_slice %arg7[%dma_wait3A_81, %dma_wait3A_82] : memref<40x128xi32, #tpu.memory_space<vmem>> -> memref<1x128xi32, #tpu.memory_space<vmem>>
    %dma_wait3A_84 = tpu.memref_squeeze %dma_wait3A_83 : memref<1x128xi32, #tpu.memory_space<vmem>> -> memref<128xi32, #tpu.memory_space<vmem>>
    %dma_wait3A_85 = arith.constant 0 : i32
    %dma_wait3A_86 = arith.constant 0 : i32
    %dma_wait3A_87 = tpu.memref_slice %arg13[%dma_wait3A_85, %dma_wait3A_86] : memref<10240x32xbf16, #tpu.memory_space<vmem_shared>> -> memref<10240x32xbf16, #tpu.memory_space<vmem_shared>>
    tpu.wait_indirect_dma semaphore(%arg17 : memref<!tpu.dma_semaphore, #tpu.memory_space<semaphore_mem>>) src(%dma_wait3A_87 : memref<10240x32xbf16, #tpu.memory_space<vmem_shared>>) dst(%arg11 : memref<128x32xbf16, #tpu.memory_space<vmem>>)
    %dma_wait3A_88 = arith.constant 0 : i32
    %dma_wait3A_89 = arith.constant 0 : i32
    %dma_wait3A_90 = tpu.memref_slice %arg8[%dma_wait3A_88, %dma_wait3A_89] : memref<40x128xi32, #tpu.memory_space<vmem>> -> memref<1x128xi32, #tpu.memory_space<vmem>>
    %dma_wait3A_91 = tpu.memref_squeeze %dma_wait3A_90 : memref<1x128xi32, #tpu.memory_space<vmem>> -> memref<128xi32, #tpu.memory_space<vmem>>
    %dma_wait3A_92 = arith.constant 0 : i32
    %dma_wait3A_93 = arith.constant 0 : i32
    %dma_wait3A_94 = tpu.memref_slice %arg14[%dma_wait3A_92, %dma_wait3A_93] : memref<10240x32xbf16, #tpu.memory_space<vmem_shared>> -> memref<10240x32xbf16, #tpu.memory_space<vmem_shared>>
    tpu.wait_indirect_dma semaphore(%arg20 : memref<!tpu.dma_semaphore, #tpu.memory_space<semaphore_mem>>) src(%arg10 : memref<128x32xbf16, #tpu.memory_space<vmem>>) dst(%dma_wait3A_94 : memref<10240x32xbf16, #tpu.memory_space<vmem_shared>>)
    %dma_start3A_95 = arith.constant 5 : i32
    %dma_start3A_96 = arith.constant 0 : i32
    %dma_start3A_97 = tpu.memref_slice %arg7[%dma_start3A_95, %dma_start3A_96] : memref<40x128xi32, #tpu.memory_space<vmem>> -> memref<1x128xi32, #tpu.memory_space<vmem>>
    %dma_start3A_98 = tpu.memref_squeeze %dma_start3A_97 : memref<1x128xi32, #tpu.memory_space<vmem>> -> memref<128xi32, #tpu.memory_space<vmem>>
    %dma_start3A_99 = arith.constant 0 : i32
    %dma_start3A_100 = arith.constant 0 : i32
    %dma_start3A_101 = tpu.memref_slice %arg13[%dma_start3A_99, %dma_start3A_100] : memref<10240x32xbf16, #tpu.memory_space<vmem_shared>> -> memref<10240x32xbf16, #tpu.memory_space<vmem_shared>>
    tpu.enqueue_indirect_dma source(%dma_start3A_101 : memref<10240x32xbf16, #tpu.memory_space<vmem_shared>>) target(%arg10 : memref<128x32xbf16, #tpu.memory_space<vmem>>) offsets(%dma_start3A_98 : memref<128xi32, #tpu.memory_space<vmem>>) semaphore(%arg16 : memref<!tpu.dma_semaphore, #tpu.memory_space<semaphore_mem>>)
    %dma_start3A_102 = arith.constant 2 : i32
    %dma_start3A_103 = arith.constant 0 : i32
    %dma_start3A_104 = tpu.memref_slice %arg8[%dma_start3A_102, %dma_start3A_103] : memref<40x128xi32, #tpu.memory_space<vmem>> -> memref<1x128xi32, #tpu.memory_space<vmem>>
    %dma_start3A_105 = tpu.memref_squeeze %dma_start3A_104 : memref<1x128xi32, #tpu.memory_space<vmem>> -> memref<128xi32, #tpu.memory_space<vmem>>
    %dma_start3A_106 = arith.constant 0 : i32
    %dma_start3A_107 = arith.constant 0 : i32
    %dma_start3A_108 = tpu.memref_slice %arg14[%dma_start3A_106, %dma_start3A_107] : memref<10240x32xbf16, #tpu.memory_space<vmem_shared>> -> memref<10240x32xbf16, #tpu.memory_space<vmem_shared>>
    tpu.enqueue_indirect_dma source(%arg11 : memref<128x32xbf16, #tpu.memory_space<vmem>>) target(%dma_start3A_108 : memref<10240x32xbf16, #tpu.memory_space<vmem_shared>>) offsets(%dma_start3A_105 : memref<128xi32, #tpu.memory_space<vmem>>) semaphore(%arg21 : memref<!tpu.dma_semaphore, #tpu.memory_space<semaphore_mem>>) {add = true}
    %dma_wait3A_109 = arith.constant 0 : i32
    %dma_wait3A_110 = arith.constant 0 : i32
    %dma_wait3A_111 = tpu.memref_slice %arg7[%dma_wait3A_109, %dma_wait3A_110] : memref<40x128xi32, #tpu.memory_space<vmem>> -> memref<1x128xi32, #tpu.memory_space<vmem>>
    %dma_wait3A_112 = tpu.memref_squeeze %dma_wait3A_111 : memref<1x128xi32, #tpu.memory_space<vmem>> -> memref<128xi32, #tpu.memory_space<vmem>>
    %dma_wait3A_113 = arith.constant 0 : i32
    %dma_wait3A_114 = arith.constant 0 : i32
    %dma_wait3A_115 = tpu.memref_slice %arg13[%dma_wait3A_113, %dma_wait3A_114] : memref<10240x32xbf16, #tpu.memory_space<vmem_shared>> -> memref<10240x32xbf16, #tpu.memory_space<vmem_shared>>
    tpu.wait_indirect_dma semaphore(%arg18 : memref<!tpu.dma_semaphore, #tpu.memory_space<semaphore_mem>>) src(%dma_wait3A_115 : memref<10240x32xbf16, #tpu.memory_space<vmem_shared>>) dst(%arg12 : memref<128x32xbf16, #tpu.memory_space<vmem>>)
    %dma_wait3A_116 = arith.constant 0 : i32
    %dma_wait3A_117 = arith.constant 0 : i32
    %dma_wait3A_118 = tpu.memref_slice %arg8[%dma_wait3A_116, %dma_wait3A_117] : memref<40x128xi32, #tpu.memory_space<vmem>> -> memref<1x128xi32, #tpu.memory_space<vmem>>
    %dma_wait3A_119 = tpu.memref_squeeze %dma_wait3A_118 : memref<1x128xi32, #tpu.memory_space<vmem>> -> memref<128xi32, #tpu.memory_space<vmem>>
    %dma_wait3A_120 = arith.constant 0 : i32
    %dma_wait3A_121 = arith.constant 0 : i32
    %dma_wait3A_122 = tpu.memref_slice %arg14[%dma_wait3A_120, %dma_wait3A_121] : memref<10240x32xbf16, #tpu.memory_space<vmem_shared>> -> memref<10240x32xbf16, #tpu.memory_space<vmem_shared>>
    tpu.wait_indirect_dma semaphore(%arg21 : memref<!tpu.dma_semaphore, #tpu.memory_space<semaphore_mem>>) src(%arg11 : memref<128x32xbf16, #tpu.memory_space<vmem>>) dst(%dma_wait3A_122 : memref<10240x32xbf16, #tpu.memory_space<vmem_shared>>)
    %dma_start3A_123 = arith.constant 6 : i32
    %dma_start3A_124 = arith.constant 0 : i32
    %dma_start3A_125 = tpu.memref_slice %arg7[%dma_start3A_123, %dma_start3A_124] : memref<40x128xi32, #tpu.memory_space<vmem>> -> memref<1x128xi32, #tpu.memory_space<vmem>>
    %dma_start3A_126 = tpu.memref_squeeze %dma_start3A_125 : memref<1x128xi32, #tpu.memory_space<vmem>> -> memref<128xi32, #tpu.memory_space<vmem>>
    %dma_start3A_127 = arith.constant 0 : i32
    %dma_start3A_128 = arith.constant 0 : i32
    %dma_start3A_129 = tpu.memref_slice %arg13[%dma_start3A_127, %dma_start3A_128] : memref<10240x32xbf16, #tpu.memory_space<vmem_shared>> -> memref<10240x32xbf16, #tpu.memory_space<vmem_shared>>
    tpu.enqueue_indirect_dma source(%dma_start3A_129 : memref<10240x32xbf16, #tpu.memory_space<vmem_shared>>) target(%arg11 : memref<128x32xbf16, #tpu.memory_space<vmem>>) offsets(%dma_start3A_126 : memref<128xi32, #tpu.memory_space<vmem>>) semaphore(%arg17 : memref<!tpu.dma_semaphore, #tpu.memory_space<semaphore_mem>>)
    %dma_start3A_130 = arith.constant 3 : i32
    %dma_start3A_131 = arith.constant 0 : i32
    %dma_start3A_132 = tpu.memref_slice %arg8[%dma_start3A_130, %dma_start3A_131] : memref<40x128xi32, #tpu.memory_space<vmem>> -> memref<1x128xi32, #tpu.memory_space<vmem>>
    %dma_start3A_133 = tpu.memref_squeeze %dma_start3A_132 : memref<1x128xi32, #tpu.memory_space<vmem>> -> memref<128xi32, #tpu.memory_space<vmem>>
    %dma_start3A_134 = arith.constant 0 : i32
    %dma_start3A_135 = arith.constant 0 : i32
    %dma_start3A_136 = tpu.memref_slice %arg14[%dma_start3A_134, %dma_start3A_135] : memref<10240x32xbf16, #tpu.memory_space<vmem_shared>> -> memref<10240x32xbf16, #tpu.memory_space<vmem_shared>>
    tpu.enqueue_indirect_dma source(%arg12 : memref<128x32xbf16, #tpu.memory_space<vmem>>) target(%dma_start3A_136 : memref<10240x32xbf16, #tpu.memory_space<vmem_shared>>) offsets(%dma_start3A_133 : memref<128xi32, #tpu.memory_space<vmem>>) semaphore(%arg22 : memref<!tpu.dma_semaphore, #tpu.memory_space<semaphore_mem>>) {add = true}
    %scan3A = arith.constant 0 : i32
    %scan3A_137 = arith.constant 0 : i32
    %scan3A_138 = arith.constant 9 : i32
    %scan3A_139 = arith.addi %scan3A_137, %scan3A_138 : i32
    %scan3A_140 = arith.constant 1 : i32
    scf.for %scan3A_171 = %scan3A_137 to %scan3A_139 step %scan3A_140  : i32 {
      %mul3A_172 = arith.constant 4 : i32
      %mul3A_173 = arith.muli %mul3A_172, %scan3A_171 : i32
      %add3A_174 = arith.constant 4 : i32
      %add3A_175 = arith.addi %add3A_174, %mul3A_173 : i32
      %add3A_176 = arith.constant 0 : i32
      %add3A_177 = arith.addi %add3A_175, %add3A_176 : i32
      %dma_wait3A_178 = arith.constant 0 : i32
      %dma_wait3A_179 = arith.constant 0 : i32
      %dma_wait3A_180 = tpu.memref_slice %arg7[%dma_wait3A_178, %dma_wait3A_179] : memref<40x128xi32, #tpu.memory_space<vmem>> -> memref<1x128xi32, #tpu.memory_space<vmem>>
      %dma_wait3A_181 = tpu.memref_squeeze %dma_wait3A_180 : memref<1x128xi32, #tpu.memory_space<vmem>> -> memref<128xi32, #tpu.memory_space<vmem>>
      %dma_wait3A_182 = arith.constant 0 : i32
      %dma_wait3A_183 = arith.constant 0 : i32
      %dma_wait3A_184 = tpu.memref_slice %arg13[%dma_wait3A_182, %dma_wait3A_183] : memref<10240x32xbf16, #tpu.memory_space<vmem_shared>> -> memref<10240x32xbf16, #tpu.memory_space<vmem_shared>>
      tpu.wait_indirect_dma semaphore(%arg15 : memref<!tpu.dma_semaphore, #tpu.memory_space<semaphore_mem>>) src(%dma_wait3A_184 : memref<10240x32xbf16, #tpu.memory_space<vmem_shared>>) dst(%arg9 : memref<128x32xbf16, #tpu.memory_space<vmem>>)
      %dma_wait3A_185 = arith.constant 0 : i32
      %dma_wait3A_186 = arith.constant 0 : i32
      %dma_wait3A_187 = tpu.memref_slice %arg8[%dma_wait3A_185, %dma_wait3A_186] : memref<40x128xi32, #tpu.memory_space<vmem>> -> memref<1x128xi32, #tpu.memory_space<vmem>>
      %dma_wait3A_188 = tpu.memref_squeeze %dma_wait3A_187 : memref<1x128xi32, #tpu.memory_space<vmem>> -> memref<128xi32, #tpu.memory_space<vmem>>
      %dma_wait3A_189 = arith.constant 0 : i32
      %dma_wait3A_190 = arith.constant 0 : i32
      %dma_wait3A_191 = tpu.memref_slice %arg14[%dma_wait3A_189, %dma_wait3A_190] : memref<10240x32xbf16, #tpu.memory_space<vmem_shared>> -> memref<10240x32xbf16, #tpu.memory_space<vmem_shared>>
      tpu.wait_indirect_dma semaphore(%arg22 : memref<!tpu.dma_semaphore, #tpu.memory_space<semaphore_mem>>) src(%arg12 : memref<128x32xbf16, #tpu.memory_space<vmem>>) dst(%dma_wait3A_191 : memref<10240x32xbf16, #tpu.memory_space<vmem_shared>>)
      %add3A_192 = arith.constant 3 : i32
      %add3A_193 = arith.addi %add3A_177, %add3A_192 : i32
      %min3A = arith.constant 39 : i32
      %min3A_194 = arith.minsi %add3A_193, %min3A : i32
      %dma_start3A_195 = arith.constant 0 : i32
      %dma_start3A_196 = tpu.memref_slice %arg7[%min3A_194, %dma_start3A_195] : memref<40x128xi32, #tpu.memory_space<vmem>> -> memref<1x128xi32, #tpu.memory_space<vmem>>
      %dma_start3A_197 = tpu.memref_squeeze %dma_start3A_196 : memref<1x128xi32, #tpu.memory_space<vmem>> -> memref<128xi32, #tpu.memory_space<vmem>>
      %dma_start3A_198 = arith.constant 0 : i32
      %dma_start3A_199 = arith.constant 0 : i32
      %dma_start3A_200 = tpu.memref_slice %arg13[%dma_start3A_198, %dma_start3A_199] : memref<10240x32xbf16, #tpu.memory_space<vmem_shared>> -> memref<10240x32xbf16, #tpu.memory_space<vmem_shared>>
      tpu.enqueue_indirect_dma source(%dma_start3A_200 : memref<10240x32xbf16, #tpu.memory_space<vmem_shared>>) target(%arg12 : memref<128x32xbf16, #tpu.memory_space<vmem>>) offsets(%dma_start3A_197 : memref<128xi32, #tpu.memory_space<vmem>>) semaphore(%arg18 : memref<!tpu.dma_semaphore, #tpu.memory_space<semaphore_mem>>)
      %dma_start3A_201 = arith.constant 0 : i32
      %dma_start3A_202 = tpu.memref_slice %arg8[%add3A_177, %dma_start3A_201] : memref<40x128xi32, #tpu.memory_space<vmem>> -> memref<1x128xi32, #tpu.memory_space<vmem>>
      %dma_start3A_203 = tpu.memref_squeeze %dma_start3A_202 : memref<1x128xi32, #tpu.memory_space<vmem>> -> memref<128xi32, #tpu.memory_space<vmem>>
      %dma_start3A_204 = arith.constant 0 : i32
      %dma_start3A_205 = arith.constant 0 : i32
      %dma_start3A_206 = tpu.memref_slice %arg14[%dma_start3A_204, %dma_start3A_205] : memref<10240x32xbf16, #tpu.memory_space<vmem_shared>> -> memref<10240x32xbf16, #tpu.memory_space<vmem_shared>>
      tpu.enqueue_indirect_dma source(%arg9 : memref<128x32xbf16, #tpu.memory_space<vmem>>) target(%dma_start3A_206 : memref<10240x32xbf16, #tpu.memory_space<vmem_shared>>) offsets(%dma_start3A_203 : memref<128xi32, #tpu.memory_space<vmem>>) semaphore(%arg19 : memref<!tpu.dma_semaphore, #tpu.memory_space<semaphore_mem>>) {add = true}
      %mul3A_207 = arith.constant 4 : i32
      %mul3A_208 = arith.muli %mul3A_207, %scan3A_171 : i32
      %add3A_209 = arith.constant 4 : i32
      %add3A_210 = arith.addi %add3A_209, %mul3A_208 : i32
      %add3A_211 = arith.constant 1 : i32
      %add3A_212 = arith.addi %add3A_210, %add3A_211 : i32
      %dma_wait3A_213 = arith.constant 0 : i32
      %dma_wait3A_214 = arith.constant 0 : i32
      %dma_wait3A_215 = tpu.memref_slice %arg7[%dma_wait3A_213, %dma_wait3A_214] : memref<40x128xi32, #tpu.memory_space<vmem>> -> memref<1x128xi32, #tpu.memory_space<vmem>>
      %dma_wait3A_216 = tpu.memref_squeeze %dma_wait3A_215 : memref<1x128xi32, #tpu.memory_space<vmem>> -> memref<128xi32, #tpu.memory_space<vmem>>
      %dma_wait3A_217 = arith.constant 0 : i32
      %dma_wait3A_218 = arith.constant 0 : i32
      %dma_wait3A_219 = tpu.memref_slice %arg13[%dma_wait3A_217, %dma_wait3A_218] : memref<10240x32xbf16, #tpu.memory_space<vmem_shared>> -> memref<10240x32xbf16, #tpu.memory_space<vmem_shared>>
      tpu.wait_indirect_dma semaphore(%arg16 : memref<!tpu.dma_semaphore, #tpu.memory_space<semaphore_mem>>) src(%dma_wait3A_219 : memref<10240x32xbf16, #tpu.memory_space<vmem_shared>>) dst(%arg10 : memref<128x32xbf16, #tpu.memory_space<vmem>>)
      %dma_wait3A_220 = arith.constant 0 : i32
      %dma_wait3A_221 = arith.constant 0 : i32
      %dma_wait3A_222 = tpu.memref_slice %arg8[%dma_wait3A_220, %dma_wait3A_221] : memref<40x128xi32, #tpu.memory_space<vmem>> -> memref<1x128xi32, #tpu.memory_space<vmem>>
      %dma_wait3A_223 = tpu.memref_squeeze %dma_wait3A_222 : memref<1x128xi32, #tpu.memory_space<vmem>> -> memref<128xi32, #tpu.memory_space<vmem>>
      %dma_wait3A_224 = arith.constant 0 : i32
      %dma_wait3A_225 = arith.constant 0 : i32
      %dma_wait3A_226 = tpu.memref_slice %arg14[%dma_wait3A_224, %dma_wait3A_225] : memref<10240x32xbf16, #tpu.memory_space<vmem_shared>> -> memref<10240x32xbf16, #tpu.memory_space<vmem_shared>>
      tpu.wait_indirect_dma semaphore(%arg19 : memref<!tpu.dma_semaphore, #tpu.memory_space<semaphore_mem>>) src(%arg9 : memref<128x32xbf16, #tpu.memory_space<vmem>>) dst(%dma_wait3A_226 : memref<10240x32xbf16, #tpu.memory_space<vmem_shared>>)
      %add3A_227 = arith.constant 3 : i32
      %add3A_228 = arith.addi %add3A_212, %add3A_227 : i32
      %min3A_229 = arith.constant 39 : i32
      %min3A_230 = arith.minsi %add3A_228, %min3A_229 : i32
      %dma_start3A_231 = arith.constant 0 : i32
      %dma_start3A_232 = tpu.memref_slice %arg7[%min3A_230, %dma_start3A_231] : memref<40x128xi32, #tpu.memory_space<vmem>> -> memref<1x128xi32, #tpu.memory_space<vmem>>
      %dma_start3A_233 = tpu.memref_squeeze %dma_start3A_232 : memref<1x128xi32, #tpu.memory_space<vmem>> -> memref<128xi32, #tpu.memory_space<vmem>>
      %dma_start3A_234 = arith.constant 0 : i32
      %dma_start3A_235 = arith.constant 0 : i32
      %dma_start3A_236 = tpu.memref_slice %arg13[%dma_start3A_234, %dma_start3A_235] : memref<10240x32xbf16, #tpu.memory_space<vmem_shared>> -> memref<10240x32xbf16, #tpu.memory_space<vmem_shared>>
      tpu.enqueue_indirect_dma source(%dma_start3A_236 : memref<10240x32xbf16, #tpu.memory_space<vmem_shared>>) target(%arg9 : memref<128x32xbf16, #tpu.memory_space<vmem>>) offsets(%dma_start3A_233 : memref<128xi32, #tpu.memory_space<vmem>>) semaphore(%arg15 : memref<!tpu.dma_semaphore, #tpu.memory_space<semaphore_mem>>)
      %dma_start3A_237 = arith.constant 0 : i32
      %dma_start3A_238 = tpu.memref_slice %arg8[%add3A_212, %dma_start3A_237] : memref<40x128xi32, #tpu.memory_space<vmem>> -> memref<1x128xi32, #tpu.memory_space<vmem>>
      %dma_start3A_239 = tpu.memref_squeeze %dma_start3A_238 : memref<1x128xi32, #tpu.memory_space<vmem>> -> memref<128xi32, #tpu.memory_space<vmem>>
      %dma_start3A_240 = arith.constant 0 : i32
      %dma_start3A_241 = arith.constant 0 : i32
      %dma_start3A_242 = tpu.memref_slice %arg14[%dma_start3A_240, %dma_start3A_241] : memref<10240x32xbf16, #tpu.memory_space<vmem_shared>> -> memref<10240x32xbf16, #tpu.memory_space<vmem_shared>>
      tpu.enqueue_indirect_dma source(%arg10 : memref<128x32xbf16, #tpu.memory_space<vmem>>) target(%dma_start3A_242 : memref<10240x32xbf16, #tpu.memory_space<vmem_shared>>) offsets(%dma_start3A_239 : memref<128xi32, #tpu.memory_space<vmem>>) semaphore(%arg20 : memref<!tpu.dma_semaphore, #tpu.memory_space<semaphore_mem>>) {add = true}
      %mul3A_243 = arith.constant 4 : i32
      %mul3A_244 = arith.muli %mul3A_243, %scan3A_171 : i32
      %add3A_245 = arith.constant 4 : i32
      %add3A_246 = arith.addi %add3A_245, %mul3A_244 : i32
      %add3A_247 = arith.constant 2 : i32
      %add3A_248 = arith.addi %add3A_246, %add3A_247 : i32
      %dma_wait3A_249 = arith.constant 0 : i32
      %dma_wait3A_250 = arith.constant 0 : i32
      %dma_wait3A_251 = tpu.memref_slice %arg7[%dma_wait3A_249, %dma_wait3A_250] : memref<40x128xi32, #tpu.memory_space<vmem>> -> memref<1x128xi32, #tpu.memory_space<vmem>>
      %dma_wait3A_252 = tpu.memref_squeeze %dma_wait3A_251 : memref<1x128xi32, #tpu.memory_space<vmem>> -> memref<128xi32, #tpu.memory_space<vmem>>
      %dma_wait3A_253 = arith.constant 0 : i32
      %dma_wait3A_254 = arith.constant 0 : i32
      %dma_wait3A_255 = tpu.memref_slice %arg13[%dma_wait3A_253, %dma_wait3A_254] : memref<10240x32xbf16, #tpu.memory_space<vmem_shared>> -> memref<10240x32xbf16, #tpu.memory_space<vmem_shared>>
      tpu.wait_indirect_dma semaphore(%arg17 : memref<!tpu.dma_semaphore, #tpu.memory_space<semaphore_mem>>) src(%dma_wait3A_255 : memref<10240x32xbf16, #tpu.memory_space<vmem_shared>>) dst(%arg11 : memref<128x32xbf16, #tpu.memory_space<vmem>>)
      %dma_wait3A_256 = arith.constant 0 : i32
      %dma_wait3A_257 = arith.constant 0 : i32
      %dma_wait3A_258 = tpu.memref_slice %arg8[%dma_wait3A_256, %dma_wait3A_257] : memref<40x128xi32, #tpu.memory_space<vmem>> -> memref<1x128xi32, #tpu.memory_space<vmem>>
      %dma_wait3A_259 = tpu.memref_squeeze %dma_wait3A_258 : memref<1x128xi32, #tpu.memory_space<vmem>> -> memref<128xi32, #tpu.memory_space<vmem>>
      %dma_wait3A_260 = arith.constant 0 : i32
      %dma_wait3A_261 = arith.constant 0 : i32
      %dma_wait3A_262 = tpu.memref_slice %arg14[%dma_wait3A_260, %dma_wait3A_261] : memref<10240x32xbf16, #tpu.memory_space<vmem_shared>> -> memref<10240x32xbf16, #tpu.memory_space<vmem_shared>>
      tpu.wait_indirect_dma semaphore(%arg20 : memref<!tpu.dma_semaphore, #tpu.memory_space<semaphore_mem>>) src(%arg10 : memref<128x32xbf16, #tpu.memory_space<vmem>>) dst(%dma_wait3A_262 : memref<10240x32xbf16, #tpu.memory_space<vmem_shared>>)
      %add3A_263 = arith.constant 3 : i32
      %add3A_264 = arith.addi %add3A_248, %add3A_263 : i32
      %min3A_265 = arith.constant 39 : i32
      %min3A_266 = arith.minsi %add3A_264, %min3A_265 : i32
      %dma_start3A_267 = arith.constant 0 : i32
      %dma_start3A_268 = tpu.memref_slice %arg7[%min3A_266, %dma_start3A_267] : memref<40x128xi32, #tpu.memory_space<vmem>> -> memref<1x128xi32, #tpu.memory_space<vmem>>
      %dma_start3A_269 = tpu.memref_squeeze %dma_start3A_268 : memref<1x128xi32, #tpu.memory_space<vmem>> -> memref<128xi32, #tpu.memory_space<vmem>>
      %dma_start3A_270 = arith.constant 0 : i32
      %dma_start3A_271 = arith.constant 0 : i32
      %dma_start3A_272 = tpu.memref_slice %arg13[%dma_start3A_270, %dma_start3A_271] : memref<10240x32xbf16, #tpu.memory_space<vmem_shared>> -> memref<10240x32xbf16, #tpu.memory_space<vmem_shared>>
      tpu.enqueue_indirect_dma source(%dma_start3A_272 : memref<10240x32xbf16, #tpu.memory_space<vmem_shared>>) target(%arg10 : memref<128x32xbf16, #tpu.memory_space<vmem>>) offsets(%dma_start3A_269 : memref<128xi32, #tpu.memory_space<vmem>>) semaphore(%arg16 : memref<!tpu.dma_semaphore, #tpu.memory_space<semaphore_mem>>)
      %dma_start3A_273 = arith.constant 0 : i32
      %dma_start3A_274 = tpu.memref_slice %arg8[%add3A_248, %dma_start3A_273] : memref<40x128xi32, #tpu.memory_space<vmem>> -> memref<1x128xi32, #tpu.memory_space<vmem>>
      %dma_start3A_275 = tpu.memref_squeeze %dma_start3A_274 : memref<1x128xi32, #tpu.memory_space<vmem>> -> memref<128xi32, #tpu.memory_space<vmem>>
      %dma_start3A_276 = arith.constant 0 : i32
      %dma_start3A_277 = arith.constant 0 : i32
      %dma_start3A_278 = tpu.memref_slice %arg14[%dma_start3A_276, %dma_start3A_277] : memref<10240x32xbf16, #tpu.memory_space<vmem_shared>> -> memref<10240x32xbf16, #tpu.memory_space<vmem_shared>>
      tpu.enqueue_indirect_dma source(%arg11 : memref<128x32xbf16, #tpu.memory_space<vmem>>) target(%dma_start3A_278 : memref<10240x32xbf16, #tpu.memory_space<vmem_shared>>) offsets(%dma_start3A_275 : memref<128xi32, #tpu.memory_space<vmem>>) semaphore(%arg21 : memref<!tpu.dma_semaphore, #tpu.memory_space<semaphore_mem>>) {add = true}
      %mul3A_279 = arith.constant 4 : i32
      %mul3A_280 = arith.muli %mul3A_279, %scan3A_171 : i32
      %add3A_281 = arith.constant 4 : i32
      %add3A_282 = arith.addi %add3A_281, %mul3A_280 : i32
      %add3A_283 = arith.constant 3 : i32
      %add3A_284 = arith.addi %add3A_282, %add3A_283 : i32
      %dma_wait3A_285 = arith.constant 0 : i32
      %dma_wait3A_286 = arith.constant 0 : i32
      %dma_wait3A_287 = tpu.memref_slice %arg7[%dma_wait3A_285, %dma_wait3A_286] : memref<40x128xi32, #tpu.memory_space<vmem>> -> memref<1x128xi32, #tpu.memory_space<vmem>>
      %dma_wait3A_288 = tpu.memref_squeeze %dma_wait3A_287 : memref<1x128xi32, #tpu.memory_space<vmem>> -> memref<128xi32, #tpu.memory_space<vmem>>
      %dma_wait3A_289 = arith.constant 0 : i32
      %dma_wait3A_290 = arith.constant 0 : i32
      %dma_wait3A_291 = tpu.memref_slice %arg13[%dma_wait3A_289, %dma_wait3A_290] : memref<10240x32xbf16, #tpu.memory_space<vmem_shared>> -> memref<10240x32xbf16, #tpu.memory_space<vmem_shared>>
      tpu.wait_indirect_dma semaphore(%arg18 : memref<!tpu.dma_semaphore, #tpu.memory_space<semaphore_mem>>) src(%dma_wait3A_291 : memref<10240x32xbf16, #tpu.memory_space<vmem_shared>>) dst(%arg12 : memref<128x32xbf16, #tpu.memory_space<vmem>>)
      %dma_wait3A_292 = arith.constant 0 : i32
      %dma_wait3A_293 = arith.constant 0 : i32
      %dma_wait3A_294 = tpu.memref_slice %arg8[%dma_wait3A_292, %dma_wait3A_293] : memref<40x128xi32, #tpu.memory_space<vmem>> -> memref<1x128xi32, #tpu.memory_space<vmem>>
      %dma_wait3A_295 = tpu.memref_squeeze %dma_wait3A_294 : memref<1x128xi32, #tpu.memory_space<vmem>> -> memref<128xi32, #tpu.memory_space<vmem>>
      %dma_wait3A_296 = arith.constant 0 : i32
      %dma_wait3A_297 = arith.constant 0 : i32
      %dma_wait3A_298 = tpu.memref_slice %arg14[%dma_wait3A_296, %dma_wait3A_297] : memref<10240x32xbf16, #tpu.memory_space<vmem_shared>> -> memref<10240x32xbf16, #tpu.memory_space<vmem_shared>>
      tpu.wait_indirect_dma semaphore(%arg21 : memref<!tpu.dma_semaphore, #tpu.memory_space<semaphore_mem>>) src(%arg11 : memref<128x32xbf16, #tpu.memory_space<vmem>>) dst(%dma_wait3A_298 : memref<10240x32xbf16, #tpu.memory_space<vmem_shared>>)
      %add3A_299 = arith.constant 3 : i32
      %add3A_300 = arith.addi %add3A_284, %add3A_299 : i32
      %min3A_301 = arith.constant 39 : i32
      %min3A_302 = arith.minsi %add3A_300, %min3A_301 : i32
      %dma_start3A_303 = arith.constant 0 : i32
      %dma_start3A_304 = tpu.memref_slice %arg7[%min3A_302, %dma_start3A_303] : memref<40x128xi32, #tpu.memory_space<vmem>> -> memref<1x128xi32, #tpu.memory_space<vmem>>
      %dma_start3A_305 = tpu.memref_squeeze %dma_start3A_304 : memref<1x128xi32, #tpu.memory_space<vmem>> -> memref<128xi32, #tpu.memory_space<vmem>>
      %dma_start3A_306 = arith.constant 0 : i32
      %dma_start3A_307 = arith.constant 0 : i32
      %dma_start3A_308 = tpu.memref_slice %arg13[%dma_start3A_306, %dma_start3A_307] : memref<10240x32xbf16, #tpu.memory_space<vmem_shared>> -> memref<10240x32xbf16, #tpu.memory_space<vmem_shared>>
      tpu.enqueue_indirect_dma source(%dma_start3A_308 : memref<10240x32xbf16, #tpu.memory_space<vmem_shared>>) target(%arg11 : memref<128x32xbf16, #tpu.memory_space<vmem>>) offsets(%dma_start3A_305 : memref<128xi32, #tpu.memory_space<vmem>>) semaphore(%arg17 : memref<!tpu.dma_semaphore, #tpu.memory_space<semaphore_mem>>)
      %dma_start3A_309 = arith.constant 0 : i32
      %dma_start3A_310 = tpu.memref_slice %arg8[%add3A_284, %dma_start3A_309] : memref<40x128xi32, #tpu.memory_space<vmem>> -> memref<1x128xi32, #tpu.memory_space<vmem>>
      %dma_start3A_311 = tpu.memref_squeeze %dma_start3A_310 : memref<1x128xi32, #tpu.memory_space<vmem>> -> memref<128xi32, #tpu.memory_space<vmem>>
      %dma_start3A_312 = arith.constant 0 : i32
      %dma_start3A_313 = arith.constant 0 : i32
      %dma_start3A_314 = tpu.memref_slice %arg14[%dma_start3A_312, %dma_start3A_313] : memref<10240x32xbf16, #tpu.memory_space<vmem_shared>> -> memref<10240x32xbf16, #tpu.memory_space<vmem_shared>>
      tpu.enqueue_indirect_dma source(%arg12 : memref<128x32xbf16, #tpu.memory_space<vmem>>) target(%dma_start3A_314 : memref<10240x32xbf16, #tpu.memory_space<vmem_shared>>) offsets(%dma_start3A_311 : memref<128xi32, #tpu.memory_space<vmem>>) semaphore(%arg22 : memref<!tpu.dma_semaphore, #tpu.memory_space<semaphore_mem>>) {add = true}
    }
    %scan3A_141 = arith.constant 9 : i32
    %dma_wait3A_142 = arith.constant 0 : i32
    %dma_wait3A_143 = arith.constant 0 : i32
    %dma_wait3A_144 = tpu.memref_slice %arg8[%dma_wait3A_142, %dma_wait3A_143] : memref<40x128xi32, #tpu.memory_space<vmem>> -> memref<1x128xi32, #tpu.memory_space<vmem>>
    %dma_wait3A_145 = tpu.memref_squeeze %dma_wait3A_144 : memref<1x128xi32, #tpu.memory_space<vmem>> -> memref<128xi32, #tpu.memory_space<vmem>>
    %dma_wait3A_146 = arith.constant 0 : i32
    %dma_wait3A_147 = arith.constant 0 : i32
    %dma_wait3A_148 = tpu.memref_slice %arg14[%dma_wait3A_146, %dma_wait3A_147] : memref<10240x32xbf16, #tpu.memory_space<vmem_shared>> -> memref<10240x32xbf16, #tpu.memory_space<vmem_shared>>
    tpu.wait_indirect_dma semaphore(%arg22 : memref<!tpu.dma_semaphore, #tpu.memory_space<semaphore_mem>>) src(%arg12 : memref<128x32xbf16, #tpu.memory_space<vmem>>) dst(%dma_wait3A_148 : memref<10240x32xbf16, #tpu.memory_space<vmem_shared>>)
    %dma_wait3A_149 = arith.constant 0 : i32
    %dma_wait3A_150 = arith.constant 0 : i32
    %dma_wait3A_151 = tpu.memref_slice %arg7[%dma_wait3A_149, %dma_wait3A_150] : memref<40x128xi32, #tpu.memory_space<vmem>> -> memref<1x128xi32, #tpu.memory_space<vmem>>
    %dma_wait3A_152 = tpu.memref_squeeze %dma_wait3A_151 : memref<1x128xi32, #tpu.memory_space<vmem>> -> memref<128xi32, #tpu.memory_space<vmem>>
    %dma_wait3A_153 = arith.constant 0 : i32
    %dma_wait3A_154 = arith.constant 0 : i32
    %dma_wait3A_155 = tpu.memref_slice %arg13[%dma_wait3A_153, %dma_wait3A_154] : memref<10240x32xbf16, #tpu.memory_space<vmem_shared>> -> memref<10240x32xbf16, #tpu.memory_space<vmem_shared>>
    tpu.wait_indirect_dma semaphore(%arg15 : memref<!tpu.dma_semaphore, #tpu.memory_space<semaphore_mem>>) src(%dma_wait3A_155 : memref<10240x32xbf16, #tpu.memory_space<vmem_shared>>) dst(%arg9 : memref<128x32xbf16, #tpu.memory_space<vmem>>)
    %dma_wait3A_156 = arith.constant 0 : i32
    %dma_wait3A_157 = arith.constant 0 : i32
    %dma_wait3A_158 = tpu.memref_slice %arg7[%dma_wait3A_156, %dma_wait3A_157] : memref<40x128xi32, #tpu.memory_space<vmem>> -> memref<1x128xi32, #tpu.memory_space<vmem>>
    %dma_wait3A_159 = tpu.memref_squeeze %dma_wait3A_158 : memref<1x128xi32, #tpu.memory_space<vmem>> -> memref<128xi32, #tpu.memory_space<vmem>>
    %dma_wait3A_160 = arith.constant 0 : i32
    %dma_wait3A_161 = arith.constant 0 : i32
    %dma_wait3A_162 = tpu.memref_slice %arg13[%dma_wait3A_160, %dma_wait3A_161] : memref<10240x32xbf16, #tpu.memory_space<vmem_shared>> -> memref<10240x32xbf16, #tpu.memory_space<vmem_shared>>
    tpu.wait_indirect_dma semaphore(%arg16 : memref<!tpu.dma_semaphore, #tpu.memory_space<semaphore_mem>>) src(%dma_wait3A_162 : memref<10240x32xbf16, #tpu.memory_space<vmem_shared>>) dst(%arg10 : memref<128x32xbf16, #tpu.memory_space<vmem>>)
    %dma_wait3A_163 = arith.constant 0 : i32
    %dma_wait3A_164 = arith.constant 0 : i32
    %dma_wait3A_165 = tpu.memref_slice %arg7[%dma_wait3A_163, %dma_wait3A_164] : memref<40x128xi32, #tpu.memory_space<vmem>> -> memref<1x128xi32, #tpu.memory_space<vmem>>
    %dma_wait3A_166 = tpu.memref_squeeze %dma_wait3A_165 : memref<1x128xi32, #tpu.memory_space<vmem>> -> memref<128xi32, #tpu.memory_space<vmem>>
    %dma_wait3A_167 = arith.constant 0 : i32
    %dma_wait3A_168 = arith.constant 0 : i32
    %dma_wait3A_169 = tpu.memref_slice %arg13[%dma_wait3A_167, %dma_wait3A_168] : memref<10240x32xbf16, #tpu.memory_space<vmem_shared>> -> memref<10240x32xbf16, #tpu.memory_space<vmem_shared>>
    tpu.wait_indirect_dma semaphore(%arg17 : memref<!tpu.dma_semaphore, #tpu.memory_space<semaphore_mem>>) src(%dma_wait3A_169 : memref<10240x32xbf16, #tpu.memory_space<vmem_shared>>) dst(%arg11 : memref<128x32xbf16, #tpu.memory_space<vmem>>)
    %barrier3A_170 = arith.constant 0 : index
    tpu.barrier barrier_id(%barrier3A_170)
    "tpu.region"() ({
      %run_scoped3A = tpu.sem_alloc : memref<!tpu.dma_semaphore, #tpu.memory_space<semaphore_mem>>
      %dma_start3A_171 = arith.constant 0 : i32
      %dma_start3A_172 = tpu.memref_slice %arg6[%arg0, %mul3A_2, %dma_start3A_171] : memref<2x10240x32xbf16, #tpu.memory_space<hbm>> -> memref<1x640x32xbf16, #tpu.memory_space<hbm>>
      %dma_start3A_173 = tpu.memref_squeeze %dma_start3A_172 : memref<1x640x32xbf16, #tpu.memory_space<hbm>> -> memref<640x32xbf16, #tpu.memory_space<hbm>>
      %dma_start3A_174 = arith.constant 0 : i32
      %dma_start3A_175 = tpu.memref_slice %arg14[%mul3A_2, %dma_start3A_174] : memref<10240x32xbf16, #tpu.memory_space<vmem_shared>> -> memref<640x32xbf16, #tpu.memory_space<vmem_shared>>
      tpu.enqueue_dma source(%dma_start3A_175 : memref<640x32xbf16, #tpu.memory_space<vmem_shared>>) target(%dma_start3A_173 : memref<640x32xbf16, #tpu.memory_space<hbm>>) target_semaphore(%run_scoped3A : memref<!tpu.dma_semaphore, #tpu.memory_space<semaphore_mem>>)
      %dma_wait3A_176 = arith.constant 0 : i32
      %dma_wait3A_177 = tpu.memref_slice %arg6[%arg0, %mul3A_2, %dma_wait3A_176] : memref<2x10240x32xbf16, #tpu.memory_space<hbm>> -> memref<1x640x32xbf16, #tpu.memory_space<hbm>>
      %dma_wait3A_178 = tpu.memref_squeeze %dma_wait3A_177 : memref<1x640x32xbf16, #tpu.memory_space<hbm>> -> memref<640x32xbf16, #tpu.memory_space<hbm>>
      %dma_wait3A_179 = arith.constant 0 : i32
      %dma_wait3A_180 = tpu.memref_slice %arg14[%mul3A_2, %dma_wait3A_179] : memref<10240x32xbf16, #tpu.memory_space<vmem_shared>> -> memref<640x32xbf16, #tpu.memory_space<vmem_shared>>
      tpu.wait_dma2 semaphore(%run_scoped3A : memref<!tpu.dma_semaphore, #tpu.memory_space<semaphore_mem>>) src(%dma_wait3A_180 : memref<640x32xbf16, #tpu.memory_space<vmem_shared>>) dst(%dma_wait3A_178 : memref<640x32xbf16, #tpu.memory_space<hbm>>)
      tpu.yield
    }) : () -> ()
    return
  }
}

#map = affine_map<(d0, d1) -> (0, 0)>
#map1 = affine_map<(d0, d1) -> (0, 0, 0)>
module attributes {stable_mosaic.version = 14 : i64} {
  func.func @sc_kernel(%arg0: i32, %arg1: i32, %arg2: memref<1280x128xi32, #tpu.memory_space<hbm>>, %arg3: memref<1280x128xi32, #tpu.memory_space<hbm>>, %arg4: memref<10000x16xbf16, #tpu.memory_space<hbm>>, %arg5: memref<640x16xbf16, #tpu.memory_space<hbm>>, %arg6: memref<2x10240x16xbf16, #tpu.memory_space<hbm>>, %arg7: memref<40x128xi32, #tpu.memory_space<vmem>>, %arg8: memref<40x128xi32, #tpu.memory_space<vmem>>, %arg9: memref<128x16xbf16, #tpu.memory_space<vmem>>, %arg10: memref<128x16xbf16, #tpu.memory_space<vmem>>, %arg11: memref<128x16xbf16, #tpu.memory_space<vmem>>, %arg12: memref<128x16xbf16, #tpu.memory_space<vmem>>, %arg13: memref<10240x16xbf16, #tpu.memory_space<vmem_shared>>, %arg14: memref<10240x16xbf16, #tpu.memory_space<vmem_shared>>, %arg15: memref<!tpu.dma_semaphore, #tpu.memory_space<semaphore_mem>>, %arg16: memref<!tpu.dma_semaphore, #tpu.memory_space<semaphore_mem>>, %arg17: memref<!tpu.dma_semaphore, #tpu.memory_space<semaphore_mem>>, %arg18: memref<!tpu.dma_semaphore, #tpu.memory_space<semaphore_mem>>, %arg19: memref<!tpu.dma_semaphore, #tpu.memory_space<semaphore_mem>>, %arg20: memref<!tpu.dma_semaphore, #tpu.memory_space<semaphore_mem>>, %arg21: memref<!tpu.dma_semaphore, #tpu.memory_space<semaphore_mem>>, %arg22: memref<!tpu.dma_semaphore, #tpu.memory_space<semaphore_mem>>) attributes {dimension_semantics = [#tpu.dimension_semantics<core_parallel>, #tpu.dimension_semantics<subcore_parallel>], iteration_bounds = array<i64: 2, 16>, scalar_prefetch = 0 : i64, scratch_operands = 16 : i64, tpu.core_type = #tpu.core_type<sc_vector_subcore>, window_params = [{transform_indices = #map}, {transform_indices = #map}, {transform_indices = #map}, {transform_indices = #map}, {transform_indices = #map1}]} {
    %mul3A = arith.constant 2 : i32
    %mul3A_0 = arith.muli %arg1, %mul3A : i32
    %add3A = arith.addi %mul3A_0, %arg0 : i32
    %mul3A_1 = arith.constant 640 : i32
    %mul3A_2 = arith.muli %arg1, %mul3A_1 : i32
    %lt3A = arith.constant 15 : i32
    %lt3A_3 = arith.cmpi slt, %arg1, %lt3A : i32
    %convert_element_type3A = arith.extui %lt3A_3 : i1 to i32
    %cond3A = arith.constant 0 : i32
    %cond3A_4 = arith.cmpi ne, %convert_element_type3A, %cond3A : i32
    scf.if %cond3A_4 {
      "tpu.region"() ({
        %run_scoped3A = tpu.sem_alloc : memref<!tpu.dma_semaphore, #tpu.memory_space<semaphore_mem>>
        %dma_start3A_171 = arith.constant 0 : i32
        %dma_start3A_172 = tpu.memref_slice %arg13[%mul3A_2, %dma_start3A_171] : memref<10240x16xbf16, #tpu.memory_space<vmem_shared>> -> memref<640x16xbf16, #tpu.memory_space<vmem_shared>>
        %dma_start3A_173 = arith.constant 0 : i32
        %dma_start3A_174 = tpu.memref_slice %arg4[%mul3A_2, %dma_start3A_173] : memref<10000x16xbf16, #tpu.memory_space<hbm>> -> memref<640x16xbf16, #tpu.memory_space<hbm>>
        tpu.enqueue_dma source(%dma_start3A_174 : memref<640x16xbf16, #tpu.memory_space<hbm>>) target(%dma_start3A_172 : memref<640x16xbf16, #tpu.memory_space<vmem_shared>>) target_semaphore(%run_scoped3A : memref<!tpu.dma_semaphore, #tpu.memory_space<semaphore_mem>>)
        %dma_wait3A_175 = arith.constant 0 : i32
        %dma_wait3A_176 = tpu.memref_slice %arg13[%mul3A_2, %dma_wait3A_175] : memref<10240x16xbf16, #tpu.memory_space<vmem_shared>> -> memref<640x16xbf16, #tpu.memory_space<vmem_shared>>
        %dma_wait3A_177 = arith.constant 0 : i32
        %dma_wait3A_178 = tpu.memref_slice %arg4[%mul3A_2, %dma_wait3A_177] : memref<10000x16xbf16, #tpu.memory_space<hbm>> -> memref<640x16xbf16, #tpu.memory_space<hbm>>
        tpu.wait_dma2 semaphore(%run_scoped3A : memref<!tpu.dma_semaphore, #tpu.memory_space<semaphore_mem>>) src(%dma_wait3A_178 : memref<640x16xbf16, #tpu.memory_space<hbm>>) dst(%dma_wait3A_176 : memref<640x16xbf16, #tpu.memory_space<vmem_shared>>)
        tpu.yield
      }) : () -> ()
    } else {
    }
    %eq3A = arith.constant 15 : i32
    %eq3A_5 = arith.cmpi eq, %arg1, %eq3A : i32
    %convert_element_type3A_6 = arith.extui %eq3A_5 : i1 to i32
    %cond3A_7 = arith.constant 0 : i32
    %cond3A_8 = arith.cmpi ne, %convert_element_type3A_6, %cond3A_7 : i32
    scf.if %cond3A_8 {
      "tpu.region"() ({
        %run_scoped3A = tpu.sem_alloc : memref<!tpu.dma_semaphore, #tpu.memory_space<semaphore_mem>>
        %dma_start3A_171 = arith.constant 9600 : i32
        %dma_start3A_172 = arith.constant 0 : i32
        %dma_start3A_173 = tpu.memref_slice %arg13[%dma_start3A_171, %dma_start3A_172] : memref<10240x16xbf16, #tpu.memory_space<vmem_shared>> -> memref<400x16xbf16, #tpu.memory_space<vmem_shared>>
        %dma_start3A_174 = arith.constant 9600 : i32
        %dma_start3A_175 = arith.constant 0 : i32
        %dma_start3A_176 = tpu.memref_slice %arg4[%dma_start3A_174, %dma_start3A_175] : memref<10000x16xbf16, #tpu.memory_space<hbm>> -> memref<400x16xbf16, #tpu.memory_space<hbm>>
        tpu.enqueue_dma source(%dma_start3A_176 : memref<400x16xbf16, #tpu.memory_space<hbm>>) target(%dma_start3A_173 : memref<400x16xbf16, #tpu.memory_space<vmem_shared>>) target_semaphore(%run_scoped3A : memref<!tpu.dma_semaphore, #tpu.memory_space<semaphore_mem>>)
        %dma_wait3A_177 = arith.constant 9600 : i32
        %dma_wait3A_178 = arith.constant 0 : i32
        %dma_wait3A_179 = tpu.memref_slice %arg13[%dma_wait3A_177, %dma_wait3A_178] : memref<10240x16xbf16, #tpu.memory_space<vmem_shared>> -> memref<400x16xbf16, #tpu.memory_space<vmem_shared>>
        %dma_wait3A_180 = arith.constant 9600 : i32
        %dma_wait3A_181 = arith.constant 0 : i32
        %dma_wait3A_182 = tpu.memref_slice %arg4[%dma_wait3A_180, %dma_wait3A_181] : memref<10000x16xbf16, #tpu.memory_space<hbm>> -> memref<400x16xbf16, #tpu.memory_space<hbm>>
        tpu.wait_dma2 semaphore(%run_scoped3A : memref<!tpu.dma_semaphore, #tpu.memory_space<semaphore_mem>>) src(%dma_wait3A_182 : memref<400x16xbf16, #tpu.memory_space<hbm>>) dst(%dma_wait3A_179 : memref<400x16xbf16, #tpu.memory_space<vmem_shared>>)
        tpu.yield
      }) : () -> ()
    } else {
    }
    "tpu.region"() ({
      %run_scoped3A = tpu.sem_alloc : memref<!tpu.dma_semaphore, #tpu.memory_space<semaphore_mem>>
      %dma_start3A_171 = arith.constant 0 : i32
      %dma_start3A_172 = tpu.memref_slice %arg14[%mul3A_2, %dma_start3A_171] : memref<10240x16xbf16, #tpu.memory_space<vmem_shared>> -> memref<640x16xbf16, #tpu.memory_space<vmem_shared>>
      tpu.enqueue_dma source(%arg5 : memref<640x16xbf16, #tpu.memory_space<hbm>>) target(%dma_start3A_172 : memref<640x16xbf16, #tpu.memory_space<vmem_shared>>) target_semaphore(%run_scoped3A : memref<!tpu.dma_semaphore, #tpu.memory_space<semaphore_mem>>)
      %dma_wait3A_173 = arith.constant 0 : i32
      %dma_wait3A_174 = tpu.memref_slice %arg14[%mul3A_2, %dma_wait3A_173] : memref<10240x16xbf16, #tpu.memory_space<vmem_shared>> -> memref<640x16xbf16, #tpu.memory_space<vmem_shared>>
      tpu.wait_dma2 semaphore(%run_scoped3A : memref<!tpu.dma_semaphore, #tpu.memory_space<semaphore_mem>>) src(%arg5 : memref<640x16xbf16, #tpu.memory_space<hbm>>) dst(%dma_wait3A_174 : memref<640x16xbf16, #tpu.memory_space<vmem_shared>>)
      tpu.yield
    }) : () -> ()
    %mul3A_9 = arith.constant 40 : i32
    %mul3A_10 = arith.muli %add3A, %mul3A_9 : i32
    "tpu.region"() ({
      %run_scoped3A = tpu.sem_alloc : memref<!tpu.dma_semaphore, #tpu.memory_space<semaphore_mem>>
      %dma_start3A_171 = arith.constant 0 : i32
      %dma_start3A_172 = tpu.memref_slice %arg2[%mul3A_10, %dma_start3A_171] : memref<1280x128xi32, #tpu.memory_space<hbm>> -> memref<40x128xi32, #tpu.memory_space<hbm>>
      %dma_start3A_173 = arith.constant 0 : i32
      %dma_start3A_174 = tpu.memref_slice %arg2[%mul3A_10, %dma_start3A_173] : memref<1280x128xi32, #tpu.memory_space<hbm>> -> memref<40x128xi32, #tpu.memory_space<hbm>>
      tpu.enqueue_dma source(%dma_start3A_174 : memref<40x128xi32, #tpu.memory_space<hbm>>) target(%arg7 : memref<40x128xi32, #tpu.memory_space<vmem>>) target_semaphore(%run_scoped3A : memref<!tpu.dma_semaphore, #tpu.memory_space<semaphore_mem>>)
      %dma_wait3A_175 = arith.constant 0 : i32
      %dma_wait3A_176 = tpu.memref_slice %arg2[%mul3A_10, %dma_wait3A_175] : memref<1280x128xi32, #tpu.memory_space<hbm>> -> memref<40x128xi32, #tpu.memory_space<hbm>>
      %dma_wait3A_177 = arith.constant 0 : i32
      %dma_wait3A_178 = tpu.memref_slice %arg2[%mul3A_10, %dma_wait3A_177] : memref<1280x128xi32, #tpu.memory_space<hbm>> -> memref<40x128xi32, #tpu.memory_space<hbm>>
      tpu.wait_dma2 semaphore(%run_scoped3A : memref<!tpu.dma_semaphore, #tpu.memory_space<semaphore_mem>>) src(%dma_wait3A_178 : memref<40x128xi32, #tpu.memory_space<hbm>>) dst(%arg7 : memref<40x128xi32, #tpu.memory_space<vmem>>)
      tpu.yield
    }) : () -> ()
    %mul3A_11 = arith.constant 40 : i32
    %mul3A_12 = arith.muli %add3A, %mul3A_11 : i32
    "tpu.region"() ({
      %run_scoped3A = tpu.sem_alloc : memref<!tpu.dma_semaphore, #tpu.memory_space<semaphore_mem>>
      %dma_start3A_171 = arith.constant 0 : i32
      %dma_start3A_172 = tpu.memref_slice %arg3[%mul3A_12, %dma_start3A_171] : memref<1280x128xi32, #tpu.memory_space<hbm>> -> memref<40x128xi32, #tpu.memory_space<hbm>>
      %dma_start3A_173 = arith.constant 0 : i32
      %dma_start3A_174 = tpu.memref_slice %arg3[%mul3A_12, %dma_start3A_173] : memref<1280x128xi32, #tpu.memory_space<hbm>> -> memref<40x128xi32, #tpu.memory_space<hbm>>
      tpu.enqueue_dma source(%dma_start3A_174 : memref<40x128xi32, #tpu.memory_space<hbm>>) target(%arg8 : memref<40x128xi32, #tpu.memory_space<vmem>>) target_semaphore(%run_scoped3A : memref<!tpu.dma_semaphore, #tpu.memory_space<semaphore_mem>>)
      %dma_wait3A_175 = arith.constant 0 : i32
      %dma_wait3A_176 = tpu.memref_slice %arg3[%mul3A_12, %dma_wait3A_175] : memref<1280x128xi32, #tpu.memory_space<hbm>> -> memref<40x128xi32, #tpu.memory_space<hbm>>
      %dma_wait3A_177 = arith.constant 0 : i32
      %dma_wait3A_178 = tpu.memref_slice %arg3[%mul3A_12, %dma_wait3A_177] : memref<1280x128xi32, #tpu.memory_space<hbm>> -> memref<40x128xi32, #tpu.memory_space<hbm>>
      tpu.wait_dma2 semaphore(%run_scoped3A : memref<!tpu.dma_semaphore, #tpu.memory_space<semaphore_mem>>) src(%dma_wait3A_178 : memref<40x128xi32, #tpu.memory_space<hbm>>) dst(%arg8 : memref<40x128xi32, #tpu.memory_space<vmem>>)
      tpu.yield
    }) : () -> ()
    %barrier3A = arith.constant 0 : index
    tpu.barrier barrier_id(%barrier3A)
    %dma_start3A = arith.constant 0 : i32
    %dma_start3A_13 = arith.constant 0 : i32
    %dma_start3A_14 = tpu.memref_slice %arg7[%dma_start3A, %dma_start3A_13] : memref<40x128xi32, #tpu.memory_space<vmem>> -> memref<1x128xi32, #tpu.memory_space<vmem>>
    %dma_start3A_15 = tpu.memref_squeeze %dma_start3A_14 : memref<1x128xi32, #tpu.memory_space<vmem>> -> memref<128xi32, #tpu.memory_space<vmem>>
    %dma_start3A_16 = arith.constant 0 : i32
    %dma_start3A_17 = arith.constant 0 : i32
    %dma_start3A_18 = tpu.memref_slice %arg13[%dma_start3A_16, %dma_start3A_17] : memref<10240x16xbf16, #tpu.memory_space<vmem_shared>> -> memref<10240x16xbf16, #tpu.memory_space<vmem_shared>>
    tpu.enqueue_indirect_dma source(%dma_start3A_18 : memref<10240x16xbf16, #tpu.memory_space<vmem_shared>>) target(%arg9 : memref<128x16xbf16, #tpu.memory_space<vmem>>) offsets(%dma_start3A_15 : memref<128xi32, #tpu.memory_space<vmem>>) semaphore(%arg15 : memref<!tpu.dma_semaphore, #tpu.memory_space<semaphore_mem>>)
    %dma_start3A_19 = arith.constant 1 : i32
    %dma_start3A_20 = arith.constant 0 : i32
    %dma_start3A_21 = tpu.memref_slice %arg7[%dma_start3A_19, %dma_start3A_20] : memref<40x128xi32, #tpu.memory_space<vmem>> -> memref<1x128xi32, #tpu.memory_space<vmem>>
    %dma_start3A_22 = tpu.memref_squeeze %dma_start3A_21 : memref<1x128xi32, #tpu.memory_space<vmem>> -> memref<128xi32, #tpu.memory_space<vmem>>
    %dma_start3A_23 = arith.constant 0 : i32
    %dma_start3A_24 = arith.constant 0 : i32
    %dma_start3A_25 = tpu.memref_slice %arg13[%dma_start3A_23, %dma_start3A_24] : memref<10240x16xbf16, #tpu.memory_space<vmem_shared>> -> memref<10240x16xbf16, #tpu.memory_space<vmem_shared>>
    tpu.enqueue_indirect_dma source(%dma_start3A_25 : memref<10240x16xbf16, #tpu.memory_space<vmem_shared>>) target(%arg10 : memref<128x16xbf16, #tpu.memory_space<vmem>>) offsets(%dma_start3A_22 : memref<128xi32, #tpu.memory_space<vmem>>) semaphore(%arg16 : memref<!tpu.dma_semaphore, #tpu.memory_space<semaphore_mem>>)
    %dma_start3A_26 = arith.constant 2 : i32
    %dma_start3A_27 = arith.constant 0 : i32
    %dma_start3A_28 = tpu.memref_slice %arg7[%dma_start3A_26, %dma_start3A_27] : memref<40x128xi32, #tpu.memory_space<vmem>> -> memref<1x128xi32, #tpu.memory_space<vmem>>
    %dma_start3A_29 = tpu.memref_squeeze %dma_start3A_28 : memref<1x128xi32, #tpu.memory_space<vmem>> -> memref<128xi32, #tpu.memory_space<vmem>>
    %dma_start3A_30 = arith.constant 0 : i32
    %dma_start3A_31 = arith.constant 0 : i32
    %dma_start3A_32 = tpu.memref_slice %arg13[%dma_start3A_30, %dma_start3A_31] : memref<10240x16xbf16, #tpu.memory_space<vmem_shared>> -> memref<10240x16xbf16, #tpu.memory_space<vmem_shared>>
    tpu.enqueue_indirect_dma source(%dma_start3A_32 : memref<10240x16xbf16, #tpu.memory_space<vmem_shared>>) target(%arg11 : memref<128x16xbf16, #tpu.memory_space<vmem>>) offsets(%dma_start3A_29 : memref<128xi32, #tpu.memory_space<vmem>>) semaphore(%arg17 : memref<!tpu.dma_semaphore, #tpu.memory_space<semaphore_mem>>)
    %dma_wait3A = arith.constant 0 : i32
    %dma_wait3A_33 = arith.constant 0 : i32
    %dma_wait3A_34 = tpu.memref_slice %arg7[%dma_wait3A, %dma_wait3A_33] : memref<40x128xi32, #tpu.memory_space<vmem>> -> memref<1x128xi32, #tpu.memory_space<vmem>>
    %dma_wait3A_35 = tpu.memref_squeeze %dma_wait3A_34 : memref<1x128xi32, #tpu.memory_space<vmem>> -> memref<128xi32, #tpu.memory_space<vmem>>
    %dma_wait3A_36 = arith.constant 0 : i32
    %dma_wait3A_37 = arith.constant 0 : i32
    %dma_wait3A_38 = tpu.memref_slice %arg13[%dma_wait3A_36, %dma_wait3A_37] : memref<10240x16xbf16, #tpu.memory_space<vmem_shared>> -> memref<10240x16xbf16, #tpu.memory_space<vmem_shared>>
    tpu.wait_indirect_dma semaphore(%arg15 : memref<!tpu.dma_semaphore, #tpu.memory_space<semaphore_mem>>) src(%dma_wait3A_38 : memref<10240x16xbf16, #tpu.memory_space<vmem_shared>>) dst(%arg9 : memref<128x16xbf16, #tpu.memory_space<vmem>>)
    %dma_start3A_39 = arith.constant 3 : i32
    %dma_start3A_40 = arith.constant 0 : i32
    %dma_start3A_41 = tpu.memref_slice %arg7[%dma_start3A_39, %dma_start3A_40] : memref<40x128xi32, #tpu.memory_space<vmem>> -> memref<1x128xi32, #tpu.memory_space<vmem>>
    %dma_start3A_42 = tpu.memref_squeeze %dma_start3A_41 : memref<1x128xi32, #tpu.memory_space<vmem>> -> memref<128xi32, #tpu.memory_space<vmem>>
    %dma_start3A_43 = arith.constant 0 : i32
    %dma_start3A_44 = arith.constant 0 : i32
    %dma_start3A_45 = tpu.memref_slice %arg13[%dma_start3A_43, %dma_start3A_44] : memref<10240x16xbf16, #tpu.memory_space<vmem_shared>> -> memref<10240x16xbf16, #tpu.memory_space<vmem_shared>>
    tpu.enqueue_indirect_dma source(%dma_start3A_45 : memref<10240x16xbf16, #tpu.memory_space<vmem_shared>>) target(%arg12 : memref<128x16xbf16, #tpu.memory_space<vmem>>) offsets(%dma_start3A_42 : memref<128xi32, #tpu.memory_space<vmem>>) semaphore(%arg18 : memref<!tpu.dma_semaphore, #tpu.memory_space<semaphore_mem>>)
    %dma_start3A_46 = arith.constant 0 : i32
    %dma_start3A_47 = arith.constant 0 : i32
    %dma_start3A_48 = tpu.memref_slice %arg8[%dma_start3A_46, %dma_start3A_47] : memref<40x128xi32, #tpu.memory_space<vmem>> -> memref<1x128xi32, #tpu.memory_space<vmem>>
    %dma_start3A_49 = tpu.memref_squeeze %dma_start3A_48 : memref<1x128xi32, #tpu.memory_space<vmem>> -> memref<128xi32, #tpu.memory_space<vmem>>
    %dma_start3A_50 = arith.constant 0 : i32
    %dma_start3A_51 = arith.constant 0 : i32
    %dma_start3A_52 = tpu.memref_slice %arg14[%dma_start3A_50, %dma_start3A_51] : memref<10240x16xbf16, #tpu.memory_space<vmem_shared>> -> memref<10240x16xbf16, #tpu.memory_space<vmem_shared>>
    tpu.enqueue_indirect_dma source(%arg9 : memref<128x16xbf16, #tpu.memory_space<vmem>>) target(%dma_start3A_52 : memref<10240x16xbf16, #tpu.memory_space<vmem_shared>>) offsets(%dma_start3A_49 : memref<128xi32, #tpu.memory_space<vmem>>) semaphore(%arg19 : memref<!tpu.dma_semaphore, #tpu.memory_space<semaphore_mem>>) {add = true}
    %dma_wait3A_53 = arith.constant 0 : i32
    %dma_wait3A_54 = arith.constant 0 : i32
    %dma_wait3A_55 = tpu.memref_slice %arg7[%dma_wait3A_53, %dma_wait3A_54] : memref<40x128xi32, #tpu.memory_space<vmem>> -> memref<1x128xi32, #tpu.memory_space<vmem>>
    %dma_wait3A_56 = tpu.memref_squeeze %dma_wait3A_55 : memref<1x128xi32, #tpu.memory_space<vmem>> -> memref<128xi32, #tpu.memory_space<vmem>>
    %dma_wait3A_57 = arith.constant 0 : i32
    %dma_wait3A_58 = arith.constant 0 : i32
    %dma_wait3A_59 = tpu.memref_slice %arg13[%dma_wait3A_57, %dma_wait3A_58] : memref<10240x16xbf16, #tpu.memory_space<vmem_shared>> -> memref<10240x16xbf16, #tpu.memory_space<vmem_shared>>
    tpu.wait_indirect_dma semaphore(%arg16 : memref<!tpu.dma_semaphore, #tpu.memory_space<semaphore_mem>>) src(%dma_wait3A_59 : memref<10240x16xbf16, #tpu.memory_space<vmem_shared>>) dst(%arg10 : memref<128x16xbf16, #tpu.memory_space<vmem>>)
    %dma_wait3A_60 = arith.constant 0 : i32
    %dma_wait3A_61 = arith.constant 0 : i32
    %dma_wait3A_62 = tpu.memref_slice %arg8[%dma_wait3A_60, %dma_wait3A_61] : memref<40x128xi32, #tpu.memory_space<vmem>> -> memref<1x128xi32, #tpu.memory_space<vmem>>
    %dma_wait3A_63 = tpu.memref_squeeze %dma_wait3A_62 : memref<1x128xi32, #tpu.memory_space<vmem>> -> memref<128xi32, #tpu.memory_space<vmem>>
    %dma_wait3A_64 = arith.constant 0 : i32
    %dma_wait3A_65 = arith.constant 0 : i32
    %dma_wait3A_66 = tpu.memref_slice %arg14[%dma_wait3A_64, %dma_wait3A_65] : memref<10240x16xbf16, #tpu.memory_space<vmem_shared>> -> memref<10240x16xbf16, #tpu.memory_space<vmem_shared>>
    tpu.wait_indirect_dma semaphore(%arg19 : memref<!tpu.dma_semaphore, #tpu.memory_space<semaphore_mem>>) src(%arg9 : memref<128x16xbf16, #tpu.memory_space<vmem>>) dst(%dma_wait3A_66 : memref<10240x16xbf16, #tpu.memory_space<vmem_shared>>)
    %dma_start3A_67 = arith.constant 4 : i32
    %dma_start3A_68 = arith.constant 0 : i32
    %dma_start3A_69 = tpu.memref_slice %arg7[%dma_start3A_67, %dma_start3A_68] : memref<40x128xi32, #tpu.memory_space<vmem>> -> memref<1x128xi32, #tpu.memory_space<vmem>>
    %dma_start3A_70 = tpu.memref_squeeze %dma_start3A_69 : memref<1x128xi32, #tpu.memory_space<vmem>> -> memref<128xi32, #tpu.memory_space<vmem>>
    %dma_start3A_71 = arith.constant 0 : i32
    %dma_start3A_72 = arith.constant 0 : i32
    %dma_start3A_73 = tpu.memref_slice %arg13[%dma_start3A_71, %dma_start3A_72] : memref<10240x16xbf16, #tpu.memory_space<vmem_shared>> -> memref<10240x16xbf16, #tpu.memory_space<vmem_shared>>
    tpu.enqueue_indirect_dma source(%dma_start3A_73 : memref<10240x16xbf16, #tpu.memory_space<vmem_shared>>) target(%arg9 : memref<128x16xbf16, #tpu.memory_space<vmem>>) offsets(%dma_start3A_70 : memref<128xi32, #tpu.memory_space<vmem>>) semaphore(%arg15 : memref<!tpu.dma_semaphore, #tpu.memory_space<semaphore_mem>>)
    %dma_start3A_74 = arith.constant 1 : i32
    %dma_start3A_75 = arith.constant 0 : i32
    %dma_start3A_76 = tpu.memref_slice %arg8[%dma_start3A_74, %dma_start3A_75] : memref<40x128xi32, #tpu.memory_space<vmem>> -> memref<1x128xi32, #tpu.memory_space<vmem>>
    %dma_start3A_77 = tpu.memref_squeeze %dma_start3A_76 : memref<1x128xi32, #tpu.memory_space<vmem>> -> memref<128xi32, #tpu.memory_space<vmem>>
    %dma_start3A_78 = arith.constant 0 : i32
    %dma_start3A_79 = arith.constant 0 : i32
    %dma_start3A_80 = tpu.memref_slice %arg14[%dma_start3A_78, %dma_start3A_79] : memref<10240x16xbf16, #tpu.memory_space<vmem_shared>> -> memref<10240x16xbf16, #tpu.memory_space<vmem_shared>>
    tpu.enqueue_indirect_dma source(%arg10 : memref<128x16xbf16, #tpu.memory_space<vmem>>) target(%dma_start3A_80 : memref<10240x16xbf16, #tpu.memory_space<vmem_shared>>) offsets(%dma_start3A_77 : memref<128xi32, #tpu.memory_space<vmem>>) semaphore(%arg20 : memref<!tpu.dma_semaphore, #tpu.memory_space<semaphore_mem>>) {add = true}
    %dma_wait3A_81 = arith.constant 0 : i32
    %dma_wait3A_82 = arith.constant 0 : i32
    %dma_wait3A_83 = tpu.memref_slice %arg7[%dma_wait3A_81, %dma_wait3A_82] : memref<40x128xi32, #tpu.memory_space<vmem>> -> memref<1x128xi32, #tpu.memory_space<vmem>>
    %dma_wait3A_84 = tpu.memref_squeeze %dma_wait3A_83 : memref<1x128xi32, #tpu.memory_space<vmem>> -> memref<128xi32, #tpu.memory_space<vmem>>
    %dma_wait3A_85 = arith.constant 0 : i32
    %dma_wait3A_86 = arith.constant 0 : i32
    %dma_wait3A_87 = tpu.memref_slice %arg13[%dma_wait3A_85, %dma_wait3A_86] : memref<10240x16xbf16, #tpu.memory_space<vmem_shared>> -> memref<10240x16xbf16, #tpu.memory_space<vmem_shared>>
    tpu.wait_indirect_dma semaphore(%arg17 : memref<!tpu.dma_semaphore, #tpu.memory_space<semaphore_mem>>) src(%dma_wait3A_87 : memref<10240x16xbf16, #tpu.memory_space<vmem_shared>>) dst(%arg11 : memref<128x16xbf16, #tpu.memory_space<vmem>>)
    %dma_wait3A_88 = arith.constant 0 : i32
    %dma_wait3A_89 = arith.constant 0 : i32
    %dma_wait3A_90 = tpu.memref_slice %arg8[%dma_wait3A_88, %dma_wait3A_89] : memref<40x128xi32, #tpu.memory_space<vmem>> -> memref<1x128xi32, #tpu.memory_space<vmem>>
    %dma_wait3A_91 = tpu.memref_squeeze %dma_wait3A_90 : memref<1x128xi32, #tpu.memory_space<vmem>> -> memref<128xi32, #tpu.memory_space<vmem>>
    %dma_wait3A_92 = arith.constant 0 : i32
    %dma_wait3A_93 = arith.constant 0 : i32
    %dma_wait3A_94 = tpu.memref_slice %arg14[%dma_wait3A_92, %dma_wait3A_93] : memref<10240x16xbf16, #tpu.memory_space<vmem_shared>> -> memref<10240x16xbf16, #tpu.memory_space<vmem_shared>>
    tpu.wait_indirect_dma semaphore(%arg20 : memref<!tpu.dma_semaphore, #tpu.memory_space<semaphore_mem>>) src(%arg10 : memref<128x16xbf16, #tpu.memory_space<vmem>>) dst(%dma_wait3A_94 : memref<10240x16xbf16, #tpu.memory_space<vmem_shared>>)
    %dma_start3A_95 = arith.constant 5 : i32
    %dma_start3A_96 = arith.constant 0 : i32
    %dma_start3A_97 = tpu.memref_slice %arg7[%dma_start3A_95, %dma_start3A_96] : memref<40x128xi32, #tpu.memory_space<vmem>> -> memref<1x128xi32, #tpu.memory_space<vmem>>
    %dma_start3A_98 = tpu.memref_squeeze %dma_start3A_97 : memref<1x128xi32, #tpu.memory_space<vmem>> -> memref<128xi32, #tpu.memory_space<vmem>>
    %dma_start3A_99 = arith.constant 0 : i32
    %dma_start3A_100 = arith.constant 0 : i32
    %dma_start3A_101 = tpu.memref_slice %arg13[%dma_start3A_99, %dma_start3A_100] : memref<10240x16xbf16, #tpu.memory_space<vmem_shared>> -> memref<10240x16xbf16, #tpu.memory_space<vmem_shared>>
    tpu.enqueue_indirect_dma source(%dma_start3A_101 : memref<10240x16xbf16, #tpu.memory_space<vmem_shared>>) target(%arg10 : memref<128x16xbf16, #tpu.memory_space<vmem>>) offsets(%dma_start3A_98 : memref<128xi32, #tpu.memory_space<vmem>>) semaphore(%arg16 : memref<!tpu.dma_semaphore, #tpu.memory_space<semaphore_mem>>)
    %dma_start3A_102 = arith.constant 2 : i32
    %dma_start3A_103 = arith.constant 0 : i32
    %dma_start3A_104 = tpu.memref_slice %arg8[%dma_start3A_102, %dma_start3A_103] : memref<40x128xi32, #tpu.memory_space<vmem>> -> memref<1x128xi32, #tpu.memory_space<vmem>>
    %dma_start3A_105 = tpu.memref_squeeze %dma_start3A_104 : memref<1x128xi32, #tpu.memory_space<vmem>> -> memref<128xi32, #tpu.memory_space<vmem>>
    %dma_start3A_106 = arith.constant 0 : i32
    %dma_start3A_107 = arith.constant 0 : i32
    %dma_start3A_108 = tpu.memref_slice %arg14[%dma_start3A_106, %dma_start3A_107] : memref<10240x16xbf16, #tpu.memory_space<vmem_shared>> -> memref<10240x16xbf16, #tpu.memory_space<vmem_shared>>
    tpu.enqueue_indirect_dma source(%arg11 : memref<128x16xbf16, #tpu.memory_space<vmem>>) target(%dma_start3A_108 : memref<10240x16xbf16, #tpu.memory_space<vmem_shared>>) offsets(%dma_start3A_105 : memref<128xi32, #tpu.memory_space<vmem>>) semaphore(%arg21 : memref<!tpu.dma_semaphore, #tpu.memory_space<semaphore_mem>>) {add = true}
    %dma_wait3A_109 = arith.constant 0 : i32
    %dma_wait3A_110 = arith.constant 0 : i32
    %dma_wait3A_111 = tpu.memref_slice %arg7[%dma_wait3A_109, %dma_wait3A_110] : memref<40x128xi32, #tpu.memory_space<vmem>> -> memref<1x128xi32, #tpu.memory_space<vmem>>
    %dma_wait3A_112 = tpu.memref_squeeze %dma_wait3A_111 : memref<1x128xi32, #tpu.memory_space<vmem>> -> memref<128xi32, #tpu.memory_space<vmem>>
    %dma_wait3A_113 = arith.constant 0 : i32
    %dma_wait3A_114 = arith.constant 0 : i32
    %dma_wait3A_115 = tpu.memref_slice %arg13[%dma_wait3A_113, %dma_wait3A_114] : memref<10240x16xbf16, #tpu.memory_space<vmem_shared>> -> memref<10240x16xbf16, #tpu.memory_space<vmem_shared>>
    tpu.wait_indirect_dma semaphore(%arg18 : memref<!tpu.dma_semaphore, #tpu.memory_space<semaphore_mem>>) src(%dma_wait3A_115 : memref<10240x16xbf16, #tpu.memory_space<vmem_shared>>) dst(%arg12 : memref<128x16xbf16, #tpu.memory_space<vmem>>)
    %dma_wait3A_116 = arith.constant 0 : i32
    %dma_wait3A_117 = arith.constant 0 : i32
    %dma_wait3A_118 = tpu.memref_slice %arg8[%dma_wait3A_116, %dma_wait3A_117] : memref<40x128xi32, #tpu.memory_space<vmem>> -> memref<1x128xi32, #tpu.memory_space<vmem>>
    %dma_wait3A_119 = tpu.memref_squeeze %dma_wait3A_118 : memref<1x128xi32, #tpu.memory_space<vmem>> -> memref<128xi32, #tpu.memory_space<vmem>>
    %dma_wait3A_120 = arith.constant 0 : i32
    %dma_wait3A_121 = arith.constant 0 : i32
    %dma_wait3A_122 = tpu.memref_slice %arg14[%dma_wait3A_120, %dma_wait3A_121] : memref<10240x16xbf16, #tpu.memory_space<vmem_shared>> -> memref<10240x16xbf16, #tpu.memory_space<vmem_shared>>
    tpu.wait_indirect_dma semaphore(%arg21 : memref<!tpu.dma_semaphore, #tpu.memory_space<semaphore_mem>>) src(%arg11 : memref<128x16xbf16, #tpu.memory_space<vmem>>) dst(%dma_wait3A_122 : memref<10240x16xbf16, #tpu.memory_space<vmem_shared>>)
    %dma_start3A_123 = arith.constant 6 : i32
    %dma_start3A_124 = arith.constant 0 : i32
    %dma_start3A_125 = tpu.memref_slice %arg7[%dma_start3A_123, %dma_start3A_124] : memref<40x128xi32, #tpu.memory_space<vmem>> -> memref<1x128xi32, #tpu.memory_space<vmem>>
    %dma_start3A_126 = tpu.memref_squeeze %dma_start3A_125 : memref<1x128xi32, #tpu.memory_space<vmem>> -> memref<128xi32, #tpu.memory_space<vmem>>
    %dma_start3A_127 = arith.constant 0 : i32
    %dma_start3A_128 = arith.constant 0 : i32
    %dma_start3A_129 = tpu.memref_slice %arg13[%dma_start3A_127, %dma_start3A_128] : memref<10240x16xbf16, #tpu.memory_space<vmem_shared>> -> memref<10240x16xbf16, #tpu.memory_space<vmem_shared>>
    tpu.enqueue_indirect_dma source(%dma_start3A_129 : memref<10240x16xbf16, #tpu.memory_space<vmem_shared>>) target(%arg11 : memref<128x16xbf16, #tpu.memory_space<vmem>>) offsets(%dma_start3A_126 : memref<128xi32, #tpu.memory_space<vmem>>) semaphore(%arg17 : memref<!tpu.dma_semaphore, #tpu.memory_space<semaphore_mem>>)
    %dma_start3A_130 = arith.constant 3 : i32
    %dma_start3A_131 = arith.constant 0 : i32
    %dma_start3A_132 = tpu.memref_slice %arg8[%dma_start3A_130, %dma_start3A_131] : memref<40x128xi32, #tpu.memory_space<vmem>> -> memref<1x128xi32, #tpu.memory_space<vmem>>
    %dma_start3A_133 = tpu.memref_squeeze %dma_start3A_132 : memref<1x128xi32, #tpu.memory_space<vmem>> -> memref<128xi32, #tpu.memory_space<vmem>>
    %dma_start3A_134 = arith.constant 0 : i32
    %dma_start3A_135 = arith.constant 0 : i32
    %dma_start3A_136 = tpu.memref_slice %arg14[%dma_start3A_134, %dma_start3A_135] : memref<10240x16xbf16, #tpu.memory_space<vmem_shared>> -> memref<10240x16xbf16, #tpu.memory_space<vmem_shared>>
    tpu.enqueue_indirect_dma source(%arg12 : memref<128x16xbf16, #tpu.memory_space<vmem>>) target(%dma_start3A_136 : memref<10240x16xbf16, #tpu.memory_space<vmem_shared>>) offsets(%dma_start3A_133 : memref<128xi32, #tpu.memory_space<vmem>>) semaphore(%arg22 : memref<!tpu.dma_semaphore, #tpu.memory_space<semaphore_mem>>) {add = true}
    %scan3A = arith.constant 0 : i32
    %scan3A_137 = arith.constant 0 : i32
    %scan3A_138 = arith.constant 9 : i32
    %scan3A_139 = arith.addi %scan3A_137, %scan3A_138 : i32
    %scan3A_140 = arith.constant 1 : i32
    scf.for %scan3A_171 = %scan3A_137 to %scan3A_139 step %scan3A_140  : i32 {
      %mul3A_172 = arith.constant 4 : i32
      %mul3A_173 = arith.muli %mul3A_172, %scan3A_171 : i32
      %add3A_174 = arith.constant 4 : i32
      %add3A_175 = arith.addi %add3A_174, %mul3A_173 : i32
      %add3A_176 = arith.constant 0 : i32
      %add3A_177 = arith.addi %add3A_175, %add3A_176 : i32
      %dma_wait3A_178 = arith.constant 0 : i32
      %dma_wait3A_179 = arith.constant 0 : i32
      %dma_wait3A_180 = tpu.memref_slice %arg7[%dma_wait3A_178, %dma_wait3A_179] : memref<40x128xi32, #tpu.memory_space<vmem>> -> memref<1x128xi32, #tpu.memory_space<vmem>>
      %dma_wait3A_181 = tpu.memref_squeeze %dma_wait3A_180 : memref<1x128xi32, #tpu.memory_space<vmem>> -> memref<128xi32, #tpu.memory_space<vmem>>
      %dma_wait3A_182 = arith.constant 0 : i32
      %dma_wait3A_183 = arith.constant 0 : i32
      %dma_wait3A_184 = tpu.memref_slice %arg13[%dma_wait3A_182, %dma_wait3A_183] : memref<10240x16xbf16, #tpu.memory_space<vmem_shared>> -> memref<10240x16xbf16, #tpu.memory_space<vmem_shared>>
      tpu.wait_indirect_dma semaphore(%arg15 : memref<!tpu.dma_semaphore, #tpu.memory_space<semaphore_mem>>) src(%dma_wait3A_184 : memref<10240x16xbf16, #tpu.memory_space<vmem_shared>>) dst(%arg9 : memref<128x16xbf16, #tpu.memory_space<vmem>>)
      %dma_wait3A_185 = arith.constant 0 : i32
      %dma_wait3A_186 = arith.constant 0 : i32
      %dma_wait3A_187 = tpu.memref_slice %arg8[%dma_wait3A_185, %dma_wait3A_186] : memref<40x128xi32, #tpu.memory_space<vmem>> -> memref<1x128xi32, #tpu.memory_space<vmem>>
      %dma_wait3A_188 = tpu.memref_squeeze %dma_wait3A_187 : memref<1x128xi32, #tpu.memory_space<vmem>> -> memref<128xi32, #tpu.memory_space<vmem>>
      %dma_wait3A_189 = arith.constant 0 : i32
      %dma_wait3A_190 = arith.constant 0 : i32
      %dma_wait3A_191 = tpu.memref_slice %arg14[%dma_wait3A_189, %dma_wait3A_190] : memref<10240x16xbf16, #tpu.memory_space<vmem_shared>> -> memref<10240x16xbf16, #tpu.memory_space<vmem_shared>>
      tpu.wait_indirect_dma semaphore(%arg22 : memref<!tpu.dma_semaphore, #tpu.memory_space<semaphore_mem>>) src(%arg12 : memref<128x16xbf16, #tpu.memory_space<vmem>>) dst(%dma_wait3A_191 : memref<10240x16xbf16, #tpu.memory_space<vmem_shared>>)
      %add3A_192 = arith.constant 3 : i32
      %add3A_193 = arith.addi %add3A_177, %add3A_192 : i32
      %min3A = arith.constant 39 : i32
      %min3A_194 = arith.minsi %add3A_193, %min3A : i32
      %dma_start3A_195 = arith.constant 0 : i32
      %dma_start3A_196 = tpu.memref_slice %arg7[%min3A_194, %dma_start3A_195] : memref<40x128xi32, #tpu.memory_space<vmem>> -> memref<1x128xi32, #tpu.memory_space<vmem>>
      %dma_start3A_197 = tpu.memref_squeeze %dma_start3A_196 : memref<1x128xi32, #tpu.memory_space<vmem>> -> memref<128xi32, #tpu.memory_space<vmem>>
      %dma_start3A_198 = arith.constant 0 : i32
      %dma_start3A_199 = arith.constant 0 : i32
      %dma_start3A_200 = tpu.memref_slice %arg13[%dma_start3A_198, %dma_start3A_199] : memref<10240x16xbf16, #tpu.memory_space<vmem_shared>> -> memref<10240x16xbf16, #tpu.memory_space<vmem_shared>>
      tpu.enqueue_indirect_dma source(%dma_start3A_200 : memref<10240x16xbf16, #tpu.memory_space<vmem_shared>>) target(%arg12 : memref<128x16xbf16, #tpu.memory_space<vmem>>) offsets(%dma_start3A_197 : memref<128xi32, #tpu.memory_space<vmem>>) semaphore(%arg18 : memref<!tpu.dma_semaphore, #tpu.memory_space<semaphore_mem>>)
      %dma_start3A_201 = arith.constant 0 : i32
      %dma_start3A_202 = tpu.memref_slice %arg8[%add3A_177, %dma_start3A_201] : memref<40x128xi32, #tpu.memory_space<vmem>> -> memref<1x128xi32, #tpu.memory_space<vmem>>
      %dma_start3A_203 = tpu.memref_squeeze %dma_start3A_202 : memref<1x128xi32, #tpu.memory_space<vmem>> -> memref<128xi32, #tpu.memory_space<vmem>>
      %dma_start3A_204 = arith.constant 0 : i32
      %dma_start3A_205 = arith.constant 0 : i32
      %dma_start3A_206 = tpu.memref_slice %arg14[%dma_start3A_204, %dma_start3A_205] : memref<10240x16xbf16, #tpu.memory_space<vmem_shared>> -> memref<10240x16xbf16, #tpu.memory_space<vmem_shared>>
      tpu.enqueue_indirect_dma source(%arg9 : memref<128x16xbf16, #tpu.memory_space<vmem>>) target(%dma_start3A_206 : memref<10240x16xbf16, #tpu.memory_space<vmem_shared>>) offsets(%dma_start3A_203 : memref<128xi32, #tpu.memory_space<vmem>>) semaphore(%arg19 : memref<!tpu.dma_semaphore, #tpu.memory_space<semaphore_mem>>) {add = true}
      %mul3A_207 = arith.constant 4 : i32
      %mul3A_208 = arith.muli %mul3A_207, %scan3A_171 : i32
      %add3A_209 = arith.constant 4 : i32
      %add3A_210 = arith.addi %add3A_209, %mul3A_208 : i32
      %add3A_211 = arith.constant 1 : i32
      %add3A_212 = arith.addi %add3A_210, %add3A_211 : i32
      %dma_wait3A_213 = arith.constant 0 : i32
      %dma_wait3A_214 = arith.constant 0 : i32
      %dma_wait3A_215 = tpu.memref_slice %arg7[%dma_wait3A_213, %dma_wait3A_214] : memref<40x128xi32, #tpu.memory_space<vmem>> -> memref<1x128xi32, #tpu.memory_space<vmem>>
      %dma_wait3A_216 = tpu.memref_squeeze %dma_wait3A_215 : memref<1x128xi32, #tpu.memory_space<vmem>> -> memref<128xi32, #tpu.memory_space<vmem>>
      %dma_wait3A_217 = arith.constant 0 : i32
      %dma_wait3A_218 = arith.constant 0 : i32
      %dma_wait3A_219 = tpu.memref_slice %arg13[%dma_wait3A_217, %dma_wait3A_218] : memref<10240x16xbf16, #tpu.memory_space<vmem_shared>> -> memref<10240x16xbf16, #tpu.memory_space<vmem_shared>>
      tpu.wait_indirect_dma semaphore(%arg16 : memref<!tpu.dma_semaphore, #tpu.memory_space<semaphore_mem>>) src(%dma_wait3A_219 : memref<10240x16xbf16, #tpu.memory_space<vmem_shared>>) dst(%arg10 : memref<128x16xbf16, #tpu.memory_space<vmem>>)
      %dma_wait3A_220 = arith.constant 0 : i32
      %dma_wait3A_221 = arith.constant 0 : i32
      %dma_wait3A_222 = tpu.memref_slice %arg8[%dma_wait3A_220, %dma_wait3A_221] : memref<40x128xi32, #tpu.memory_space<vmem>> -> memref<1x128xi32, #tpu.memory_space<vmem>>
      %dma_wait3A_223 = tpu.memref_squeeze %dma_wait3A_222 : memref<1x128xi32, #tpu.memory_space<vmem>> -> memref<128xi32, #tpu.memory_space<vmem>>
      %dma_wait3A_224 = arith.constant 0 : i32
      %dma_wait3A_225 = arith.constant 0 : i32
      %dma_wait3A_226 = tpu.memref_slice %arg14[%dma_wait3A_224, %dma_wait3A_225] : memref<10240x16xbf16, #tpu.memory_space<vmem_shared>> -> memref<10240x16xbf16, #tpu.memory_space<vmem_shared>>
      tpu.wait_indirect_dma semaphore(%arg19 : memref<!tpu.dma_semaphore, #tpu.memory_space<semaphore_mem>>) src(%arg9 : memref<128x16xbf16, #tpu.memory_space<vmem>>) dst(%dma_wait3A_226 : memref<10240x16xbf16, #tpu.memory_space<vmem_shared>>)
      %add3A_227 = arith.constant 3 : i32
      %add3A_228 = arith.addi %add3A_212, %add3A_227 : i32
      %min3A_229 = arith.constant 39 : i32
      %min3A_230 = arith.minsi %add3A_228, %min3A_229 : i32
      %dma_start3A_231 = arith.constant 0 : i32
      %dma_start3A_232 = tpu.memref_slice %arg7[%min3A_230, %dma_start3A_231] : memref<40x128xi32, #tpu.memory_space<vmem>> -> memref<1x128xi32, #tpu.memory_space<vmem>>
      %dma_start3A_233 = tpu.memref_squeeze %dma_start3A_232 : memref<1x128xi32, #tpu.memory_space<vmem>> -> memref<128xi32, #tpu.memory_space<vmem>>
      %dma_start3A_234 = arith.constant 0 : i32
      %dma_start3A_235 = arith.constant 0 : i32
      %dma_start3A_236 = tpu.memref_slice %arg13[%dma_start3A_234, %dma_start3A_235] : memref<10240x16xbf16, #tpu.memory_space<vmem_shared>> -> memref<10240x16xbf16, #tpu.memory_space<vmem_shared>>
      tpu.enqueue_indirect_dma source(%dma_start3A_236 : memref<10240x16xbf16, #tpu.memory_space<vmem_shared>>) target(%arg9 : memref<128x16xbf16, #tpu.memory_space<vmem>>) offsets(%dma_start3A_233 : memref<128xi32, #tpu.memory_space<vmem>>) semaphore(%arg15 : memref<!tpu.dma_semaphore, #tpu.memory_space<semaphore_mem>>)
      %dma_start3A_237 = arith.constant 0 : i32
      %dma_start3A_238 = tpu.memref_slice %arg8[%add3A_212, %dma_start3A_237] : memref<40x128xi32, #tpu.memory_space<vmem>> -> memref<1x128xi32, #tpu.memory_space<vmem>>
      %dma_start3A_239 = tpu.memref_squeeze %dma_start3A_238 : memref<1x128xi32, #tpu.memory_space<vmem>> -> memref<128xi32, #tpu.memory_space<vmem>>
      %dma_start3A_240 = arith.constant 0 : i32
      %dma_start3A_241 = arith.constant 0 : i32
      %dma_start3A_242 = tpu.memref_slice %arg14[%dma_start3A_240, %dma_start3A_241] : memref<10240x16xbf16, #tpu.memory_space<vmem_shared>> -> memref<10240x16xbf16, #tpu.memory_space<vmem_shared>>
      tpu.enqueue_indirect_dma source(%arg10 : memref<128x16xbf16, #tpu.memory_space<vmem>>) target(%dma_start3A_242 : memref<10240x16xbf16, #tpu.memory_space<vmem_shared>>) offsets(%dma_start3A_239 : memref<128xi32, #tpu.memory_space<vmem>>) semaphore(%arg20 : memref<!tpu.dma_semaphore, #tpu.memory_space<semaphore_mem>>) {add = true}
      %mul3A_243 = arith.constant 4 : i32
      %mul3A_244 = arith.muli %mul3A_243, %scan3A_171 : i32
      %add3A_245 = arith.constant 4 : i32
      %add3A_246 = arith.addi %add3A_245, %mul3A_244 : i32
      %add3A_247 = arith.constant 2 : i32
      %add3A_248 = arith.addi %add3A_246, %add3A_247 : i32
      %dma_wait3A_249 = arith.constant 0 : i32
      %dma_wait3A_250 = arith.constant 0 : i32
      %dma_wait3A_251 = tpu.memref_slice %arg7[%dma_wait3A_249, %dma_wait3A_250] : memref<40x128xi32, #tpu.memory_space<vmem>> -> memref<1x128xi32, #tpu.memory_space<vmem>>
      %dma_wait3A_252 = tpu.memref_squeeze %dma_wait3A_251 : memref<1x128xi32, #tpu.memory_space<vmem>> -> memref<128xi32, #tpu.memory_space<vmem>>
      %dma_wait3A_253 = arith.constant 0 : i32
      %dma_wait3A_254 = arith.constant 0 : i32
      %dma_wait3A_255 = tpu.memref_slice %arg13[%dma_wait3A_253, %dma_wait3A_254] : memref<10240x16xbf16, #tpu.memory_space<vmem_shared>> -> memref<10240x16xbf16, #tpu.memory_space<vmem_shared>>
      tpu.wait_indirect_dma semaphore(%arg17 : memref<!tpu.dma_semaphore, #tpu.memory_space<semaphore_mem>>) src(%dma_wait3A_255 : memref<10240x16xbf16, #tpu.memory_space<vmem_shared>>) dst(%arg11 : memref<128x16xbf16, #tpu.memory_space<vmem>>)
      %dma_wait3A_256 = arith.constant 0 : i32
      %dma_wait3A_257 = arith.constant 0 : i32
      %dma_wait3A_258 = tpu.memref_slice %arg8[%dma_wait3A_256, %dma_wait3A_257] : memref<40x128xi32, #tpu.memory_space<vmem>> -> memref<1x128xi32, #tpu.memory_space<vmem>>
      %dma_wait3A_259 = tpu.memref_squeeze %dma_wait3A_258 : memref<1x128xi32, #tpu.memory_space<vmem>> -> memref<128xi32, #tpu.memory_space<vmem>>
      %dma_wait3A_260 = arith.constant 0 : i32
      %dma_wait3A_261 = arith.constant 0 : i32
      %dma_wait3A_262 = tpu.memref_slice %arg14[%dma_wait3A_260, %dma_wait3A_261] : memref<10240x16xbf16, #tpu.memory_space<vmem_shared>> -> memref<10240x16xbf16, #tpu.memory_space<vmem_shared>>
      tpu.wait_indirect_dma semaphore(%arg20 : memref<!tpu.dma_semaphore, #tpu.memory_space<semaphore_mem>>) src(%arg10 : memref<128x16xbf16, #tpu.memory_space<vmem>>) dst(%dma_wait3A_262 : memref<10240x16xbf16, #tpu.memory_space<vmem_shared>>)
      %add3A_263 = arith.constant 3 : i32
      %add3A_264 = arith.addi %add3A_248, %add3A_263 : i32
      %min3A_265 = arith.constant 39 : i32
      %min3A_266 = arith.minsi %add3A_264, %min3A_265 : i32
      %dma_start3A_267 = arith.constant 0 : i32
      %dma_start3A_268 = tpu.memref_slice %arg7[%min3A_266, %dma_start3A_267] : memref<40x128xi32, #tpu.memory_space<vmem>> -> memref<1x128xi32, #tpu.memory_space<vmem>>
      %dma_start3A_269 = tpu.memref_squeeze %dma_start3A_268 : memref<1x128xi32, #tpu.memory_space<vmem>> -> memref<128xi32, #tpu.memory_space<vmem>>
      %dma_start3A_270 = arith.constant 0 : i32
      %dma_start3A_271 = arith.constant 0 : i32
      %dma_start3A_272 = tpu.memref_slice %arg13[%dma_start3A_270, %dma_start3A_271] : memref<10240x16xbf16, #tpu.memory_space<vmem_shared>> -> memref<10240x16xbf16, #tpu.memory_space<vmem_shared>>
      tpu.enqueue_indirect_dma source(%dma_start3A_272 : memref<10240x16xbf16, #tpu.memory_space<vmem_shared>>) target(%arg10 : memref<128x16xbf16, #tpu.memory_space<vmem>>) offsets(%dma_start3A_269 : memref<128xi32, #tpu.memory_space<vmem>>) semaphore(%arg16 : memref<!tpu.dma_semaphore, #tpu.memory_space<semaphore_mem>>)
      %dma_start3A_273 = arith.constant 0 : i32
      %dma_start3A_274 = tpu.memref_slice %arg8[%add3A_248, %dma_start3A_273] : memref<40x128xi32, #tpu.memory_space<vmem>> -> memref<1x128xi32, #tpu.memory_space<vmem>>
      %dma_start3A_275 = tpu.memref_squeeze %dma_start3A_274 : memref<1x128xi32, #tpu.memory_space<vmem>> -> memref<128xi32, #tpu.memory_space<vmem>>
      %dma_start3A_276 = arith.constant 0 : i32
      %dma_start3A_277 = arith.constant 0 : i32
      %dma_start3A_278 = tpu.memref_slice %arg14[%dma_start3A_276, %dma_start3A_277] : memref<10240x16xbf16, #tpu.memory_space<vmem_shared>> -> memref<10240x16xbf16, #tpu.memory_space<vmem_shared>>
      tpu.enqueue_indirect_dma source(%arg11 : memref<128x16xbf16, #tpu.memory_space<vmem>>) target(%dma_start3A_278 : memref<10240x16xbf16, #tpu.memory_space<vmem_shared>>) offsets(%dma_start3A_275 : memref<128xi32, #tpu.memory_space<vmem>>) semaphore(%arg21 : memref<!tpu.dma_semaphore, #tpu.memory_space<semaphore_mem>>) {add = true}
      %mul3A_279 = arith.constant 4 : i32
      %mul3A_280 = arith.muli %mul3A_279, %scan3A_171 : i32
      %add3A_281 = arith.constant 4 : i32
      %add3A_282 = arith.addi %add3A_281, %mul3A_280 : i32
      %add3A_283 = arith.constant 3 : i32
      %add3A_284 = arith.addi %add3A_282, %add3A_283 : i32
      %dma_wait3A_285 = arith.constant 0 : i32
      %dma_wait3A_286 = arith.constant 0 : i32
      %dma_wait3A_287 = tpu.memref_slice %arg7[%dma_wait3A_285, %dma_wait3A_286] : memref<40x128xi32, #tpu.memory_space<vmem>> -> memref<1x128xi32, #tpu.memory_space<vmem>>
      %dma_wait3A_288 = tpu.memref_squeeze %dma_wait3A_287 : memref<1x128xi32, #tpu.memory_space<vmem>> -> memref<128xi32, #tpu.memory_space<vmem>>
      %dma_wait3A_289 = arith.constant 0 : i32
      %dma_wait3A_290 = arith.constant 0 : i32
      %dma_wait3A_291 = tpu.memref_slice %arg13[%dma_wait3A_289, %dma_wait3A_290] : memref<10240x16xbf16, #tpu.memory_space<vmem_shared>> -> memref<10240x16xbf16, #tpu.memory_space<vmem_shared>>
      tpu.wait_indirect_dma semaphore(%arg18 : memref<!tpu.dma_semaphore, #tpu.memory_space<semaphore_mem>>) src(%dma_wait3A_291 : memref<10240x16xbf16, #tpu.memory_space<vmem_shared>>) dst(%arg12 : memref<128x16xbf16, #tpu.memory_space<vmem>>)
      %dma_wait3A_292 = arith.constant 0 : i32
      %dma_wait3A_293 = arith.constant 0 : i32
      %dma_wait3A_294 = tpu.memref_slice %arg8[%dma_wait3A_292, %dma_wait3A_293] : memref<40x128xi32, #tpu.memory_space<vmem>> -> memref<1x128xi32, #tpu.memory_space<vmem>>
      %dma_wait3A_295 = tpu.memref_squeeze %dma_wait3A_294 : memref<1x128xi32, #tpu.memory_space<vmem>> -> memref<128xi32, #tpu.memory_space<vmem>>
      %dma_wait3A_296 = arith.constant 0 : i32
      %dma_wait3A_297 = arith.constant 0 : i32
      %dma_wait3A_298 = tpu.memref_slice %arg14[%dma_wait3A_296, %dma_wait3A_297] : memref<10240x16xbf16, #tpu.memory_space<vmem_shared>> -> memref<10240x16xbf16, #tpu.memory_space<vmem_shared>>
      tpu.wait_indirect_dma semaphore(%arg21 : memref<!tpu.dma_semaphore, #tpu.memory_space<semaphore_mem>>) src(%arg11 : memref<128x16xbf16, #tpu.memory_space<vmem>>) dst(%dma_wait3A_298 : memref<10240x16xbf16, #tpu.memory_space<vmem_shared>>)
      %add3A_299 = arith.constant 3 : i32
      %add3A_300 = arith.addi %add3A_284, %add3A_299 : i32
      %min3A_301 = arith.constant 39 : i32
      %min3A_302 = arith.minsi %add3A_300, %min3A_301 : i32
      %dma_start3A_303 = arith.constant 0 : i32
      %dma_start3A_304 = tpu.memref_slice %arg7[%min3A_302, %dma_start3A_303] : memref<40x128xi32, #tpu.memory_space<vmem>> -> memref<1x128xi32, #tpu.memory_space<vmem>>
      %dma_start3A_305 = tpu.memref_squeeze %dma_start3A_304 : memref<1x128xi32, #tpu.memory_space<vmem>> -> memref<128xi32, #tpu.memory_space<vmem>>
      %dma_start3A_306 = arith.constant 0 : i32
      %dma_start3A_307 = arith.constant 0 : i32
      %dma_start3A_308 = tpu.memref_slice %arg13[%dma_start3A_306, %dma_start3A_307] : memref<10240x16xbf16, #tpu.memory_space<vmem_shared>> -> memref<10240x16xbf16, #tpu.memory_space<vmem_shared>>
      tpu.enqueue_indirect_dma source(%dma_start3A_308 : memref<10240x16xbf16, #tpu.memory_space<vmem_shared>>) target(%arg11 : memref<128x16xbf16, #tpu.memory_space<vmem>>) offsets(%dma_start3A_305 : memref<128xi32, #tpu.memory_space<vmem>>) semaphore(%arg17 : memref<!tpu.dma_semaphore, #tpu.memory_space<semaphore_mem>>)
      %dma_start3A_309 = arith.constant 0 : i32
      %dma_start3A_310 = tpu.memref_slice %arg8[%add3A_284, %dma_start3A_309] : memref<40x128xi32, #tpu.memory_space<vmem>> -> memref<1x128xi32, #tpu.memory_space<vmem>>
      %dma_start3A_311 = tpu.memref_squeeze %dma_start3A_310 : memref<1x128xi32, #tpu.memory_space<vmem>> -> memref<128xi32, #tpu.memory_space<vmem>>
      %dma_start3A_312 = arith.constant 0 : i32
      %dma_start3A_313 = arith.constant 0 : i32
      %dma_start3A_314 = tpu.memref_slice %arg14[%dma_start3A_312, %dma_start3A_313] : memref<10240x16xbf16, #tpu.memory_space<vmem_shared>> -> memref<10240x16xbf16, #tpu.memory_space<vmem_shared>>
      tpu.enqueue_indirect_dma source(%arg12 : memref<128x16xbf16, #tpu.memory_space<vmem>>) target(%dma_start3A_314 : memref<10240x16xbf16, #tpu.memory_space<vmem_shared>>) offsets(%dma_start3A_311 : memref<128xi32, #tpu.memory_space<vmem>>) semaphore(%arg22 : memref<!tpu.dma_semaphore, #tpu.memory_space<semaphore_mem>>) {add = true}
    }
    %scan3A_141 = arith.constant 9 : i32
    %dma_wait3A_142 = arith.constant 0 : i32
    %dma_wait3A_143 = arith.constant 0 : i32
    %dma_wait3A_144 = tpu.memref_slice %arg8[%dma_wait3A_142, %dma_wait3A_143] : memref<40x128xi32, #tpu.memory_space<vmem>> -> memref<1x128xi32, #tpu.memory_space<vmem>>
    %dma_wait3A_145 = tpu.memref_squeeze %dma_wait3A_144 : memref<1x128xi32, #tpu.memory_space<vmem>> -> memref<128xi32, #tpu.memory_space<vmem>>
    %dma_wait3A_146 = arith.constant 0 : i32
    %dma_wait3A_147 = arith.constant 0 : i32
    %dma_wait3A_148 = tpu.memref_slice %arg14[%dma_wait3A_146, %dma_wait3A_147] : memref<10240x16xbf16, #tpu.memory_space<vmem_shared>> -> memref<10240x16xbf16, #tpu.memory_space<vmem_shared>>
    tpu.wait_indirect_dma semaphore(%arg22 : memref<!tpu.dma_semaphore, #tpu.memory_space<semaphore_mem>>) src(%arg12 : memref<128x16xbf16, #tpu.memory_space<vmem>>) dst(%dma_wait3A_148 : memref<10240x16xbf16, #tpu.memory_space<vmem_shared>>)
    %dma_wait3A_149 = arith.constant 0 : i32
    %dma_wait3A_150 = arith.constant 0 : i32
    %dma_wait3A_151 = tpu.memref_slice %arg7[%dma_wait3A_149, %dma_wait3A_150] : memref<40x128xi32, #tpu.memory_space<vmem>> -> memref<1x128xi32, #tpu.memory_space<vmem>>
    %dma_wait3A_152 = tpu.memref_squeeze %dma_wait3A_151 : memref<1x128xi32, #tpu.memory_space<vmem>> -> memref<128xi32, #tpu.memory_space<vmem>>
    %dma_wait3A_153 = arith.constant 0 : i32
    %dma_wait3A_154 = arith.constant 0 : i32
    %dma_wait3A_155 = tpu.memref_slice %arg13[%dma_wait3A_153, %dma_wait3A_154] : memref<10240x16xbf16, #tpu.memory_space<vmem_shared>> -> memref<10240x16xbf16, #tpu.memory_space<vmem_shared>>
    tpu.wait_indirect_dma semaphore(%arg15 : memref<!tpu.dma_semaphore, #tpu.memory_space<semaphore_mem>>) src(%dma_wait3A_155 : memref<10240x16xbf16, #tpu.memory_space<vmem_shared>>) dst(%arg9 : memref<128x16xbf16, #tpu.memory_space<vmem>>)
    %dma_wait3A_156 = arith.constant 0 : i32
    %dma_wait3A_157 = arith.constant 0 : i32
    %dma_wait3A_158 = tpu.memref_slice %arg7[%dma_wait3A_156, %dma_wait3A_157] : memref<40x128xi32, #tpu.memory_space<vmem>> -> memref<1x128xi32, #tpu.memory_space<vmem>>
    %dma_wait3A_159 = tpu.memref_squeeze %dma_wait3A_158 : memref<1x128xi32, #tpu.memory_space<vmem>> -> memref<128xi32, #tpu.memory_space<vmem>>
    %dma_wait3A_160 = arith.constant 0 : i32
    %dma_wait3A_161 = arith.constant 0 : i32
    %dma_wait3A_162 = tpu.memref_slice %arg13[%dma_wait3A_160, %dma_wait3A_161] : memref<10240x16xbf16, #tpu.memory_space<vmem_shared>> -> memref<10240x16xbf16, #tpu.memory_space<vmem_shared>>
    tpu.wait_indirect_dma semaphore(%arg16 : memref<!tpu.dma_semaphore, #tpu.memory_space<semaphore_mem>>) src(%dma_wait3A_162 : memref<10240x16xbf16, #tpu.memory_space<vmem_shared>>) dst(%arg10 : memref<128x16xbf16, #tpu.memory_space<vmem>>)
    %dma_wait3A_163 = arith.constant 0 : i32
    %dma_wait3A_164 = arith.constant 0 : i32
    %dma_wait3A_165 = tpu.memref_slice %arg7[%dma_wait3A_163, %dma_wait3A_164] : memref<40x128xi32, #tpu.memory_space<vmem>> -> memref<1x128xi32, #tpu.memory_space<vmem>>
    %dma_wait3A_166 = tpu.memref_squeeze %dma_wait3A_165 : memref<1x128xi32, #tpu.memory_space<vmem>> -> memref<128xi32, #tpu.memory_space<vmem>>
    %dma_wait3A_167 = arith.constant 0 : i32
    %dma_wait3A_168 = arith.constant 0 : i32
    %dma_wait3A_169 = tpu.memref_slice %arg13[%dma_wait3A_167, %dma_wait3A_168] : memref<10240x16xbf16, #tpu.memory_space<vmem_shared>> -> memref<10240x16xbf16, #tpu.memory_space<vmem_shared>>
    tpu.wait_indirect_dma semaphore(%arg17 : memref<!tpu.dma_semaphore, #tpu.memory_space<semaphore_mem>>) src(%dma_wait3A_169 : memref<10240x16xbf16, #tpu.memory_space<vmem_shared>>) dst(%arg11 : memref<128x16xbf16, #tpu.memory_space<vmem>>)
    %barrier3A_170 = arith.constant 0 : index
    tpu.barrier barrier_id(%barrier3A_170)
    "tpu.region"() ({
      %run_scoped3A = tpu.sem_alloc : memref<!tpu.dma_semaphore, #tpu.memory_space<semaphore_mem>>
      %dma_start3A_171 = arith.constant 0 : i32
      %dma_start3A_172 = tpu.memref_slice %arg6[%arg0, %mul3A_2, %dma_start3A_171] : memref<2x10240x16xbf16, #tpu.memory_space<hbm>> -> memref<1x640x16xbf16, #tpu.memory_space<hbm>>
      %dma_start3A_173 = tpu.memref_squeeze %dma_start3A_172 : memref<1x640x16xbf16, #tpu.memory_space<hbm>> -> memref<640x16xbf16, #tpu.memory_space<hbm>>
      %dma_start3A_174 = arith.constant 0 : i32
      %dma_start3A_175 = tpu.memref_slice %arg14[%mul3A_2, %dma_start3A_174] : memref<10240x16xbf16, #tpu.memory_space<vmem_shared>> -> memref<640x16xbf16, #tpu.memory_space<vmem_shared>>
      tpu.enqueue_dma source(%dma_start3A_175 : memref<640x16xbf16, #tpu.memory_space<vmem_shared>>) target(%dma_start3A_173 : memref<640x16xbf16, #tpu.memory_space<hbm>>) target_semaphore(%run_scoped3A : memref<!tpu.dma_semaphore, #tpu.memory_space<semaphore_mem>>)
      %dma_wait3A_176 = arith.constant 0 : i32
      %dma_wait3A_177 = tpu.memref_slice %arg6[%arg0, %mul3A_2, %dma_wait3A_176] : memref<2x10240x16xbf16, #tpu.memory_space<hbm>> -> memref<1x640x16xbf16, #tpu.memory_space<hbm>>
      %dma_wait3A_178 = tpu.memref_squeeze %dma_wait3A_177 : memref<1x640x16xbf16, #tpu.memory_space<hbm>> -> memref<640x16xbf16, #tpu.memory_space<hbm>>
      %dma_wait3A_179 = arith.constant 0 : i32
      %dma_wait3A_180 = tpu.memref_slice %arg14[%mul3A_2, %dma_wait3A_179] : memref<10240x16xbf16, #tpu.memory_space<vmem_shared>> -> memref<640x16xbf16, #tpu.memory_space<vmem_shared>>
      tpu.wait_dma2 semaphore(%run_scoped3A : memref<!tpu.dma_semaphore, #tpu.memory_space<semaphore_mem>>) src(%dma_wait3A_180 : memref<640x16xbf16, #tpu.memory_space<vmem_shared>>) dst(%dma_wait3A_178 : memref<640x16xbf16, #tpu.memory_space<hbm>>)
      tpu.yield
    }) : () -> ()
    return
  }
}

#map = affine_map<(d0, d1) -> (0, 0)>
#map1 = affine_map<(d0, d1) -> (0, 0, 0)>
module attributes {stable_mosaic.version = 14 : i64} {
  func.func @sc_kernel(%arg0: i32, %arg1: i32, %arg2: memref<1280x128xi32, #tpu.memory_space<hbm>>, %arg3: memref<1280x128xi32, #tpu.memory_space<hbm>>, %arg4: memref<10000x64xbf16, #tpu.memory_space<hbm>>, %arg5: memref<640x64xbf16, #tpu.memory_space<hbm>>, %arg6: memref<2x10240x64xbf16, #tpu.memory_space<hbm>>, %arg7: memref<40x128xi32, #tpu.memory_space<vmem>>, %arg8: memref<40x128xi32, #tpu.memory_space<vmem>>, %arg9: memref<128x64xbf16, #tpu.memory_space<vmem>>, %arg10: memref<128x64xbf16, #tpu.memory_space<vmem>>, %arg11: memref<128x64xbf16, #tpu.memory_space<vmem>>, %arg12: memref<128x64xbf16, #tpu.memory_space<vmem>>, %arg13: memref<10240x64xbf16, #tpu.memory_space<vmem_shared>>, %arg14: memref<10240x64xbf16, #tpu.memory_space<vmem_shared>>, %arg15: memref<!tpu.dma_semaphore, #tpu.memory_space<semaphore_mem>>, %arg16: memref<!tpu.dma_semaphore, #tpu.memory_space<semaphore_mem>>, %arg17: memref<!tpu.dma_semaphore, #tpu.memory_space<semaphore_mem>>, %arg18: memref<!tpu.dma_semaphore, #tpu.memory_space<semaphore_mem>>, %arg19: memref<!tpu.dma_semaphore, #tpu.memory_space<semaphore_mem>>, %arg20: memref<!tpu.dma_semaphore, #tpu.memory_space<semaphore_mem>>, %arg21: memref<!tpu.dma_semaphore, #tpu.memory_space<semaphore_mem>>, %arg22: memref<!tpu.dma_semaphore, #tpu.memory_space<semaphore_mem>>) attributes {dimension_semantics = [#tpu.dimension_semantics<core_parallel>, #tpu.dimension_semantics<subcore_parallel>], iteration_bounds = array<i64: 2, 16>, scalar_prefetch = 0 : i64, scratch_operands = 16 : i64, tpu.core_type = #tpu.core_type<sc_vector_subcore>, window_params = [{transform_indices = #map}, {transform_indices = #map}, {transform_indices = #map}, {transform_indices = #map}, {transform_indices = #map1}]} {
    %mul3A = arith.constant 2 : i32
    %mul3A_0 = arith.muli %arg1, %mul3A : i32
    %add3A = arith.addi %mul3A_0, %arg0 : i32
    %mul3A_1 = arith.constant 640 : i32
    %mul3A_2 = arith.muli %arg1, %mul3A_1 : i32
    %lt3A = arith.constant 15 : i32
    %lt3A_3 = arith.cmpi slt, %arg1, %lt3A : i32
    %convert_element_type3A = arith.extui %lt3A_3 : i1 to i32
    %cond3A = arith.constant 0 : i32
    %cond3A_4 = arith.cmpi ne, %convert_element_type3A, %cond3A : i32
    scf.if %cond3A_4 {
      "tpu.region"() ({
        %run_scoped3A = tpu.sem_alloc : memref<!tpu.dma_semaphore, #tpu.memory_space<semaphore_mem>>
        %dma_start3A_171 = arith.constant 0 : i32
        %dma_start3A_172 = tpu.memref_slice %arg13[%mul3A_2, %dma_start3A_171] : memref<10240x64xbf16, #tpu.memory_space<vmem_shared>> -> memref<640x64xbf16, #tpu.memory_space<vmem_shared>>
        %dma_start3A_173 = arith.constant 0 : i32
        %dma_start3A_174 = tpu.memref_slice %arg4[%mul3A_2, %dma_start3A_173] : memref<10000x64xbf16, #tpu.memory_space<hbm>> -> memref<640x64xbf16, #tpu.memory_space<hbm>>
        tpu.enqueue_dma source(%dma_start3A_174 : memref<640x64xbf16, #tpu.memory_space<hbm>>) target(%dma_start3A_172 : memref<640x64xbf16, #tpu.memory_space<vmem_shared>>) target_semaphore(%run_scoped3A : memref<!tpu.dma_semaphore, #tpu.memory_space<semaphore_mem>>)
        %dma_wait3A_175 = arith.constant 0 : i32
        %dma_wait3A_176 = tpu.memref_slice %arg13[%mul3A_2, %dma_wait3A_175] : memref<10240x64xbf16, #tpu.memory_space<vmem_shared>> -> memref<640x64xbf16, #tpu.memory_space<vmem_shared>>
        %dma_wait3A_177 = arith.constant 0 : i32
        %dma_wait3A_178 = tpu.memref_slice %arg4[%mul3A_2, %dma_wait3A_177] : memref<10000x64xbf16, #tpu.memory_space<hbm>> -> memref<640x64xbf16, #tpu.memory_space<hbm>>
        tpu.wait_dma2 semaphore(%run_scoped3A : memref<!tpu.dma_semaphore, #tpu.memory_space<semaphore_mem>>) src(%dma_wait3A_178 : memref<640x64xbf16, #tpu.memory_space<hbm>>) dst(%dma_wait3A_176 : memref<640x64xbf16, #tpu.memory_space<vmem_shared>>)
        tpu.yield
      }) : () -> ()
    } else {
    }
    %eq3A = arith.constant 15 : i32
    %eq3A_5 = arith.cmpi eq, %arg1, %eq3A : i32
    %convert_element_type3A_6 = arith.extui %eq3A_5 : i1 to i32
    %cond3A_7 = arith.constant 0 : i32
    %cond3A_8 = arith.cmpi ne, %convert_element_type3A_6, %cond3A_7 : i32
    scf.if %cond3A_8 {
      "tpu.region"() ({
        %run_scoped3A = tpu.sem_alloc : memref<!tpu.dma_semaphore, #tpu.memory_space<semaphore_mem>>
        %dma_start3A_171 = arith.constant 9600 : i32
        %dma_start3A_172 = arith.constant 0 : i32
        %dma_start3A_173 = tpu.memref_slice %arg13[%dma_start3A_171, %dma_start3A_172] : memref<10240x64xbf16, #tpu.memory_space<vmem_shared>> -> memref<400x64xbf16, #tpu.memory_space<vmem_shared>>
        %dma_start3A_174 = arith.constant 9600 : i32
        %dma_start3A_175 = arith.constant 0 : i32
        %dma_start3A_176 = tpu.memref_slice %arg4[%dma_start3A_174, %dma_start3A_175] : memref<10000x64xbf16, #tpu.memory_space<hbm>> -> memref<400x64xbf16, #tpu.memory_space<hbm>>
        tpu.enqueue_dma source(%dma_start3A_176 : memref<400x64xbf16, #tpu.memory_space<hbm>>) target(%dma_start3A_173 : memref<400x64xbf16, #tpu.memory_space<vmem_shared>>) target_semaphore(%run_scoped3A : memref<!tpu.dma_semaphore, #tpu.memory_space<semaphore_mem>>)
        %dma_wait3A_177 = arith.constant 9600 : i32
        %dma_wait3A_178 = arith.constant 0 : i32
        %dma_wait3A_179 = tpu.memref_slice %arg13[%dma_wait3A_177, %dma_wait3A_178] : memref<10240x64xbf16, #tpu.memory_space<vmem_shared>> -> memref<400x64xbf16, #tpu.memory_space<vmem_shared>>
        %dma_wait3A_180 = arith.constant 9600 : i32
        %dma_wait3A_181 = arith.constant 0 : i32
        %dma_wait3A_182 = tpu.memref_slice %arg4[%dma_wait3A_180, %dma_wait3A_181] : memref<10000x64xbf16, #tpu.memory_space<hbm>> -> memref<400x64xbf16, #tpu.memory_space<hbm>>
        tpu.wait_dma2 semaphore(%run_scoped3A : memref<!tpu.dma_semaphore, #tpu.memory_space<semaphore_mem>>) src(%dma_wait3A_182 : memref<400x64xbf16, #tpu.memory_space<hbm>>) dst(%dma_wait3A_179 : memref<400x64xbf16, #tpu.memory_space<vmem_shared>>)
        tpu.yield
      }) : () -> ()
    } else {
    }
    "tpu.region"() ({
      %run_scoped3A = tpu.sem_alloc : memref<!tpu.dma_semaphore, #tpu.memory_space<semaphore_mem>>
      %dma_start3A_171 = arith.constant 0 : i32
      %dma_start3A_172 = tpu.memref_slice %arg14[%mul3A_2, %dma_start3A_171] : memref<10240x64xbf16, #tpu.memory_space<vmem_shared>> -> memref<640x64xbf16, #tpu.memory_space<vmem_shared>>
      tpu.enqueue_dma source(%arg5 : memref<640x64xbf16, #tpu.memory_space<hbm>>) target(%dma_start3A_172 : memref<640x64xbf16, #tpu.memory_space<vmem_shared>>) target_semaphore(%run_scoped3A : memref<!tpu.dma_semaphore, #tpu.memory_space<semaphore_mem>>)
      %dma_wait3A_173 = arith.constant 0 : i32
      %dma_wait3A_174 = tpu.memref_slice %arg14[%mul3A_2, %dma_wait3A_173] : memref<10240x64xbf16, #tpu.memory_space<vmem_shared>> -> memref<640x64xbf16, #tpu.memory_space<vmem_shared>>
      tpu.wait_dma2 semaphore(%run_scoped3A : memref<!tpu.dma_semaphore, #tpu.memory_space<semaphore_mem>>) src(%arg5 : memref<640x64xbf16, #tpu.memory_space<hbm>>) dst(%dma_wait3A_174 : memref<640x64xbf16, #tpu.memory_space<vmem_shared>>)
      tpu.yield
    }) : () -> ()
    %mul3A_9 = arith.constant 40 : i32
    %mul3A_10 = arith.muli %add3A, %mul3A_9 : i32
    "tpu.region"() ({
      %run_scoped3A = tpu.sem_alloc : memref<!tpu.dma_semaphore, #tpu.memory_space<semaphore_mem>>
      %dma_start3A_171 = arith.constant 0 : i32
      %dma_start3A_172 = tpu.memref_slice %arg2[%mul3A_10, %dma_start3A_171] : memref<1280x128xi32, #tpu.memory_space<hbm>> -> memref<40x128xi32, #tpu.memory_space<hbm>>
      %dma_start3A_173 = arith.constant 0 : i32
      %dma_start3A_174 = tpu.memref_slice %arg2[%mul3A_10, %dma_start3A_173] : memref<1280x128xi32, #tpu.memory_space<hbm>> -> memref<40x128xi32, #tpu.memory_space<hbm>>
      tpu.enqueue_dma source(%dma_start3A_174 : memref<40x128xi32, #tpu.memory_space<hbm>>) target(%arg7 : memref<40x128xi32, #tpu.memory_space<vmem>>) target_semaphore(%run_scoped3A : memref<!tpu.dma_semaphore, #tpu.memory_space<semaphore_mem>>)
      %dma_wait3A_175 = arith.constant 0 : i32
      %dma_wait3A_176 = tpu.memref_slice %arg2[%mul3A_10, %dma_wait3A_175] : memref<1280x128xi32, #tpu.memory_space<hbm>> -> memref<40x128xi32, #tpu.memory_space<hbm>>
      %dma_wait3A_177 = arith.constant 0 : i32
      %dma_wait3A_178 = tpu.memref_slice %arg2[%mul3A_10, %dma_wait3A_177] : memref<1280x128xi32, #tpu.memory_space<hbm>> -> memref<40x128xi32, #tpu.memory_space<hbm>>
      tpu.wait_dma2 semaphore(%run_scoped3A : memref<!tpu.dma_semaphore, #tpu.memory_space<semaphore_mem>>) src(%dma_wait3A_178 : memref<40x128xi32, #tpu.memory_space<hbm>>) dst(%arg7 : memref<40x128xi32, #tpu.memory_space<vmem>>)
      tpu.yield
    }) : () -> ()
    %mul3A_11 = arith.constant 40 : i32
    %mul3A_12 = arith.muli %add3A, %mul3A_11 : i32
    "tpu.region"() ({
      %run_scoped3A = tpu.sem_alloc : memref<!tpu.dma_semaphore, #tpu.memory_space<semaphore_mem>>
      %dma_start3A_171 = arith.constant 0 : i32
      %dma_start3A_172 = tpu.memref_slice %arg3[%mul3A_12, %dma_start3A_171] : memref<1280x128xi32, #tpu.memory_space<hbm>> -> memref<40x128xi32, #tpu.memory_space<hbm>>
      %dma_start3A_173 = arith.constant 0 : i32
      %dma_start3A_174 = tpu.memref_slice %arg3[%mul3A_12, %dma_start3A_173] : memref<1280x128xi32, #tpu.memory_space<hbm>> -> memref<40x128xi32, #tpu.memory_space<hbm>>
      tpu.enqueue_dma source(%dma_start3A_174 : memref<40x128xi32, #tpu.memory_space<hbm>>) target(%arg8 : memref<40x128xi32, #tpu.memory_space<vmem>>) target_semaphore(%run_scoped3A : memref<!tpu.dma_semaphore, #tpu.memory_space<semaphore_mem>>)
      %dma_wait3A_175 = arith.constant 0 : i32
      %dma_wait3A_176 = tpu.memref_slice %arg3[%mul3A_12, %dma_wait3A_175] : memref<1280x128xi32, #tpu.memory_space<hbm>> -> memref<40x128xi32, #tpu.memory_space<hbm>>
      %dma_wait3A_177 = arith.constant 0 : i32
      %dma_wait3A_178 = tpu.memref_slice %arg3[%mul3A_12, %dma_wait3A_177] : memref<1280x128xi32, #tpu.memory_space<hbm>> -> memref<40x128xi32, #tpu.memory_space<hbm>>
      tpu.wait_dma2 semaphore(%run_scoped3A : memref<!tpu.dma_semaphore, #tpu.memory_space<semaphore_mem>>) src(%dma_wait3A_178 : memref<40x128xi32, #tpu.memory_space<hbm>>) dst(%arg8 : memref<40x128xi32, #tpu.memory_space<vmem>>)
      tpu.yield
    }) : () -> ()
    %barrier3A = arith.constant 0 : index
    tpu.barrier barrier_id(%barrier3A)
    %dma_start3A = arith.constant 0 : i32
    %dma_start3A_13 = arith.constant 0 : i32
    %dma_start3A_14 = tpu.memref_slice %arg7[%dma_start3A, %dma_start3A_13] : memref<40x128xi32, #tpu.memory_space<vmem>> -> memref<1x128xi32, #tpu.memory_space<vmem>>
    %dma_start3A_15 = tpu.memref_squeeze %dma_start3A_14 : memref<1x128xi32, #tpu.memory_space<vmem>> -> memref<128xi32, #tpu.memory_space<vmem>>
    %dma_start3A_16 = arith.constant 0 : i32
    %dma_start3A_17 = arith.constant 0 : i32
    %dma_start3A_18 = tpu.memref_slice %arg13[%dma_start3A_16, %dma_start3A_17] : memref<10240x64xbf16, #tpu.memory_space<vmem_shared>> -> memref<10240x64xbf16, #tpu.memory_space<vmem_shared>>
    tpu.enqueue_indirect_dma source(%dma_start3A_18 : memref<10240x64xbf16, #tpu.memory_space<vmem_shared>>) target(%arg9 : memref<128x64xbf16, #tpu.memory_space<vmem>>) offsets(%dma_start3A_15 : memref<128xi32, #tpu.memory_space<vmem>>) semaphore(%arg15 : memref<!tpu.dma_semaphore, #tpu.memory_space<semaphore_mem>>)
    %dma_start3A_19 = arith.constant 1 : i32
    %dma_start3A_20 = arith.constant 0 : i32
    %dma_start3A_21 = tpu.memref_slice %arg7[%dma_start3A_19, %dma_start3A_20] : memref<40x128xi32, #tpu.memory_space<vmem>> -> memref<1x128xi32, #tpu.memory_space<vmem>>
    %dma_start3A_22 = tpu.memref_squeeze %dma_start3A_21 : memref<1x128xi32, #tpu.memory_space<vmem>> -> memref<128xi32, #tpu.memory_space<vmem>>
    %dma_start3A_23 = arith.constant 0 : i32
    %dma_start3A_24 = arith.constant 0 : i32
    %dma_start3A_25 = tpu.memref_slice %arg13[%dma_start3A_23, %dma_start3A_24] : memref<10240x64xbf16, #tpu.memory_space<vmem_shared>> -> memref<10240x64xbf16, #tpu.memory_space<vmem_shared>>
    tpu.enqueue_indirect_dma source(%dma_start3A_25 : memref<10240x64xbf16, #tpu.memory_space<vmem_shared>>) target(%arg10 : memref<128x64xbf16, #tpu.memory_space<vmem>>) offsets(%dma_start3A_22 : memref<128xi32, #tpu.memory_space<vmem>>) semaphore(%arg16 : memref<!tpu.dma_semaphore, #tpu.memory_space<semaphore_mem>>)
    %dma_start3A_26 = arith.constant 2 : i32
    %dma_start3A_27 = arith.constant 0 : i32
    %dma_start3A_28 = tpu.memref_slice %arg7[%dma_start3A_26, %dma_start3A_27] : memref<40x128xi32, #tpu.memory_space<vmem>> -> memref<1x128xi32, #tpu.memory_space<vmem>>
    %dma_start3A_29 = tpu.memref_squeeze %dma_start3A_28 : memref<1x128xi32, #tpu.memory_space<vmem>> -> memref<128xi32, #tpu.memory_space<vmem>>
    %dma_start3A_30 = arith.constant 0 : i32
    %dma_start3A_31 = arith.constant 0 : i32
    %dma_start3A_32 = tpu.memref_slice %arg13[%dma_start3A_30, %dma_start3A_31] : memref<10240x64xbf16, #tpu.memory_space<vmem_shared>> -> memref<10240x64xbf16, #tpu.memory_space<vmem_shared>>
    tpu.enqueue_indirect_dma source(%dma_start3A_32 : memref<10240x64xbf16, #tpu.memory_space<vmem_shared>>) target(%arg11 : memref<128x64xbf16, #tpu.memory_space<vmem>>) offsets(%dma_start3A_29 : memref<128xi32, #tpu.memory_space<vmem>>) semaphore(%arg17 : memref<!tpu.dma_semaphore, #tpu.memory_space<semaphore_mem>>)
    %dma_wait3A = arith.constant 0 : i32
    %dma_wait3A_33 = arith.constant 0 : i32
    %dma_wait3A_34 = tpu.memref_slice %arg7[%dma_wait3A, %dma_wait3A_33] : memref<40x128xi32, #tpu.memory_space<vmem>> -> memref<1x128xi32, #tpu.memory_space<vmem>>
    %dma_wait3A_35 = tpu.memref_squeeze %dma_wait3A_34 : memref<1x128xi32, #tpu.memory_space<vmem>> -> memref<128xi32, #tpu.memory_space<vmem>>
    %dma_wait3A_36 = arith.constant 0 : i32
    %dma_wait3A_37 = arith.constant 0 : i32
    %dma_wait3A_38 = tpu.memref_slice %arg13[%dma_wait3A_36, %dma_wait3A_37] : memref<10240x64xbf16, #tpu.memory_space<vmem_shared>> -> memref<10240x64xbf16, #tpu.memory_space<vmem_shared>>
    tpu.wait_indirect_dma semaphore(%arg15 : memref<!tpu.dma_semaphore, #tpu.memory_space<semaphore_mem>>) src(%dma_wait3A_38 : memref<10240x64xbf16, #tpu.memory_space<vmem_shared>>) dst(%arg9 : memref<128x64xbf16, #tpu.memory_space<vmem>>)
    %dma_start3A_39 = arith.constant 3 : i32
    %dma_start3A_40 = arith.constant 0 : i32
    %dma_start3A_41 = tpu.memref_slice %arg7[%dma_start3A_39, %dma_start3A_40] : memref<40x128xi32, #tpu.memory_space<vmem>> -> memref<1x128xi32, #tpu.memory_space<vmem>>
    %dma_start3A_42 = tpu.memref_squeeze %dma_start3A_41 : memref<1x128xi32, #tpu.memory_space<vmem>> -> memref<128xi32, #tpu.memory_space<vmem>>
    %dma_start3A_43 = arith.constant 0 : i32
    %dma_start3A_44 = arith.constant 0 : i32
    %dma_start3A_45 = tpu.memref_slice %arg13[%dma_start3A_43, %dma_start3A_44] : memref<10240x64xbf16, #tpu.memory_space<vmem_shared>> -> memref<10240x64xbf16, #tpu.memory_space<vmem_shared>>
    tpu.enqueue_indirect_dma source(%dma_start3A_45 : memref<10240x64xbf16, #tpu.memory_space<vmem_shared>>) target(%arg12 : memref<128x64xbf16, #tpu.memory_space<vmem>>) offsets(%dma_start3A_42 : memref<128xi32, #tpu.memory_space<vmem>>) semaphore(%arg18 : memref<!tpu.dma_semaphore, #tpu.memory_space<semaphore_mem>>)
    %dma_start3A_46 = arith.constant 0 : i32
    %dma_start3A_47 = arith.constant 0 : i32
    %dma_start3A_48 = tpu.memref_slice %arg8[%dma_start3A_46, %dma_start3A_47] : memref<40x128xi32, #tpu.memory_space<vmem>> -> memref<1x128xi32, #tpu.memory_space<vmem>>
    %dma_start3A_49 = tpu.memref_squeeze %dma_start3A_48 : memref<1x128xi32, #tpu.memory_space<vmem>> -> memref<128xi32, #tpu.memory_space<vmem>>
    %dma_start3A_50 = arith.constant 0 : i32
    %dma_start3A_51 = arith.constant 0 : i32
    %dma_start3A_52 = tpu.memref_slice %arg14[%dma_start3A_50, %dma_start3A_51] : memref<10240x64xbf16, #tpu.memory_space<vmem_shared>> -> memref<10240x64xbf16, #tpu.memory_space<vmem_shared>>
    tpu.enqueue_indirect_dma source(%arg9 : memref<128x64xbf16, #tpu.memory_space<vmem>>) target(%dma_start3A_52 : memref<10240x64xbf16, #tpu.memory_space<vmem_shared>>) offsets(%dma_start3A_49 : memref<128xi32, #tpu.memory_space<vmem>>) semaphore(%arg19 : memref<!tpu.dma_semaphore, #tpu.memory_space<semaphore_mem>>) {add = true}
    %dma_wait3A_53 = arith.constant 0 : i32
    %dma_wait3A_54 = arith.constant 0 : i32
    %dma_wait3A_55 = tpu.memref_slice %arg7[%dma_wait3A_53, %dma_wait3A_54] : memref<40x128xi32, #tpu.memory_space<vmem>> -> memref<1x128xi32, #tpu.memory_space<vmem>>
    %dma_wait3A_56 = tpu.memref_squeeze %dma_wait3A_55 : memref<1x128xi32, #tpu.memory_space<vmem>> -> memref<128xi32, #tpu.memory_space<vmem>>
    %dma_wait3A_57 = arith.constant 0 : i32
    %dma_wait3A_58 = arith.constant 0 : i32
    %dma_wait3A_59 = tpu.memref_slice %arg13[%dma_wait3A_57, %dma_wait3A_58] : memref<10240x64xbf16, #tpu.memory_space<vmem_shared>> -> memref<10240x64xbf16, #tpu.memory_space<vmem_shared>>
    tpu.wait_indirect_dma semaphore(%arg16 : memref<!tpu.dma_semaphore, #tpu.memory_space<semaphore_mem>>) src(%dma_wait3A_59 : memref<10240x64xbf16, #tpu.memory_space<vmem_shared>>) dst(%arg10 : memref<128x64xbf16, #tpu.memory_space<vmem>>)
    %dma_wait3A_60 = arith.constant 0 : i32
    %dma_wait3A_61 = arith.constant 0 : i32
    %dma_wait3A_62 = tpu.memref_slice %arg8[%dma_wait3A_60, %dma_wait3A_61] : memref<40x128xi32, #tpu.memory_space<vmem>> -> memref<1x128xi32, #tpu.memory_space<vmem>>
    %dma_wait3A_63 = tpu.memref_squeeze %dma_wait3A_62 : memref<1x128xi32, #tpu.memory_space<vmem>> -> memref<128xi32, #tpu.memory_space<vmem>>
    %dma_wait3A_64 = arith.constant 0 : i32
    %dma_wait3A_65 = arith.constant 0 : i32
    %dma_wait3A_66 = tpu.memref_slice %arg14[%dma_wait3A_64, %dma_wait3A_65] : memref<10240x64xbf16, #tpu.memory_space<vmem_shared>> -> memref<10240x64xbf16, #tpu.memory_space<vmem_shared>>
    tpu.wait_indirect_dma semaphore(%arg19 : memref<!tpu.dma_semaphore, #tpu.memory_space<semaphore_mem>>) src(%arg9 : memref<128x64xbf16, #tpu.memory_space<vmem>>) dst(%dma_wait3A_66 : memref<10240x64xbf16, #tpu.memory_space<vmem_shared>>)
    %dma_start3A_67 = arith.constant 4 : i32
    %dma_start3A_68 = arith.constant 0 : i32
    %dma_start3A_69 = tpu.memref_slice %arg7[%dma_start3A_67, %dma_start3A_68] : memref<40x128xi32, #tpu.memory_space<vmem>> -> memref<1x128xi32, #tpu.memory_space<vmem>>
    %dma_start3A_70 = tpu.memref_squeeze %dma_start3A_69 : memref<1x128xi32, #tpu.memory_space<vmem>> -> memref<128xi32, #tpu.memory_space<vmem>>
    %dma_start3A_71 = arith.constant 0 : i32
    %dma_start3A_72 = arith.constant 0 : i32
    %dma_start3A_73 = tpu.memref_slice %arg13[%dma_start3A_71, %dma_start3A_72] : memref<10240x64xbf16, #tpu.memory_space<vmem_shared>> -> memref<10240x64xbf16, #tpu.memory_space<vmem_shared>>
    tpu.enqueue_indirect_dma source(%dma_start3A_73 : memref<10240x64xbf16, #tpu.memory_space<vmem_shared>>) target(%arg9 : memref<128x64xbf16, #tpu.memory_space<vmem>>) offsets(%dma_start3A_70 : memref<128xi32, #tpu.memory_space<vmem>>) semaphore(%arg15 : memref<!tpu.dma_semaphore, #tpu.memory_space<semaphore_mem>>)
    %dma_start3A_74 = arith.constant 1 : i32
    %dma_start3A_75 = arith.constant 0 : i32
    %dma_start3A_76 = tpu.memref_slice %arg8[%dma_start3A_74, %dma_start3A_75] : memref<40x128xi32, #tpu.memory_space<vmem>> -> memref<1x128xi32, #tpu.memory_space<vmem>>
    %dma_start3A_77 = tpu.memref_squeeze %dma_start3A_76 : memref<1x128xi32, #tpu.memory_space<vmem>> -> memref<128xi32, #tpu.memory_space<vmem>>
    %dma_start3A_78 = arith.constant 0 : i32
    %dma_start3A_79 = arith.constant 0 : i32
    %dma_start3A_80 = tpu.memref_slice %arg14[%dma_start3A_78, %dma_start3A_79] : memref<10240x64xbf16, #tpu.memory_space<vmem_shared>> -> memref<10240x64xbf16, #tpu.memory_space<vmem_shared>>
    tpu.enqueue_indirect_dma source(%arg10 : memref<128x64xbf16, #tpu.memory_space<vmem>>) target(%dma_start3A_80 : memref<10240x64xbf16, #tpu.memory_space<vmem_shared>>) offsets(%dma_start3A_77 : memref<128xi32, #tpu.memory_space<vmem>>) semaphore(%arg20 : memref<!tpu.dma_semaphore, #tpu.memory_space<semaphore_mem>>) {add = true}
    %dma_wait3A_81 = arith.constant 0 : i32
    %dma_wait3A_82 = arith.constant 0 : i32
    %dma_wait3A_83 = tpu.memref_slice %arg7[%dma_wait3A_81, %dma_wait3A_82] : memref<40x128xi32, #tpu.memory_space<vmem>> -> memref<1x128xi32, #tpu.memory_space<vmem>>
    %dma_wait3A_84 = tpu.memref_squeeze %dma_wait3A_83 : memref<1x128xi32, #tpu.memory_space<vmem>> -> memref<128xi32, #tpu.memory_space<vmem>>
    %dma_wait3A_85 = arith.constant 0 : i32
    %dma_wait3A_86 = arith.constant 0 : i32
    %dma_wait3A_87 = tpu.memref_slice %arg13[%dma_wait3A_85, %dma_wait3A_86] : memref<10240x64xbf16, #tpu.memory_space<vmem_shared>> -> memref<10240x64xbf16, #tpu.memory_space<vmem_shared>>
    tpu.wait_indirect_dma semaphore(%arg17 : memref<!tpu.dma_semaphore, #tpu.memory_space<semaphore_mem>>) src(%dma_wait3A_87 : memref<10240x64xbf16, #tpu.memory_space<vmem_shared>>) dst(%arg11 : memref<128x64xbf16, #tpu.memory_space<vmem>>)
    %dma_wait3A_88 = arith.constant 0 : i32
    %dma_wait3A_89 = arith.constant 0 : i32
    %dma_wait3A_90 = tpu.memref_slice %arg8[%dma_wait3A_88, %dma_wait3A_89] : memref<40x128xi32, #tpu.memory_space<vmem>> -> memref<1x128xi32, #tpu.memory_space<vmem>>
    %dma_wait3A_91 = tpu.memref_squeeze %dma_wait3A_90 : memref<1x128xi32, #tpu.memory_space<vmem>> -> memref<128xi32, #tpu.memory_space<vmem>>
    %dma_wait3A_92 = arith.constant 0 : i32
    %dma_wait3A_93 = arith.constant 0 : i32
    %dma_wait3A_94 = tpu.memref_slice %arg14[%dma_wait3A_92, %dma_wait3A_93] : memref<10240x64xbf16, #tpu.memory_space<vmem_shared>> -> memref<10240x64xbf16, #tpu.memory_space<vmem_shared>>
    tpu.wait_indirect_dma semaphore(%arg20 : memref<!tpu.dma_semaphore, #tpu.memory_space<semaphore_mem>>) src(%arg10 : memref<128x64xbf16, #tpu.memory_space<vmem>>) dst(%dma_wait3A_94 : memref<10240x64xbf16, #tpu.memory_space<vmem_shared>>)
    %dma_start3A_95 = arith.constant 5 : i32
    %dma_start3A_96 = arith.constant 0 : i32
    %dma_start3A_97 = tpu.memref_slice %arg7[%dma_start3A_95, %dma_start3A_96] : memref<40x128xi32, #tpu.memory_space<vmem>> -> memref<1x128xi32, #tpu.memory_space<vmem>>
    %dma_start3A_98 = tpu.memref_squeeze %dma_start3A_97 : memref<1x128xi32, #tpu.memory_space<vmem>> -> memref<128xi32, #tpu.memory_space<vmem>>
    %dma_start3A_99 = arith.constant 0 : i32
    %dma_start3A_100 = arith.constant 0 : i32
    %dma_start3A_101 = tpu.memref_slice %arg13[%dma_start3A_99, %dma_start3A_100] : memref<10240x64xbf16, #tpu.memory_space<vmem_shared>> -> memref<10240x64xbf16, #tpu.memory_space<vmem_shared>>
    tpu.enqueue_indirect_dma source(%dma_start3A_101 : memref<10240x64xbf16, #tpu.memory_space<vmem_shared>>) target(%arg10 : memref<128x64xbf16, #tpu.memory_space<vmem>>) offsets(%dma_start3A_98 : memref<128xi32, #tpu.memory_space<vmem>>) semaphore(%arg16 : memref<!tpu.dma_semaphore, #tpu.memory_space<semaphore_mem>>)
    %dma_start3A_102 = arith.constant 2 : i32
    %dma_start3A_103 = arith.constant 0 : i32
    %dma_start3A_104 = tpu.memref_slice %arg8[%dma_start3A_102, %dma_start3A_103] : memref<40x128xi32, #tpu.memory_space<vmem>> -> memref<1x128xi32, #tpu.memory_space<vmem>>
    %dma_start3A_105 = tpu.memref_squeeze %dma_start3A_104 : memref<1x128xi32, #tpu.memory_space<vmem>> -> memref<128xi32, #tpu.memory_space<vmem>>
    %dma_start3A_106 = arith.constant 0 : i32
    %dma_start3A_107 = arith.constant 0 : i32
    %dma_start3A_108 = tpu.memref_slice %arg14[%dma_start3A_106, %dma_start3A_107] : memref<10240x64xbf16, #tpu.memory_space<vmem_shared>> -> memref<10240x64xbf16, #tpu.memory_space<vmem_shared>>
    tpu.enqueue_indirect_dma source(%arg11 : memref<128x64xbf16, #tpu.memory_space<vmem>>) target(%dma_start3A_108 : memref<10240x64xbf16, #tpu.memory_space<vmem_shared>>) offsets(%dma_start3A_105 : memref<128xi32, #tpu.memory_space<vmem>>) semaphore(%arg21 : memref<!tpu.dma_semaphore, #tpu.memory_space<semaphore_mem>>) {add = true}
    %dma_wait3A_109 = arith.constant 0 : i32
    %dma_wait3A_110 = arith.constant 0 : i32
    %dma_wait3A_111 = tpu.memref_slice %arg7[%dma_wait3A_109, %dma_wait3A_110] : memref<40x128xi32, #tpu.memory_space<vmem>> -> memref<1x128xi32, #tpu.memory_space<vmem>>
    %dma_wait3A_112 = tpu.memref_squeeze %dma_wait3A_111 : memref<1x128xi32, #tpu.memory_space<vmem>> -> memref<128xi32, #tpu.memory_space<vmem>>
    %dma_wait3A_113 = arith.constant 0 : i32
    %dma_wait3A_114 = arith.constant 0 : i32
    %dma_wait3A_115 = tpu.memref_slice %arg13[%dma_wait3A_113, %dma_wait3A_114] : memref<10240x64xbf16, #tpu.memory_space<vmem_shared>> -> memref<10240x64xbf16, #tpu.memory_space<vmem_shared>>
    tpu.wait_indirect_dma semaphore(%arg18 : memref<!tpu.dma_semaphore, #tpu.memory_space<semaphore_mem>>) src(%dma_wait3A_115 : memref<10240x64xbf16, #tpu.memory_space<vmem_shared>>) dst(%arg12 : memref<128x64xbf16, #tpu.memory_space<vmem>>)
    %dma_wait3A_116 = arith.constant 0 : i32
    %dma_wait3A_117 = arith.constant 0 : i32
    %dma_wait3A_118 = tpu.memref_slice %arg8[%dma_wait3A_116, %dma_wait3A_117] : memref<40x128xi32, #tpu.memory_space<vmem>> -> memref<1x128xi32, #tpu.memory_space<vmem>>
    %dma_wait3A_119 = tpu.memref_squeeze %dma_wait3A_118 : memref<1x128xi32, #tpu.memory_space<vmem>> -> memref<128xi32, #tpu.memory_space<vmem>>
    %dma_wait3A_120 = arith.constant 0 : i32
    %dma_wait3A_121 = arith.constant 0 : i32
    %dma_wait3A_122 = tpu.memref_slice %arg14[%dma_wait3A_120, %dma_wait3A_121] : memref<10240x64xbf16, #tpu.memory_space<vmem_shared>> -> memref<10240x64xbf16, #tpu.memory_space<vmem_shared>>
    tpu.wait_indirect_dma semaphore(%arg21 : memref<!tpu.dma_semaphore, #tpu.memory_space<semaphore_mem>>) src(%arg11 : memref<128x64xbf16, #tpu.memory_space<vmem>>) dst(%dma_wait3A_122 : memref<10240x64xbf16, #tpu.memory_space<vmem_shared>>)
    %dma_start3A_123 = arith.constant 6 : i32
    %dma_start3A_124 = arith.constant 0 : i32
    %dma_start3A_125 = tpu.memref_slice %arg7[%dma_start3A_123, %dma_start3A_124] : memref<40x128xi32, #tpu.memory_space<vmem>> -> memref<1x128xi32, #tpu.memory_space<vmem>>
    %dma_start3A_126 = tpu.memref_squeeze %dma_start3A_125 : memref<1x128xi32, #tpu.memory_space<vmem>> -> memref<128xi32, #tpu.memory_space<vmem>>
    %dma_start3A_127 = arith.constant 0 : i32
    %dma_start3A_128 = arith.constant 0 : i32
    %dma_start3A_129 = tpu.memref_slice %arg13[%dma_start3A_127, %dma_start3A_128] : memref<10240x64xbf16, #tpu.memory_space<vmem_shared>> -> memref<10240x64xbf16, #tpu.memory_space<vmem_shared>>
    tpu.enqueue_indirect_dma source(%dma_start3A_129 : memref<10240x64xbf16, #tpu.memory_space<vmem_shared>>) target(%arg11 : memref<128x64xbf16, #tpu.memory_space<vmem>>) offsets(%dma_start3A_126 : memref<128xi32, #tpu.memory_space<vmem>>) semaphore(%arg17 : memref<!tpu.dma_semaphore, #tpu.memory_space<semaphore_mem>>)
    %dma_start3A_130 = arith.constant 3 : i32
    %dma_start3A_131 = arith.constant 0 : i32
    %dma_start3A_132 = tpu.memref_slice %arg8[%dma_start3A_130, %dma_start3A_131] : memref<40x128xi32, #tpu.memory_space<vmem>> -> memref<1x128xi32, #tpu.memory_space<vmem>>
    %dma_start3A_133 = tpu.memref_squeeze %dma_start3A_132 : memref<1x128xi32, #tpu.memory_space<vmem>> -> memref<128xi32, #tpu.memory_space<vmem>>
    %dma_start3A_134 = arith.constant 0 : i32
    %dma_start3A_135 = arith.constant 0 : i32
    %dma_start3A_136 = tpu.memref_slice %arg14[%dma_start3A_134, %dma_start3A_135] : memref<10240x64xbf16, #tpu.memory_space<vmem_shared>> -> memref<10240x64xbf16, #tpu.memory_space<vmem_shared>>
    tpu.enqueue_indirect_dma source(%arg12 : memref<128x64xbf16, #tpu.memory_space<vmem>>) target(%dma_start3A_136 : memref<10240x64xbf16, #tpu.memory_space<vmem_shared>>) offsets(%dma_start3A_133 : memref<128xi32, #tpu.memory_space<vmem>>) semaphore(%arg22 : memref<!tpu.dma_semaphore, #tpu.memory_space<semaphore_mem>>) {add = true}
    %scan3A = arith.constant 0 : i32
    %scan3A_137 = arith.constant 0 : i32
    %scan3A_138 = arith.constant 9 : i32
    %scan3A_139 = arith.addi %scan3A_137, %scan3A_138 : i32
    %scan3A_140 = arith.constant 1 : i32
    scf.for %scan3A_171 = %scan3A_137 to %scan3A_139 step %scan3A_140  : i32 {
      %mul3A_172 = arith.constant 4 : i32
      %mul3A_173 = arith.muli %mul3A_172, %scan3A_171 : i32
      %add3A_174 = arith.constant 4 : i32
      %add3A_175 = arith.addi %add3A_174, %mul3A_173 : i32
      %add3A_176 = arith.constant 0 : i32
      %add3A_177 = arith.addi %add3A_175, %add3A_176 : i32
      %dma_wait3A_178 = arith.constant 0 : i32
      %dma_wait3A_179 = arith.constant 0 : i32
      %dma_wait3A_180 = tpu.memref_slice %arg7[%dma_wait3A_178, %dma_wait3A_179] : memref<40x128xi32, #tpu.memory_space<vmem>> -> memref<1x128xi32, #tpu.memory_space<vmem>>
      %dma_wait3A_181 = tpu.memref_squeeze %dma_wait3A_180 : memref<1x128xi32, #tpu.memory_space<vmem>> -> memref<128xi32, #tpu.memory_space<vmem>>
      %dma_wait3A_182 = arith.constant 0 : i32
      %dma_wait3A_183 = arith.constant 0 : i32
      %dma_wait3A_184 = tpu.memref_slice %arg13[%dma_wait3A_182, %dma_wait3A_183] : memref<10240x64xbf16, #tpu.memory_space<vmem_shared>> -> memref<10240x64xbf16, #tpu.memory_space<vmem_shared>>
      tpu.wait_indirect_dma semaphore(%arg15 : memref<!tpu.dma_semaphore, #tpu.memory_space<semaphore_mem>>) src(%dma_wait3A_184 : memref<10240x64xbf16, #tpu.memory_space<vmem_shared>>) dst(%arg9 : memref<128x64xbf16, #tpu.memory_space<vmem>>)
      %dma_wait3A_185 = arith.constant 0 : i32
      %dma_wait3A_186 = arith.constant 0 : i32
      %dma_wait3A_187 = tpu.memref_slice %arg8[%dma_wait3A_185, %dma_wait3A_186] : memref<40x128xi32, #tpu.memory_space<vmem>> -> memref<1x128xi32, #tpu.memory_space<vmem>>
      %dma_wait3A_188 = tpu.memref_squeeze %dma_wait3A_187 : memref<1x128xi32, #tpu.memory_space<vmem>> -> memref<128xi32, #tpu.memory_space<vmem>>
      %dma_wait3A_189 = arith.constant 0 : i32
      %dma_wait3A_190 = arith.constant 0 : i32
      %dma_wait3A_191 = tpu.memref_slice %arg14[%dma_wait3A_189, %dma_wait3A_190] : memref<10240x64xbf16, #tpu.memory_space<vmem_shared>> -> memref<10240x64xbf16, #tpu.memory_space<vmem_shared>>
      tpu.wait_indirect_dma semaphore(%arg22 : memref<!tpu.dma_semaphore, #tpu.memory_space<semaphore_mem>>) src(%arg12 : memref<128x64xbf16, #tpu.memory_space<vmem>>) dst(%dma_wait3A_191 : memref<10240x64xbf16, #tpu.memory_space<vmem_shared>>)
      %add3A_192 = arith.constant 3 : i32
      %add3A_193 = arith.addi %add3A_177, %add3A_192 : i32
      %min3A = arith.constant 39 : i32
      %min3A_194 = arith.minsi %add3A_193, %min3A : i32
      %dma_start3A_195 = arith.constant 0 : i32
      %dma_start3A_196 = tpu.memref_slice %arg7[%min3A_194, %dma_start3A_195] : memref<40x128xi32, #tpu.memory_space<vmem>> -> memref<1x128xi32, #tpu.memory_space<vmem>>
      %dma_start3A_197 = tpu.memref_squeeze %dma_start3A_196 : memref<1x128xi32, #tpu.memory_space<vmem>> -> memref<128xi32, #tpu.memory_space<vmem>>
      %dma_start3A_198 = arith.constant 0 : i32
      %dma_start3A_199 = arith.constant 0 : i32
      %dma_start3A_200 = tpu.memref_slice %arg13[%dma_start3A_198, %dma_start3A_199] : memref<10240x64xbf16, #tpu.memory_space<vmem_shared>> -> memref<10240x64xbf16, #tpu.memory_space<vmem_shared>>
      tpu.enqueue_indirect_dma source(%dma_start3A_200 : memref<10240x64xbf16, #tpu.memory_space<vmem_shared>>) target(%arg12 : memref<128x64xbf16, #tpu.memory_space<vmem>>) offsets(%dma_start3A_197 : memref<128xi32, #tpu.memory_space<vmem>>) semaphore(%arg18 : memref<!tpu.dma_semaphore, #tpu.memory_space<semaphore_mem>>)
      %dma_start3A_201 = arith.constant 0 : i32
      %dma_start3A_202 = tpu.memref_slice %arg8[%add3A_177, %dma_start3A_201] : memref<40x128xi32, #tpu.memory_space<vmem>> -> memref<1x128xi32, #tpu.memory_space<vmem>>
      %dma_start3A_203 = tpu.memref_squeeze %dma_start3A_202 : memref<1x128xi32, #tpu.memory_space<vmem>> -> memref<128xi32, #tpu.memory_space<vmem>>
      %dma_start3A_204 = arith.constant 0 : i32
      %dma_start3A_205 = arith.constant 0 : i32
      %dma_start3A_206 = tpu.memref_slice %arg14[%dma_start3A_204, %dma_start3A_205] : memref<10240x64xbf16, #tpu.memory_space<vmem_shared>> -> memref<10240x64xbf16, #tpu.memory_space<vmem_shared>>
      tpu.enqueue_indirect_dma source(%arg9 : memref<128x64xbf16, #tpu.memory_space<vmem>>) target(%dma_start3A_206 : memref<10240x64xbf16, #tpu.memory_space<vmem_shared>>) offsets(%dma_start3A_203 : memref<128xi32, #tpu.memory_space<vmem>>) semaphore(%arg19 : memref<!tpu.dma_semaphore, #tpu.memory_space<semaphore_mem>>) {add = true}
      %mul3A_207 = arith.constant 4 : i32
      %mul3A_208 = arith.muli %mul3A_207, %scan3A_171 : i32
      %add3A_209 = arith.constant 4 : i32
      %add3A_210 = arith.addi %add3A_209, %mul3A_208 : i32
      %add3A_211 = arith.constant 1 : i32
      %add3A_212 = arith.addi %add3A_210, %add3A_211 : i32
      %dma_wait3A_213 = arith.constant 0 : i32
      %dma_wait3A_214 = arith.constant 0 : i32
      %dma_wait3A_215 = tpu.memref_slice %arg7[%dma_wait3A_213, %dma_wait3A_214] : memref<40x128xi32, #tpu.memory_space<vmem>> -> memref<1x128xi32, #tpu.memory_space<vmem>>
      %dma_wait3A_216 = tpu.memref_squeeze %dma_wait3A_215 : memref<1x128xi32, #tpu.memory_space<vmem>> -> memref<128xi32, #tpu.memory_space<vmem>>
      %dma_wait3A_217 = arith.constant 0 : i32
      %dma_wait3A_218 = arith.constant 0 : i32
      %dma_wait3A_219 = tpu.memref_slice %arg13[%dma_wait3A_217, %dma_wait3A_218] : memref<10240x64xbf16, #tpu.memory_space<vmem_shared>> -> memref<10240x64xbf16, #tpu.memory_space<vmem_shared>>
      tpu.wait_indirect_dma semaphore(%arg16 : memref<!tpu.dma_semaphore, #tpu.memory_space<semaphore_mem>>) src(%dma_wait3A_219 : memref<10240x64xbf16, #tpu.memory_space<vmem_shared>>) dst(%arg10 : memref<128x64xbf16, #tpu.memory_space<vmem>>)
      %dma_wait3A_220 = arith.constant 0 : i32
      %dma_wait3A_221 = arith.constant 0 : i32
      %dma_wait3A_222 = tpu.memref_slice %arg8[%dma_wait3A_220, %dma_wait3A_221] : memref<40x128xi32, #tpu.memory_space<vmem>> -> memref<1x128xi32, #tpu.memory_space<vmem>>
      %dma_wait3A_223 = tpu.memref_squeeze %dma_wait3A_222 : memref<1x128xi32, #tpu.memory_space<vmem>> -> memref<128xi32, #tpu.memory_space<vmem>>
      %dma_wait3A_224 = arith.constant 0 : i32
      %dma_wait3A_225 = arith.constant 0 : i32
      %dma_wait3A_226 = tpu.memref_slice %arg14[%dma_wait3A_224, %dma_wait3A_225] : memref<10240x64xbf16, #tpu.memory_space<vmem_shared>> -> memref<10240x64xbf16, #tpu.memory_space<vmem_shared>>
      tpu.wait_indirect_dma semaphore(%arg19 : memref<!tpu.dma_semaphore, #tpu.memory_space<semaphore_mem>>) src(%arg9 : memref<128x64xbf16, #tpu.memory_space<vmem>>) dst(%dma_wait3A_226 : memref<10240x64xbf16, #tpu.memory_space<vmem_shared>>)
      %add3A_227 = arith.constant 3 : i32
      %add3A_228 = arith.addi %add3A_212, %add3A_227 : i32
      %min3A_229 = arith.constant 39 : i32
      %min3A_230 = arith.minsi %add3A_228, %min3A_229 : i32
      %dma_start3A_231 = arith.constant 0 : i32
      %dma_start3A_232 = tpu.memref_slice %arg7[%min3A_230, %dma_start3A_231] : memref<40x128xi32, #tpu.memory_space<vmem>> -> memref<1x128xi32, #tpu.memory_space<vmem>>
      %dma_start3A_233 = tpu.memref_squeeze %dma_start3A_232 : memref<1x128xi32, #tpu.memory_space<vmem>> -> memref<128xi32, #tpu.memory_space<vmem>>
      %dma_start3A_234 = arith.constant 0 : i32
      %dma_start3A_235 = arith.constant 0 : i32
      %dma_start3A_236 = tpu.memref_slice %arg13[%dma_start3A_234, %dma_start3A_235] : memref<10240x64xbf16, #tpu.memory_space<vmem_shared>> -> memref<10240x64xbf16, #tpu.memory_space<vmem_shared>>
      tpu.enqueue_indirect_dma source(%dma_start3A_236 : memref<10240x64xbf16, #tpu.memory_space<vmem_shared>>) target(%arg9 : memref<128x64xbf16, #tpu.memory_space<vmem>>) offsets(%dma_start3A_233 : memref<128xi32, #tpu.memory_space<vmem>>) semaphore(%arg15 : memref<!tpu.dma_semaphore, #tpu.memory_space<semaphore_mem>>)
      %dma_start3A_237 = arith.constant 0 : i32
      %dma_start3A_238 = tpu.memref_slice %arg8[%add3A_212, %dma_start3A_237] : memref<40x128xi32, #tpu.memory_space<vmem>> -> memref<1x128xi32, #tpu.memory_space<vmem>>
      %dma_start3A_239 = tpu.memref_squeeze %dma_start3A_238 : memref<1x128xi32, #tpu.memory_space<vmem>> -> memref<128xi32, #tpu.memory_space<vmem>>
      %dma_start3A_240 = arith.constant 0 : i32
      %dma_start3A_241 = arith.constant 0 : i32
      %dma_start3A_242 = tpu.memref_slice %arg14[%dma_start3A_240, %dma_start3A_241] : memref<10240x64xbf16, #tpu.memory_space<vmem_shared>> -> memref<10240x64xbf16, #tpu.memory_space<vmem_shared>>
      tpu.enqueue_indirect_dma source(%arg10 : memref<128x64xbf16, #tpu.memory_space<vmem>>) target(%dma_start3A_242 : memref<10240x64xbf16, #tpu.memory_space<vmem_shared>>) offsets(%dma_start3A_239 : memref<128xi32, #tpu.memory_space<vmem>>) semaphore(%arg20 : memref<!tpu.dma_semaphore, #tpu.memory_space<semaphore_mem>>) {add = true}
      %mul3A_243 = arith.constant 4 : i32
      %mul3A_244 = arith.muli %mul3A_243, %scan3A_171 : i32
      %add3A_245 = arith.constant 4 : i32
      %add3A_246 = arith.addi %add3A_245, %mul3A_244 : i32
      %add3A_247 = arith.constant 2 : i32
      %add3A_248 = arith.addi %add3A_246, %add3A_247 : i32
      %dma_wait3A_249 = arith.constant 0 : i32
      %dma_wait3A_250 = arith.constant 0 : i32
      %dma_wait3A_251 = tpu.memref_slice %arg7[%dma_wait3A_249, %dma_wait3A_250] : memref<40x128xi32, #tpu.memory_space<vmem>> -> memref<1x128xi32, #tpu.memory_space<vmem>>
      %dma_wait3A_252 = tpu.memref_squeeze %dma_wait3A_251 : memref<1x128xi32, #tpu.memory_space<vmem>> -> memref<128xi32, #tpu.memory_space<vmem>>
      %dma_wait3A_253 = arith.constant 0 : i32
      %dma_wait3A_254 = arith.constant 0 : i32
      %dma_wait3A_255 = tpu.memref_slice %arg13[%dma_wait3A_253, %dma_wait3A_254] : memref<10240x64xbf16, #tpu.memory_space<vmem_shared>> -> memref<10240x64xbf16, #tpu.memory_space<vmem_shared>>
      tpu.wait_indirect_dma semaphore(%arg17 : memref<!tpu.dma_semaphore, #tpu.memory_space<semaphore_mem>>) src(%dma_wait3A_255 : memref<10240x64xbf16, #tpu.memory_space<vmem_shared>>) dst(%arg11 : memref<128x64xbf16, #tpu.memory_space<vmem>>)
      %dma_wait3A_256 = arith.constant 0 : i32
      %dma_wait3A_257 = arith.constant 0 : i32
      %dma_wait3A_258 = tpu.memref_slice %arg8[%dma_wait3A_256, %dma_wait3A_257] : memref<40x128xi32, #tpu.memory_space<vmem>> -> memref<1x128xi32, #tpu.memory_space<vmem>>
      %dma_wait3A_259 = tpu.memref_squeeze %dma_wait3A_258 : memref<1x128xi32, #tpu.memory_space<vmem>> -> memref<128xi32, #tpu.memory_space<vmem>>
      %dma_wait3A_260 = arith.constant 0 : i32
      %dma_wait3A_261 = arith.constant 0 : i32
      %dma_wait3A_262 = tpu.memref_slice %arg14[%dma_wait3A_260, %dma_wait3A_261] : memref<10240x64xbf16, #tpu.memory_space<vmem_shared>> -> memref<10240x64xbf16, #tpu.memory_space<vmem_shared>>
      tpu.wait_indirect_dma semaphore(%arg20 : memref<!tpu.dma_semaphore, #tpu.memory_space<semaphore_mem>>) src(%arg10 : memref<128x64xbf16, #tpu.memory_space<vmem>>) dst(%dma_wait3A_262 : memref<10240x64xbf16, #tpu.memory_space<vmem_shared>>)
      %add3A_263 = arith.constant 3 : i32
      %add3A_264 = arith.addi %add3A_248, %add3A_263 : i32
      %min3A_265 = arith.constant 39 : i32
      %min3A_266 = arith.minsi %add3A_264, %min3A_265 : i32
      %dma_start3A_267 = arith.constant 0 : i32
      %dma_start3A_268 = tpu.memref_slice %arg7[%min3A_266, %dma_start3A_267] : memref<40x128xi32, #tpu.memory_space<vmem>> -> memref<1x128xi32, #tpu.memory_space<vmem>>
      %dma_start3A_269 = tpu.memref_squeeze %dma_start3A_268 : memref<1x128xi32, #tpu.memory_space<vmem>> -> memref<128xi32, #tpu.memory_space<vmem>>
      %dma_start3A_270 = arith.constant 0 : i32
      %dma_start3A_271 = arith.constant 0 : i32
      %dma_start3A_272 = tpu.memref_slice %arg13[%dma_start3A_270, %dma_start3A_271] : memref<10240x64xbf16, #tpu.memory_space<vmem_shared>> -> memref<10240x64xbf16, #tpu.memory_space<vmem_shared>>
      tpu.enqueue_indirect_dma source(%dma_start3A_272 : memref<10240x64xbf16, #tpu.memory_space<vmem_shared>>) target(%arg10 : memref<128x64xbf16, #tpu.memory_space<vmem>>) offsets(%dma_start3A_269 : memref<128xi32, #tpu.memory_space<vmem>>) semaphore(%arg16 : memref<!tpu.dma_semaphore, #tpu.memory_space<semaphore_mem>>)
      %dma_start3A_273 = arith.constant 0 : i32
      %dma_start3A_274 = tpu.memref_slice %arg8[%add3A_248, %dma_start3A_273] : memref<40x128xi32, #tpu.memory_space<vmem>> -> memref<1x128xi32, #tpu.memory_space<vmem>>
      %dma_start3A_275 = tpu.memref_squeeze %dma_start3A_274 : memref<1x128xi32, #tpu.memory_space<vmem>> -> memref<128xi32, #tpu.memory_space<vmem>>
      %dma_start3A_276 = arith.constant 0 : i32
      %dma_start3A_277 = arith.constant 0 : i32
      %dma_start3A_278 = tpu.memref_slice %arg14[%dma_start3A_276, %dma_start3A_277] : memref<10240x64xbf16, #tpu.memory_space<vmem_shared>> -> memref<10240x64xbf16, #tpu.memory_space<vmem_shared>>
      tpu.enqueue_indirect_dma source(%arg11 : memref<128x64xbf16, #tpu.memory_space<vmem>>) target(%dma_start3A_278 : memref<10240x64xbf16, #tpu.memory_space<vmem_shared>>) offsets(%dma_start3A_275 : memref<128xi32, #tpu.memory_space<vmem>>) semaphore(%arg21 : memref<!tpu.dma_semaphore, #tpu.memory_space<semaphore_mem>>) {add = true}
      %mul3A_279 = arith.constant 4 : i32
      %mul3A_280 = arith.muli %mul3A_279, %scan3A_171 : i32
      %add3A_281 = arith.constant 4 : i32
      %add3A_282 = arith.addi %add3A_281, %mul3A_280 : i32
      %add3A_283 = arith.constant 3 : i32
      %add3A_284 = arith.addi %add3A_282, %add3A_283 : i32
      %dma_wait3A_285 = arith.constant 0 : i32
      %dma_wait3A_286 = arith.constant 0 : i32
      %dma_wait3A_287 = tpu.memref_slice %arg7[%dma_wait3A_285, %dma_wait3A_286] : memref<40x128xi32, #tpu.memory_space<vmem>> -> memref<1x128xi32, #tpu.memory_space<vmem>>
      %dma_wait3A_288 = tpu.memref_squeeze %dma_wait3A_287 : memref<1x128xi32, #tpu.memory_space<vmem>> -> memref<128xi32, #tpu.memory_space<vmem>>
      %dma_wait3A_289 = arith.constant 0 : i32
      %dma_wait3A_290 = arith.constant 0 : i32
      %dma_wait3A_291 = tpu.memref_slice %arg13[%dma_wait3A_289, %dma_wait3A_290] : memref<10240x64xbf16, #tpu.memory_space<vmem_shared>> -> memref<10240x64xbf16, #tpu.memory_space<vmem_shared>>
      tpu.wait_indirect_dma semaphore(%arg18 : memref<!tpu.dma_semaphore, #tpu.memory_space<semaphore_mem>>) src(%dma_wait3A_291 : memref<10240x64xbf16, #tpu.memory_space<vmem_shared>>) dst(%arg12 : memref<128x64xbf16, #tpu.memory_space<vmem>>)
      %dma_wait3A_292 = arith.constant 0 : i32
      %dma_wait3A_293 = arith.constant 0 : i32
      %dma_wait3A_294 = tpu.memref_slice %arg8[%dma_wait3A_292, %dma_wait3A_293] : memref<40x128xi32, #tpu.memory_space<vmem>> -> memref<1x128xi32, #tpu.memory_space<vmem>>
      %dma_wait3A_295 = tpu.memref_squeeze %dma_wait3A_294 : memref<1x128xi32, #tpu.memory_space<vmem>> -> memref<128xi32, #tpu.memory_space<vmem>>
      %dma_wait3A_296 = arith.constant 0 : i32
      %dma_wait3A_297 = arith.constant 0 : i32
      %dma_wait3A_298 = tpu.memref_slice %arg14[%dma_wait3A_296, %dma_wait3A_297] : memref<10240x64xbf16, #tpu.memory_space<vmem_shared>> -> memref<10240x64xbf16, #tpu.memory_space<vmem_shared>>
      tpu.wait_indirect_dma semaphore(%arg21 : memref<!tpu.dma_semaphore, #tpu.memory_space<semaphore_mem>>) src(%arg11 : memref<128x64xbf16, #tpu.memory_space<vmem>>) dst(%dma_wait3A_298 : memref<10240x64xbf16, #tpu.memory_space<vmem_shared>>)
      %add3A_299 = arith.constant 3 : i32
      %add3A_300 = arith.addi %add3A_284, %add3A_299 : i32
      %min3A_301 = arith.constant 39 : i32
      %min3A_302 = arith.minsi %add3A_300, %min3A_301 : i32
      %dma_start3A_303 = arith.constant 0 : i32
      %dma_start3A_304 = tpu.memref_slice %arg7[%min3A_302, %dma_start3A_303] : memref<40x128xi32, #tpu.memory_space<vmem>> -> memref<1x128xi32, #tpu.memory_space<vmem>>
      %dma_start3A_305 = tpu.memref_squeeze %dma_start3A_304 : memref<1x128xi32, #tpu.memory_space<vmem>> -> memref<128xi32, #tpu.memory_space<vmem>>
      %dma_start3A_306 = arith.constant 0 : i32
      %dma_start3A_307 = arith.constant 0 : i32
      %dma_start3A_308 = tpu.memref_slice %arg13[%dma_start3A_306, %dma_start3A_307] : memref<10240x64xbf16, #tpu.memory_space<vmem_shared>> -> memref<10240x64xbf16, #tpu.memory_space<vmem_shared>>
      tpu.enqueue_indirect_dma source(%dma_start3A_308 : memref<10240x64xbf16, #tpu.memory_space<vmem_shared>>) target(%arg11 : memref<128x64xbf16, #tpu.memory_space<vmem>>) offsets(%dma_start3A_305 : memref<128xi32, #tpu.memory_space<vmem>>) semaphore(%arg17 : memref<!tpu.dma_semaphore, #tpu.memory_space<semaphore_mem>>)
      %dma_start3A_309 = arith.constant 0 : i32
      %dma_start3A_310 = tpu.memref_slice %arg8[%add3A_284, %dma_start3A_309] : memref<40x128xi32, #tpu.memory_space<vmem>> -> memref<1x128xi32, #tpu.memory_space<vmem>>
      %dma_start3A_311 = tpu.memref_squeeze %dma_start3A_310 : memref<1x128xi32, #tpu.memory_space<vmem>> -> memref<128xi32, #tpu.memory_space<vmem>>
      %dma_start3A_312 = arith.constant 0 : i32
      %dma_start3A_313 = arith.constant 0 : i32
      %dma_start3A_314 = tpu.memref_slice %arg14[%dma_start3A_312, %dma_start3A_313] : memref<10240x64xbf16, #tpu.memory_space<vmem_shared>> -> memref<10240x64xbf16, #tpu.memory_space<vmem_shared>>
      tpu.enqueue_indirect_dma source(%arg12 : memref<128x64xbf16, #tpu.memory_space<vmem>>) target(%dma_start3A_314 : memref<10240x64xbf16, #tpu.memory_space<vmem_shared>>) offsets(%dma_start3A_311 : memref<128xi32, #tpu.memory_space<vmem>>) semaphore(%arg22 : memref<!tpu.dma_semaphore, #tpu.memory_space<semaphore_mem>>) {add = true}
    }
    %scan3A_141 = arith.constant 9 : i32
    %dma_wait3A_142 = arith.constant 0 : i32
    %dma_wait3A_143 = arith.constant 0 : i32
    %dma_wait3A_144 = tpu.memref_slice %arg8[%dma_wait3A_142, %dma_wait3A_143] : memref<40x128xi32, #tpu.memory_space<vmem>> -> memref<1x128xi32, #tpu.memory_space<vmem>>
    %dma_wait3A_145 = tpu.memref_squeeze %dma_wait3A_144 : memref<1x128xi32, #tpu.memory_space<vmem>> -> memref<128xi32, #tpu.memory_space<vmem>>
    %dma_wait3A_146 = arith.constant 0 : i32
    %dma_wait3A_147 = arith.constant 0 : i32
    %dma_wait3A_148 = tpu.memref_slice %arg14[%dma_wait3A_146, %dma_wait3A_147] : memref<10240x64xbf16, #tpu.memory_space<vmem_shared>> -> memref<10240x64xbf16, #tpu.memory_space<vmem_shared>>
    tpu.wait_indirect_dma semaphore(%arg22 : memref<!tpu.dma_semaphore, #tpu.memory_space<semaphore_mem>>) src(%arg12 : memref<128x64xbf16, #tpu.memory_space<vmem>>) dst(%dma_wait3A_148 : memref<10240x64xbf16, #tpu.memory_space<vmem_shared>>)
    %dma_wait3A_149 = arith.constant 0 : i32
    %dma_wait3A_150 = arith.constant 0 : i32
    %dma_wait3A_151 = tpu.memref_slice %arg7[%dma_wait3A_149, %dma_wait3A_150] : memref<40x128xi32, #tpu.memory_space<vmem>> -> memref<1x128xi32, #tpu.memory_space<vmem>>
    %dma_wait3A_152 = tpu.memref_squeeze %dma_wait3A_151 : memref<1x128xi32, #tpu.memory_space<vmem>> -> memref<128xi32, #tpu.memory_space<vmem>>
    %dma_wait3A_153 = arith.constant 0 : i32
    %dma_wait3A_154 = arith.constant 0 : i32
    %dma_wait3A_155 = tpu.memref_slice %arg13[%dma_wait3A_153, %dma_wait3A_154] : memref<10240x64xbf16, #tpu.memory_space<vmem_shared>> -> memref<10240x64xbf16, #tpu.memory_space<vmem_shared>>
    tpu.wait_indirect_dma semaphore(%arg15 : memref<!tpu.dma_semaphore, #tpu.memory_space<semaphore_mem>>) src(%dma_wait3A_155 : memref<10240x64xbf16, #tpu.memory_space<vmem_shared>>) dst(%arg9 : memref<128x64xbf16, #tpu.memory_space<vmem>>)
    %dma_wait3A_156 = arith.constant 0 : i32
    %dma_wait3A_157 = arith.constant 0 : i32
    %dma_wait3A_158 = tpu.memref_slice %arg7[%dma_wait3A_156, %dma_wait3A_157] : memref<40x128xi32, #tpu.memory_space<vmem>> -> memref<1x128xi32, #tpu.memory_space<vmem>>
    %dma_wait3A_159 = tpu.memref_squeeze %dma_wait3A_158 : memref<1x128xi32, #tpu.memory_space<vmem>> -> memref<128xi32, #tpu.memory_space<vmem>>
    %dma_wait3A_160 = arith.constant 0 : i32
    %dma_wait3A_161 = arith.constant 0 : i32
    %dma_wait3A_162 = tpu.memref_slice %arg13[%dma_wait3A_160, %dma_wait3A_161] : memref<10240x64xbf16, #tpu.memory_space<vmem_shared>> -> memref<10240x64xbf16, #tpu.memory_space<vmem_shared>>
    tpu.wait_indirect_dma semaphore(%arg16 : memref<!tpu.dma_semaphore, #tpu.memory_space<semaphore_mem>>) src(%dma_wait3A_162 : memref<10240x64xbf16, #tpu.memory_space<vmem_shared>>) dst(%arg10 : memref<128x64xbf16, #tpu.memory_space<vmem>>)
    %dma_wait3A_163 = arith.constant 0 : i32
    %dma_wait3A_164 = arith.constant 0 : i32
    %dma_wait3A_165 = tpu.memref_slice %arg7[%dma_wait3A_163, %dma_wait3A_164] : memref<40x128xi32, #tpu.memory_space<vmem>> -> memref<1x128xi32, #tpu.memory_space<vmem>>
    %dma_wait3A_166 = tpu.memref_squeeze %dma_wait3A_165 : memref<1x128xi32, #tpu.memory_space<vmem>> -> memref<128xi32, #tpu.memory_space<vmem>>
    %dma_wait3A_167 = arith.constant 0 : i32
    %dma_wait3A_168 = arith.constant 0 : i32
    %dma_wait3A_169 = tpu.memref_slice %arg13[%dma_wait3A_167, %dma_wait3A_168] : memref<10240x64xbf16, #tpu.memory_space<vmem_shared>> -> memref<10240x64xbf16, #tpu.memory_space<vmem_shared>>
    tpu.wait_indirect_dma semaphore(%arg17 : memref<!tpu.dma_semaphore, #tpu.memory_space<semaphore_mem>>) src(%dma_wait3A_169 : memref<10240x64xbf16, #tpu.memory_space<vmem_shared>>) dst(%arg11 : memref<128x64xbf16, #tpu.memory_space<vmem>>)
    %barrier3A_170 = arith.constant 0 : index
    tpu.barrier barrier_id(%barrier3A_170)
    "tpu.region"() ({
      %run_scoped3A = tpu.sem_alloc : memref<!tpu.dma_semaphore, #tpu.memory_space<semaphore_mem>>
      %dma_start3A_171 = arith.constant 0 : i32
      %dma_start3A_172 = tpu.memref_slice %arg6[%arg0, %mul3A_2, %dma_start3A_171] : memref<2x10240x64xbf16, #tpu.memory_space<hbm>> -> memref<1x640x64xbf16, #tpu.memory_space<hbm>>
      %dma_start3A_173 = tpu.memref_squeeze %dma_start3A_172 : memref<1x640x64xbf16, #tpu.memory_space<hbm>> -> memref<640x64xbf16, #tpu.memory_space<hbm>>
      %dma_start3A_174 = arith.constant 0 : i32
      %dma_start3A_175 = tpu.memref_slice %arg14[%mul3A_2, %dma_start3A_174] : memref<10240x64xbf16, #tpu.memory_space<vmem_shared>> -> memref<640x64xbf16, #tpu.memory_space<vmem_shared>>
      tpu.enqueue_dma source(%dma_start3A_175 : memref<640x64xbf16, #tpu.memory_space<vmem_shared>>) target(%dma_start3A_173 : memref<640x64xbf16, #tpu.memory_space<hbm>>) target_semaphore(%run_scoped3A : memref<!tpu.dma_semaphore, #tpu.memory_space<semaphore_mem>>)
      %dma_wait3A_176 = arith.constant 0 : i32
      %dma_wait3A_177 = tpu.memref_slice %arg6[%arg0, %mul3A_2, %dma_wait3A_176] : memref<2x10240x64xbf16, #tpu.memory_space<hbm>> -> memref<1x640x64xbf16, #tpu.memory_space<hbm>>
      %dma_wait3A_178 = tpu.memref_squeeze %dma_wait3A_177 : memref<1x640x64xbf16, #tpu.memory_space<hbm>> -> memref<640x64xbf16, #tpu.memory_space<hbm>>
      %dma_wait3A_179 = arith.constant 0 : i32
      %dma_wait3A_180 = tpu.memref_slice %arg14[%mul3A_2, %dma_wait3A_179] : memref<10240x64xbf16, #tpu.memory_space<vmem_shared>> -> memref<640x64xbf16, #tpu.memory_space<vmem_shared>>
      tpu.wait_dma2 semaphore(%run_scoped3A : memref<!tpu.dma_semaphore, #tpu.memory_space<semaphore_mem>>) src(%dma_wait3A_180 : memref<640x64xbf16, #tpu.memory_space<vmem_shared>>) dst(%dma_wait3A_178 : memref<640x64xbf16, #tpu.memory_space<hbm>>)
      tpu.yield
    }) : () -> ()
    return
  }
}

module attributes {stable_mosaic.version = 14 : i64} {
  func.func @_tc1_body(%arg0: i32, %arg1: memref<2x1000x16xf32, #tpu.memory_space<vmem>>, %arg2: memref<1000x256xf32, #tpu.memory_space<vmem>>, %arg3: memref<256x64xf32, #tpu.memory_space<vmem>>, %arg4: memref<1000x64xbf16, #tpu.memory_space<vmem>>, %arg5: memref<1000x1xf32, #tpu.memory_space<vmem>>) attributes {dimension_semantics = [#tpu.dimension_semantics<arbitrary>], iteration_bounds = array<i64: 10>, scalar_prefetch = 0 : i64, scratch_operands = 0 : i64, tpu.core_type = #tpu.core_type<tc>, window_params = [{transform_indices = @transform_0, window_bounds = array<i64: 2, 1000, 16>}, {transform_indices = @transform_1, window_bounds = array<i64: 1000, 256>}, {pipeline_mode = #tpu.pipeline_mode<synchronous>, transform_indices = @transform_2, window_bounds = array<i64: 256, 64>}, {transform_indices = @transform_3, window_bounds = array<i64: 1000, 64>}, {transform_indices = @transform_4, window_bounds = array<i64: 1000, 1>}]} {
    %get3A = arith.constant 0 : index
    %get3A_0 = arith.constant 0 : index
    %get3A_1 = arith.constant 0 : index
    %get3A_2 = vector.load %arg1[%get3A, %get3A_0, %get3A_1] : memref<2x1000x16xf32, #tpu.memory_space<vmem>>, vector<1x1000x1xf32>
    %get3A_3 = vector.shape_cast %get3A_2 : vector<1x1000x1xf32> to vector<1000x1xf32>
    %get3A_4 = arith.constant 1 : index
    %get3A_5 = arith.constant 0 : index
    %get3A_6 = arith.constant 0 : index
    %get3A_7 = vector.load %arg1[%get3A_4, %get3A_5, %get3A_6] : memref<2x1000x16xf32, #tpu.memory_space<vmem>>, vector<1x1000x1xf32>
    %get3A_8 = vector.shape_cast %get3A_7 : vector<1x1000x1xf32> to vector<1000x1xf32>
    %add3A = arith.addf %get3A_3, %get3A_8 : vector<1000x1xf32>
    %add3A_9 = arith.constant 1.000000e+00 : f32
    %add3A_10 = vector.broadcast %add3A_9 : f32 to vector<1000x1xf32>
    %add3A_11 = arith.addf %add3A, %add3A_10 : vector<1000x1xf32>
    %rsqrt3A = math.rsqrt %add3A_11 : vector<1000x1xf32>
    %get3A_12 = arith.constant 0 : index
    %get3A_13 = arith.constant 0 : index
    %get3A_14 = vector.load %arg2[%get3A_12, %get3A_13] : memref<1000x256xf32, #tpu.memory_space<vmem>>, vector<1000x256xf32>
    %get3A_15 = arith.constant 0 : index
    %get3A_16 = arith.constant 0 : index
    %get3A_17 = vector.load %arg3[%get3A_15, %get3A_16] : memref<256x64xf32, #tpu.memory_space<vmem>>, vector<256x64xf32>
    %dot_general3A = arith.constant dense<0.000000e+00> : vector<1000x64xf32>
    %dot_general3A_18 = tpu.matmul %get3A_14, %get3A_17, %dot_general3A {dimension_numbers = #tpu.dot_dimension_numbers<[1], [0], [0], [1], [0, 0, 1, 1], [], []>, transpose_lhs_hint = false} : vector<1000x256xf32>, vector<256x64xf32>, vector<1000x64xf32> -> vector<1000x64xf32>
    %mul3A = vector.broadcast %rsqrt3A : vector<1000x1xf32> to vector<1000x64xf32>
    %mul3A_19 = arith.mulf %dot_general3A_18, %mul3A : vector<1000x64xf32>
    %convert_element_type3A = arith.truncf %mul3A_19 : vector<1000x64xf32> to vector<1000x64xbf16>
    %swap3A = arith.constant 0 : index
    %swap3A_20 = arith.constant 0 : index
    %swap3A_21 = vector.load %arg4[%swap3A, %swap3A_20] : memref<1000x64xbf16, #tpu.memory_space<vmem>>, vector<1000x64xbf16>
    tpu.vector_store %arg4[%swap3A, %swap3A_20], %convert_element_type3A {strides = array<i32>} : memref<1000x64xbf16, #tpu.memory_space<vmem>>, vector<1000x64xbf16>,
    %swap3A_22 = arith.constant 0 : index
    %swap3A_23 = arith.constant 0 : index
    %swap3A_24 = vector.load %arg5[%swap3A_22, %swap3A_23] : memref<1000x1xf32, #tpu.memory_space<vmem>>, vector<1000x1xf32>
    tpu.vector_store %arg5[%swap3A_22, %swap3A_23], %rsqrt3A {strides = array<i32>} : memref<1000x1xf32, #tpu.memory_space<vmem>>, vector<1000x1xf32>,
    return
  }
  func.func @transform_0(%arg0: i32) -> (i32, i32, i32) {
    %c0_i32 = arith.constant 0 : i32
    %c0_i32_0 = arith.constant 0 : i32
    %c0_i32_1 = arith.constant 0 : i32
    return %c0_i32, %arg0, %c0_i32_0 : i32, i32, i32
  }
  func.func @transform_1(%arg0: i32) -> (i32, i32) {
    %c0_i32 = arith.constant 0 : i32
    %c0_i32_0 = arith.constant 0 : i32
    return %arg0, %c0_i32 : i32, i32
  }
  func.func @transform_2(%arg0: i32) -> (i32, i32) {
    %c0_i32 = arith.constant 0 : i32
    %c0_i32_0 = arith.constant 0 : i32
    %c0_i32_1 = arith.constant 0 : i32
    return %c0_i32, %c0_i32_0 : i32, i32
  }
  func.func @transform_3(%arg0: i32) -> (i32, i32) {
    %c0_i32 = arith.constant 0 : i32
    %c0_i32_0 = arith.constant 0 : i32
    return %arg0, %c0_i32 : i32, i32
  }
  func.func @transform_4(%arg0: i32) -> (i32, i32) {
    %c0_i32 = arith.constant 0 : i32
    %c0_i32_0 = arith.constant 0 : i32
    return %arg0, %c0_i32 : i32, i32
  }
}

module attributes {stable_mosaic.version = 14 : i64} {
  func.func @_tc_mid_body(%arg0: i32, %arg1: memref<2x1000x64xbf16, #tpu.memory_space<vmem>>, %arg2: memref<1000x64xbf16, #tpu.memory_space<vmem>>, %arg3: memref<1000x1xf32, #tpu.memory_space<vmem>>, %arg4: memref<64xf32, #tpu.memory_space<vmem>>, %arg5: memref<64x32xf32, #tpu.memory_space<vmem>>, %arg6: memref<1000x32xbf16, #tpu.memory_space<vmem>>) attributes {dimension_semantics = [#tpu.dimension_semantics<arbitrary>], iteration_bounds = array<i64: 10>, scalar_prefetch = 0 : i64, scratch_operands = 0 : i64, tpu.core_type = #tpu.core_type<tc>, window_params = [{transform_indices = @transform_0, window_bounds = array<i64: 2, 1000, 64>}, {transform_indices = @transform_1, window_bounds = array<i64: 1000, 64>}, {transform_indices = @transform_2, window_bounds = array<i64: 1000, 1>}, {pipeline_mode = #tpu.pipeline_mode<synchronous>, transform_indices = @transform_3, window_bounds = array<i64: 64>}, {pipeline_mode = #tpu.pipeline_mode<synchronous>, transform_indices = @transform_4, window_bounds = array<i64: 64, 32>}, {transform_indices = @transform_5, window_bounds = array<i64: 1000, 32>}]} {
    %get3A = arith.constant 0 : index
    %get3A_0 = arith.constant 0 : index
    %get3A_1 = vector.load %arg3[%get3A, %get3A_0] : memref<1000x1xf32, #tpu.memory_space<vmem>>, vector<1000x1xf32>
    %get3A_2 = arith.constant 0 : index
    %get3A_3 = arith.constant 0 : index
    %get3A_4 = arith.constant 0 : index
    %get3A_5 = vector.load %arg1[%get3A_2, %get3A_3, %get3A_4] : memref<2x1000x64xbf16, #tpu.memory_space<vmem>>, vector<1x1000x64xbf16>
    %get3A_6 = vector.shape_cast %get3A_5 : vector<1x1000x64xbf16> to vector<1000x64xbf16>
    %convert_element_type3A = arith.extf %get3A_6 : vector<1000x64xbf16> to vector<1000x64xf32>
    %get3A_7 = arith.constant 1 : index
    %get3A_8 = arith.constant 0 : index
    %get3A_9 = arith.constant 0 : index
    %get3A_10 = vector.load %arg1[%get3A_7, %get3A_8, %get3A_9] : memref<2x1000x64xbf16, #tpu.memory_space<vmem>>, vector<1x1000x64xbf16>
    %get3A_11 = vector.shape_cast %get3A_10 : vector<1x1000x64xbf16> to vector<1000x64xbf16>
    %convert_element_type3A_12 = arith.extf %get3A_11 : vector<1000x64xbf16> to vector<1000x64xf32>
    %add3A = arith.addf %convert_element_type3A, %convert_element_type3A_12 : vector<1000x64xf32>
    %get3A_13 = arith.constant 0 : index
    %get3A_14 = arith.constant 0 : index
    %get3A_15 = vector.load %arg2[%get3A_13, %get3A_14] : memref<1000x64xbf16, #tpu.memory_space<vmem>>, vector<1000x64xbf16>
    %convert_element_type3A_16 = arith.extf %get3A_15 : vector<1000x64xbf16> to vector<1000x64xf32>
    %add3A_17 = arith.addf %add3A, %convert_element_type3A_16 : vector<1000x64xf32>
    %mul3A = vector.broadcast %get3A_1 : vector<1000x1xf32> to vector<1000x64xf32>
    %mul3A_18 = arith.mulf %add3A_17, %mul3A : vector<1000x64xf32>
    %get3A_19 = arith.constant 0 : index
    %get3A_20 = vector.load %arg4[%get3A_19] : memref<64xf32, #tpu.memory_space<vmem>>, vector<64xf32>
    %broadcast_in_dim3A = vector.shape_cast %get3A_20 : vector<64xf32> to vector<1x64xf32>
    %add3A_21 = vector.broadcast %broadcast_in_dim3A : vector<1x64xf32> to vector<1000x64xf32>
    %add3A_22 = arith.addf %mul3A_18, %add3A_21 : vector<1000x64xf32>
    %max3A = arith.constant 0.000000e+00 : f32
    %max3A_23 = vector.broadcast %max3A : f32 to vector<1000x64xf32>
    %max3A_24 = arith.maximumf %add3A_22, %max3A_23 : vector<1000x64xf32>
    %get3A_25 = arith.constant 0 : index
    %get3A_26 = arith.constant 0 : index
    %get3A_27 = vector.load %arg5[%get3A_25, %get3A_26] : memref<64x32xf32, #tpu.memory_space<vmem>>, vector<64x32xf32>
    %dot_general3A = arith.constant dense<0.000000e+00> : vector<1000x32xf32>
    %dot_general3A_28 = tpu.matmul %max3A_24, %get3A_27, %dot_general3A {dimension_numbers = #tpu.dot_dimension_numbers<[1], [0], [0], [1], [0, 0, 1, 1], [], []>, transpose_lhs_hint = false} : vector<1000x64xf32>, vector<64x32xf32>, vector<1000x32xf32> -> vector<1000x32xf32>
    %mul3A_29 = vector.broadcast %get3A_1 : vector<1000x1xf32> to vector<1000x32xf32>
    %mul3A_30 = arith.mulf %dot_general3A_28, %mul3A_29 : vector<1000x32xf32>
    %convert_element_type3A_31 = arith.truncf %mul3A_30 : vector<1000x32xf32> to vector<1000x32xbf16>
    %swap3A = arith.constant 0 : index
    %swap3A_32 = arith.constant 0 : index
    %swap3A_33 = vector.load %arg6[%swap3A, %swap3A_32] : memref<1000x32xbf16, #tpu.memory_space<vmem>>, vector<1000x32xbf16>
    tpu.vector_store %arg6[%swap3A, %swap3A_32], %convert_element_type3A_31 {strides = array<i32>} : memref<1000x32xbf16, #tpu.memory_space<vmem>>, vector<1000x32xbf16>,
    return
  }
  func.func @transform_0(%arg0: i32) -> (i32, i32, i32) {
    %c0_i32 = arith.constant 0 : i32
    %c0_i32_0 = arith.constant 0 : i32
    %c0_i32_1 = arith.constant 0 : i32
    return %c0_i32, %arg0, %c0_i32_0 : i32, i32, i32
  }
  func.func @transform_1(%arg0: i32) -> (i32, i32) {
    %c0_i32 = arith.constant 0 : i32
    %c0_i32_0 = arith.constant 0 : i32
    return %arg0, %c0_i32 : i32, i32
  }
  func.func @transform_2(%arg0: i32) -> (i32, i32) {
    %c0_i32 = arith.constant 0 : i32
    %c0_i32_0 = arith.constant 0 : i32
    return %arg0, %c0_i32 : i32, i32
  }
  func.func @transform_3(%arg0: i32) -> i32 {
    %c0_i32 = arith.constant 0 : i32
    %c0_i32_0 = arith.constant 0 : i32
    return %c0_i32 : i32
  }
  func.func @transform_4(%arg0: i32) -> (i32, i32) {
    %c0_i32 = arith.constant 0 : i32
    %c0_i32_0 = arith.constant 0 : i32
    %c0_i32_1 = arith.constant 0 : i32
    return %c0_i32, %c0_i32_0 : i32, i32
  }
  func.func @transform_5(%arg0: i32) -> (i32, i32) {
    %c0_i32 = arith.constant 0 : i32
    %c0_i32_0 = arith.constant 0 : i32
    return %arg0, %c0_i32 : i32, i32
  }
}

module attributes {stable_mosaic.version = 14 : i64} {
  func.func @_tc_mid_body(%arg0: i32, %arg1: memref<2x1000x32xbf16, #tpu.memory_space<vmem>>, %arg2: memref<1000x32xbf16, #tpu.memory_space<vmem>>, %arg3: memref<1000x1xf32, #tpu.memory_space<vmem>>, %arg4: memref<32xf32, #tpu.memory_space<vmem>>, %arg5: memref<32x16xf32, #tpu.memory_space<vmem>>, %arg6: memref<1000x16xbf16, #tpu.memory_space<vmem>>) attributes {dimension_semantics = [#tpu.dimension_semantics<arbitrary>], iteration_bounds = array<i64: 10>, scalar_prefetch = 0 : i64, scratch_operands = 0 : i64, tpu.core_type = #tpu.core_type<tc>, window_params = [{transform_indices = @transform_0, window_bounds = array<i64: 2, 1000, 32>}, {transform_indices = @transform_1, window_bounds = array<i64: 1000, 32>}, {transform_indices = @transform_2, window_bounds = array<i64: 1000, 1>}, {pipeline_mode = #tpu.pipeline_mode<synchronous>, transform_indices = @transform_3, window_bounds = array<i64: 32>}, {pipeline_mode = #tpu.pipeline_mode<synchronous>, transform_indices = @transform_4, window_bounds = array<i64: 32, 16>}, {transform_indices = @transform_5, window_bounds = array<i64: 1000, 16>}]} {
    %get3A = arith.constant 0 : index
    %get3A_0 = arith.constant 0 : index
    %get3A_1 = vector.load %arg3[%get3A, %get3A_0] : memref<1000x1xf32, #tpu.memory_space<vmem>>, vector<1000x1xf32>
    %get3A_2 = arith.constant 0 : index
    %get3A_3 = arith.constant 0 : index
    %get3A_4 = arith.constant 0 : index
    %get3A_5 = vector.load %arg1[%get3A_2, %get3A_3, %get3A_4] : memref<2x1000x32xbf16, #tpu.memory_space<vmem>>, vector<1x1000x32xbf16>
    %get3A_6 = vector.shape_cast %get3A_5 : vector<1x1000x32xbf16> to vector<1000x32xbf16>
    %convert_element_type3A = arith.extf %get3A_6 : vector<1000x32xbf16> to vector<1000x32xf32>
    %get3A_7 = arith.constant 1 : index
    %get3A_8 = arith.constant 0 : index
    %get3A_9 = arith.constant 0 : index
    %get3A_10 = vector.load %arg1[%get3A_7, %get3A_8, %get3A_9] : memref<2x1000x32xbf16, #tpu.memory_space<vmem>>, vector<1x1000x32xbf16>
    %get3A_11 = vector.shape_cast %get3A_10 : vector<1x1000x32xbf16> to vector<1000x32xbf16>
    %convert_element_type3A_12 = arith.extf %get3A_11 : vector<1000x32xbf16> to vector<1000x32xf32>
    %add3A = arith.addf %convert_element_type3A, %convert_element_type3A_12 : vector<1000x32xf32>
    %get3A_13 = arith.constant 0 : index
    %get3A_14 = arith.constant 0 : index
    %get3A_15 = vector.load %arg2[%get3A_13, %get3A_14] : memref<1000x32xbf16, #tpu.memory_space<vmem>>, vector<1000x32xbf16>
    %convert_element_type3A_16 = arith.extf %get3A_15 : vector<1000x32xbf16> to vector<1000x32xf32>
    %add3A_17 = arith.addf %add3A, %convert_element_type3A_16 : vector<1000x32xf32>
    %mul3A = vector.broadcast %get3A_1 : vector<1000x1xf32> to vector<1000x32xf32>
    %mul3A_18 = arith.mulf %add3A_17, %mul3A : vector<1000x32xf32>
    %get3A_19 = arith.constant 0 : index
    %get3A_20 = vector.load %arg4[%get3A_19] : memref<32xf32, #tpu.memory_space<vmem>>, vector<32xf32>
    %broadcast_in_dim3A = vector.shape_cast %get3A_20 : vector<32xf32> to vector<1x32xf32>
    %add3A_21 = vector.broadcast %broadcast_in_dim3A : vector<1x32xf32> to vector<1000x32xf32>
    %add3A_22 = arith.addf %mul3A_18, %add3A_21 : vector<1000x32xf32>
    %max3A = arith.constant 0.000000e+00 : f32
    %max3A_23 = vector.broadcast %max3A : f32 to vector<1000x32xf32>
    %max3A_24 = arith.maximumf %add3A_22, %max3A_23 : vector<1000x32xf32>
    %get3A_25 = arith.constant 0 : index
    %get3A_26 = arith.constant 0 : index
    %get3A_27 = vector.load %arg5[%get3A_25, %get3A_26] : memref<32x16xf32, #tpu.memory_space<vmem>>, vector<32x16xf32>
    %dot_general3A = arith.constant dense<0.000000e+00> : vector<1000x16xf32>
    %dot_general3A_28 = tpu.matmul %max3A_24, %get3A_27, %dot_general3A {dimension_numbers = #tpu.dot_dimension_numbers<[1], [0], [0], [1], [0, 0, 1, 1], [], []>, transpose_lhs_hint = false} : vector<1000x32xf32>, vector<32x16xf32>, vector<1000x16xf32> -> vector<1000x16xf32>
    %mul3A_29 = vector.broadcast %get3A_1 : vector<1000x1xf32> to vector<1000x16xf32>
    %mul3A_30 = arith.mulf %dot_general3A_28, %mul3A_29 : vector<1000x16xf32>
    %convert_element_type3A_31 = arith.truncf %mul3A_30 : vector<1000x16xf32> to vector<1000x16xbf16>
    %swap3A = arith.constant 0 : index
    %swap3A_32 = arith.constant 0 : index
    %swap3A_33 = vector.load %arg6[%swap3A, %swap3A_32] : memref<1000x16xbf16, #tpu.memory_space<vmem>>, vector<1000x16xbf16>
    tpu.vector_store %arg6[%swap3A, %swap3A_32], %convert_element_type3A_31 {strides = array<i32>} : memref<1000x16xbf16, #tpu.memory_space<vmem>>, vector<1000x16xbf16>,
    return
  }
  func.func @transform_0(%arg0: i32) -> (i32, i32, i32) {
    %c0_i32 = arith.constant 0 : i32
    %c0_i32_0 = arith.constant 0 : i32
    %c0_i32_1 = arith.constant 0 : i32
    return %c0_i32, %arg0, %c0_i32_0 : i32, i32, i32
  }
  func.func @transform_1(%arg0: i32) -> (i32, i32) {
    %c0_i32 = arith.constant 0 : i32
    %c0_i32_0 = arith.constant 0 : i32
    return %arg0, %c0_i32 : i32, i32
  }
  func.func @transform_2(%arg0: i32) -> (i32, i32) {
    %c0_i32 = arith.constant 0 : i32
    %c0_i32_0 = arith.constant 0 : i32
    return %arg0, %c0_i32 : i32, i32
  }
  func.func @transform_3(%arg0: i32) -> i32 {
    %c0_i32 = arith.constant 0 : i32
    %c0_i32_0 = arith.constant 0 : i32
    return %c0_i32 : i32
  }
  func.func @transform_4(%arg0: i32) -> (i32, i32) {
    %c0_i32 = arith.constant 0 : i32
    %c0_i32_0 = arith.constant 0 : i32
    %c0_i32_1 = arith.constant 0 : i32
    return %c0_i32, %c0_i32_0 : i32, i32
  }
  func.func @transform_5(%arg0: i32) -> (i32, i32) {
    %c0_i32 = arith.constant 0 : i32
    %c0_i32_0 = arith.constant 0 : i32
    return %arg0, %c0_i32 : i32, i32
  }
}

module attributes {stable_mosaic.version = 14 : i64} {
  func.func @_tc_last_body(%arg0: i32, %arg1: memref<2x1000x16xbf16, #tpu.memory_space<vmem>>, %arg2: memref<1000x16xbf16, #tpu.memory_space<vmem>>, %arg3: memref<1000x1xf32, #tpu.memory_space<vmem>>, %arg4: memref<16xf32, #tpu.memory_space<vmem>>, %arg5: memref<16x2xf32, #tpu.memory_space<vmem>>, %arg6: memref<2xf32, #tpu.memory_space<vmem>>, %arg7: memref<1000x2xf32, #tpu.memory_space<vmem>>) attributes {dimension_semantics = [#tpu.dimension_semantics<arbitrary>], iteration_bounds = array<i64: 10>, scalar_prefetch = 0 : i64, scratch_operands = 0 : i64, tpu.core_type = #tpu.core_type<tc>, window_params = [{transform_indices = @transform_0, window_bounds = array<i64: 2, 1000, 16>}, {transform_indices = @transform_1, window_bounds = array<i64: 1000, 16>}, {transform_indices = @transform_2, window_bounds = array<i64: 1000, 1>}, {pipeline_mode = #tpu.pipeline_mode<synchronous>, transform_indices = @transform_3, window_bounds = array<i64: 16>}, {pipeline_mode = #tpu.pipeline_mode<synchronous>, transform_indices = @transform_4, window_bounds = array<i64: 16, 2>}, {pipeline_mode = #tpu.pipeline_mode<synchronous>, transform_indices = @transform_5, window_bounds = array<i64: 2>}, {transform_indices = @transform_6, window_bounds = array<i64: 1000, 2>}]} {
    %get3A = arith.constant 0 : index
    %get3A_0 = arith.constant 0 : index
    %get3A_1 = vector.load %arg3[%get3A, %get3A_0] : memref<1000x1xf32, #tpu.memory_space<vmem>>, vector<1000x1xf32>
    %get3A_2 = arith.constant 0 : index
    %get3A_3 = arith.constant 0 : index
    %get3A_4 = arith.constant 0 : index
    %get3A_5 = vector.load %arg1[%get3A_2, %get3A_3, %get3A_4] : memref<2x1000x16xbf16, #tpu.memory_space<vmem>>, vector<1x1000x16xbf16>
    %get3A_6 = vector.shape_cast %get3A_5 : vector<1x1000x16xbf16> to vector<1000x16xbf16>
    %convert_element_type3A = arith.extf %get3A_6 : vector<1000x16xbf16> to vector<1000x16xf32>
    %get3A_7 = arith.constant 1 : index
    %get3A_8 = arith.constant 0 : index
    %get3A_9 = arith.constant 0 : index
    %get3A_10 = vector.load %arg1[%get3A_7, %get3A_8, %get3A_9] : memref<2x1000x16xbf16, #tpu.memory_space<vmem>>, vector<1x1000x16xbf16>
    %get3A_11 = vector.shape_cast %get3A_10 : vector<1x1000x16xbf16> to vector<1000x16xbf16>
    %convert_element_type3A_12 = arith.extf %get3A_11 : vector<1000x16xbf16> to vector<1000x16xf32>
    %add3A = arith.addf %convert_element_type3A, %convert_element_type3A_12 : vector<1000x16xf32>
    %get3A_13 = arith.constant 0 : index
    %get3A_14 = arith.constant 0 : index
    %get3A_15 = vector.load %arg2[%get3A_13, %get3A_14] : memref<1000x16xbf16, #tpu.memory_space<vmem>>, vector<1000x16xbf16>
    %convert_element_type3A_16 = arith.extf %get3A_15 : vector<1000x16xbf16> to vector<1000x16xf32>
    %add3A_17 = arith.addf %add3A, %convert_element_type3A_16 : vector<1000x16xf32>
    %mul3A = vector.broadcast %get3A_1 : vector<1000x1xf32> to vector<1000x16xf32>
    %mul3A_18 = arith.mulf %add3A_17, %mul3A : vector<1000x16xf32>
    %get3A_19 = arith.constant 0 : index
    %get3A_20 = vector.load %arg4[%get3A_19] : memref<16xf32, #tpu.memory_space<vmem>>, vector<16xf32>
    %broadcast_in_dim3A = vector.shape_cast %get3A_20 : vector<16xf32> to vector<1x16xf32>
    %add3A_21 = vector.broadcast %broadcast_in_dim3A : vector<1x16xf32> to vector<1000x16xf32>
    %add3A_22 = arith.addf %mul3A_18, %add3A_21 : vector<1000x16xf32>
    %max3A = arith.constant 0.000000e+00 : f32
    %max3A_23 = vector.broadcast %max3A : f32 to vector<1000x16xf32>
    %max3A_24 = arith.maximumf %add3A_22, %max3A_23 : vector<1000x16xf32>
    %get3A_25 = arith.constant 0 : index
    %get3A_26 = arith.constant 0 : index
    %get3A_27 = vector.load %arg5[%get3A_25, %get3A_26] : memref<16x2xf32, #tpu.memory_space<vmem>>, vector<16x2xf32>
    %dot_general3A = arith.constant dense<0.000000e+00> : vector<1000x2xf32>
    %dot_general3A_28 = tpu.matmul %max3A_24, %get3A_27, %dot_general3A {dimension_numbers = #tpu.dot_dimension_numbers<[1], [0], [0], [1], [0, 0, 1, 1], [], []>, transpose_lhs_hint = false} : vector<1000x16xf32>, vector<16x2xf32>, vector<1000x2xf32> -> vector<1000x2xf32>
    %get3A_29 = arith.constant 0 : index
    %get3A_30 = vector.load %arg6[%get3A_29] : memref<2xf32, #tpu.memory_space<vmem>>, vector<2xf32>
    %broadcast_in_dim3A_31 = vector.shape_cast %get3A_30 : vector<2xf32> to vector<1x2xf32>
    %add3A_32 = vector.broadcast %broadcast_in_dim3A_31 : vector<1x2xf32> to vector<1000x2xf32>
    %add3A_33 = arith.addf %dot_general3A_28, %add3A_32 : vector<1000x2xf32>
    %swap3A = arith.constant 0 : index
    %swap3A_34 = arith.constant 0 : index
    %swap3A_35 = vector.load %arg7[%swap3A, %swap3A_34] : memref<1000x2xf32, #tpu.memory_space<vmem>>, vector<1000x2xf32>
    tpu.vector_store %arg7[%swap3A, %swap3A_34], %add3A_33 {strides = array<i32>} : memref<1000x2xf32, #tpu.memory_space<vmem>>, vector<1000x2xf32>,
    return
  }
  func.func @transform_0(%arg0: i32) -> (i32, i32, i32) {
    %c0_i32 = arith.constant 0 : i32
    %c0_i32_0 = arith.constant 0 : i32
    %c0_i32_1 = arith.constant 0 : i32
    return %c0_i32, %arg0, %c0_i32_0 : i32, i32, i32
  }
  func.func @transform_1(%arg0: i32) -> (i32, i32) {
    %c0_i32 = arith.constant 0 : i32
    %c0_i32_0 = arith.constant 0 : i32
    return %arg0, %c0_i32 : i32, i32
  }
  func.func @transform_2(%arg0: i32) -> (i32, i32) {
    %c0_i32 = arith.constant 0 : i32
    %c0_i32_0 = arith.constant 0 : i32
    return %arg0, %c0_i32 : i32, i32
  }
  func.func @transform_3(%arg0: i32) -> i32 {
    %c0_i32 = arith.constant 0 : i32
    %c0_i32_0 = arith.constant 0 : i32
    return %c0_i32 : i32
  }
  func.func @transform_4(%arg0: i32) -> (i32, i32) {
    %c0_i32 = arith.constant 0 : i32
    %c0_i32_0 = arith.constant 0 : i32
    %c0_i32_1 = arith.constant 0 : i32
    return %c0_i32, %c0_i32_0 : i32, i32
  }
  func.func @transform_5(%arg0: i32) -> i32 {
    %c0_i32 = arith.constant 0 : i32
    %c0_i32_0 = arith.constant 0 : i32
    return %c0_i32 : i32
  }
  func.func @transform_6(%arg0: i32) -> (i32, i32) {
    %c0_i32 = arith.constant 0 : i32
    %c0_i32_0 = arith.constant 0 : i32
    return %arg0, %c0_i32 : i32, i32
  }
}

</mosaic_0001>

<sc_bundles>
// kernel: kernel.10.cloned.1.call-start
scs
__scs_entry_jumppad:
0x0: {  	(pc) =	sbr.rel $0x88, $3  }
0x1: {  	(tag) =	ssettag $0x0;
	lr =	simm.s32 $0x1  }
0x2: {  	[smem:$0x3F97] =	sst lr;
	_ =	strace $0xD0000000  }
0x3: {  	_ = 	snop  }
0x4: {  	_ = 	snop  }
0x5: {  	_ = 	snop  }
0x6: {  	_ = 	snop  }
0x7: {  	_ = 	snop  }
__scs_overlays_trampoline_lowered:
0x8: {  	[smem:$0x3FA6] =	sst s0  }
0x9: {  	[smem:$0x3FA7] =	sst s1  }
0xa: {  	[smem:$0x3FA8] =	sst s2  }
0xb: {  	[smem:$0x3FA9] =	sst s3  }
0xc: {  	[smem:$0x3FAA] =	sst s4  }
0xd: {  	[smem:$0x3FAB] =	sst s5  }
0xe: {  	[smem:$0x3FAC] =	sst s6  }
0xf: {  	[smem:$0x3FAD] =	sst s7  }
0x10: {  	[smem:$0x3FAE] =	sst s8  }
0x11: {  	[smem:$0x3FAF] =	sst s9;
	s0 =	simm.s32 @!p0 $0x0  }
0x12: {  	s1 =	sld [smem:$0x3F95];
	s0 =	simm.s32 @p0 $0x1  }
0x13: {  	[smem:$0x3FB0] =	sst s0;
	s0 =	simm.s32 @!p1 $0x0  }
0x14: {  	s2 =	sld [smem:$0x3F94];
	s0 =	simm.s32 @p1 $0x1  }
0x15: {  	[smem:$0x3FB1] =	sst s0;
	s0 =	simm.s32 @!p2 $0x0  }
0x16: {  	s3 =	sld [smem:$0x3FDB];
	s0 =	simm.s32 @p2 $0x1  }
0x17: {  	s4 =	simm.s32 $0x1BF5;
	[smem:$0x3FB3] =	sst s0  }
0x18: {  	s0 =	sld [smem:$0x3F96];
	_ =	swait.ge [sflag:s4], $0x0  }
0x19: {  	s7 =	sld [smem:$0x3F97]  }
0x1a: {  	s8 =	sadd.s32 $0xFFFFE003, lr  }
0x1b: {  	s9 =	sadd.s32 $0xFFFFFEF7, lr;
	s5 =	simm.s32 $0xFFFFFFFF;
	p2 =	slt.u32 s8, $0xFFFFF086  }
0x1c: {  	p1 =	slt.u32 s9, $0xF7A;
	s5 =	simm.s32 @!p2 $0x0  }
0x1d: {  	s5 =	simm.s32 @p1 $0x1;
	p0 =	seq.s32 s7, s2  }
0x1e: {  	s7 =	smul.u32 @!p0 $0xF7A, s2;
	p2 =	seq.s32 @!p0 s5, $0x0  }
0x1f: {  	s9 =	smul.u32 $0xF7A, s1;
	s8 =	simm.s32 @!p0 $0x1BF5;
	p2 =	por !p2, p0  }
0x20: {  	[sflag:s8] =	ssyncset.s32 @!p0 $0xFFFFF086;
	s6 =	sadd.s32 @!p0 s3, s7;
	s7 =	simm.s32 @!p0 $0x108  }
0x21: {  	s3 =	sadd.s32 s3, s9;
	s6 =	sadd.s32 @!p0 $0x88, s6;
	s7 =	simm.s32 @p2 $0x1082  }
0x22: {  	[simem:s7], [sflag:s8] =	dma.local @!p0 [hbm:s6], $0xF7A  }
0x23: {  	s9 =	sor.u32 $0xD0000000, s2;
	s6 =	simm.s32 $0x108;
	_ =	swait.ge @!p0 [sflag:s8], $0x0  }
0x24: {  	s3 =	sadd.s32 $0x88, s3;
	s6 =	simm.s32 @!p1 $0x1082;
	[sflag:s4] =	ssyncset.s32 $0xFFFFF086  }
0x25: {  	[simem:s6], [sflag:s4] =	dma.local [hbm:s3], $0xF7A  }
0x26: {  	[smem:$0x3F97] =	sst s1;
	(tag) =	ssettag s2;
	_ =	strace s9  }
0x27: {  	s1 =	sld [smem:$0x3FA7]  }
0x28: {  	s2 =	sld [smem:$0x3FA8]  }
0x29: {  	s4 =	sld [smem:$0x3FAA]  }
0x2a: {  	p0 =	seq.s32 s5, $0x0;
	s5 =	sld [smem:$0x3FAB]  }
0x2b: {  	s6 =	sld [smem:$0x3FAC]  }
0x2c: {  	s7 =	sld [smem:$0x3FAD]  }
0x2d: {  	s3 =	simm.s32 $0x108;
	s8 =	sld [smem:$0x3FAE]  }
0x2e: {  	s3 =	simm.s32 @!p0 $0x1082;
	s9 =	sld [smem:$0x3FAF]  }
0x2f: {  	lr =	sadd.s32 s0, s3;
	s0 =	sld [smem:$0x3FA6]  }
0x30: {  	s3 =	sld [smem:$0x3FA9]  }
0x31: {  	[smem:$0x3FB2] =	sst s10  }
0x32: {  	s10 =	sld [smem:$0x3FB0];
	_ =	sdelay $0x3  }
0x33: {  	p0 =	seq.s32 s10, $0x1;
	s10 =	sld [smem:$0x3FB2];
	_ =	sdelay $0x3  }
0x34: {  	[smem:$0x3FB2] =	sst s10  }
0x35: {  	s10 =	sld [smem:$0x3FB1];
	_ =	sdelay $0x3  }
0x36: {  	p1 =	seq.s32 s10, $0x1;
	s10 =	sld [smem:$0x3FB2];
	_ =	sdelay $0x3  }
0x37: {  	[smem:$0x3FB2] =	sst s10  }
0x38: {  	s10 =	sld [smem:$0x3FB3]  }
0x39: {  	_ = 	snop;
	(pc) =	sbr.ind lr, $3  }
0x3a: {  	_ = 	snop  }
0x3b: {  	_ = 	snop  }
0x3c: {  	p2 =	seq.s32 s10, $0x1;
	s10 =	sld [smem:$0x3FB2]  }
0x3d: {  	_ =	shalt  }
0x3e: {  	_ =	shalt  }
0x3f: {  	_ =	shalt  }
0x40: {  	_ =	shalt  }
0x41: {  	_ =	shalt  }
0x42: {  	_ =	shalt  }
0x43: {  	_ =	shalt  }
0x44: {  	_ =	shalt  }
0x45: {  	_ =	shalt  }
0x46: {  	_ =	shalt  }
0x47: {  	_ =	shalt  }
0x48: {  	_ =	shalt  }
0x49: {  	_ =	shalt  }
0x4a: {  	_ =	shalt  }
0x4b: {  	_ =	shalt  }
0x4c: {  	_ =	shalt  }
0x4d: {  	_ =	shalt  }
0x4e: {  	_ =	shalt  }
0x4f: {  	_ =	shalt  }
0x50: {  	_ =	shalt  }
0x51: {  	_ =	shalt  }
0x52: {  	_ =	shalt  }
0x53: {  	_ =	shalt  }
0x54: {  	_ =	shalt  }
0x55: {  	_ =	shalt  }
0x56: {  	_ =	shalt  }
0x57: {  	_ =	shalt  }
0x58: {  	_ =	shalt  }
0x59: {  	_ =	shalt  }
0x5a: {  	_ =	shalt  }
0x5b: {  	_ =	shalt  }
0x5c: {  	_ =	shalt  }
0x5d: {  	_ =	shalt  }
0x5e: {  	_ =	shalt  }
0x5f: {  	_ =	shalt  }
0x60: {  	_ =	shalt  }
0x61: {  	_ =	shalt  }
0x62: {  	_ =	shalt  }
0x63: {  	_ =	shalt  }
0x64: {  	_ =	shalt  }
0x65: {  	_ =	shalt  }
0x66: {  	_ =	shalt  }
0x67: {  	_ =	shalt  }
0x68: {  	_ =	shalt  }
0x69: {  	_ =	shalt  }
0x6a: {  	_ =	shalt  }
0x6b: {  	_ =	shalt  }
0x6c: {  	_ =	shalt  }
0x6d: {  	_ =	shalt  }
0x6e: {  	_ =	shalt  }
0x6f: {  	_ =	shalt  }
0x70: {  	_ =	shalt  }
0x71: {  	_ =	shalt  }
0x72: {  	_ =	shalt  }
0x73: {  	_ =	shalt  }
0x74: {  	_ =	shalt  }
0x75: {  	_ =	shalt  }
0x76: {  	_ =	shalt  }
0x77: {  	_ =	shalt  }
0x78: {  	_ =	shalt  }
0x79: {  	_ =	shalt  }
0x7a: {  	_ =	shalt  }
0x7b: {  	_ =	shalt  }
0x7c: {  	_ =	shalt  }
0x7d: {  	_ =	shalt  }
0x7e: {  	_ =	shalt  }
0x7f: {  	_ =	shalt  }
0x80: {  	_ =	shalt  }
0x81: {  	_ =	shalt  }
0x82: {  	_ =	shalt  }
0x83: {  	_ =	shalt  }
0x84: {  	_ =	shalt  }
0x85: {  	_ =	shalt  }
0x86: {  	_ =	shalt  }
0x87: {  	_ =	shalt  }
.Lfunc_end0:
.L_simem_size_0:
called_computation_lowered:
.L_overlay_start_0:
0x88: {  	s2 =	sld [smem:$0x3FD9]  }
0x89: {  	s3 =	sld [smem:$0x3FFE];
	_ =	sdelay $0x1  }
0x8a: {  	s1 =	srdreg.scid  }
0x8b: {  	s0 =	sand.u32 $0x1, s1  }
0x8c: {  	s17 =	sshll.u32 s0, $0xA;
	s2 =	sadd.s32 s3, s2  }
0x8d: {  	s2 =	sadd.s32 s2, s17  }
0x8e: {  	[smem:$0x3FBE] =	sst s2  }
0x8f: {  	_ = 	snop  }
0x90: {  	s2 =	sld [smem:$0x3FD0];
	(tm) =	ssettm $0x1  }
0x91: {  	s18 =	sld [smem:$0x3FFB];
	_ =	sdelay $0x3  }
0x92: {  	_ =	strace s18  }
0x93: {  	s3 =	sld [smem:$0x3FFC];
	_ =	sdelay $0x3  }
0x94: {  	_ =	strace s3  }
0x95: {  	s3 =	sld [smem:$0x3FFD];
	_ =	sdelay $0x3  }
0x96: {  	_ =	strace s3  }
0x97: {  	_ =	strace $0x8FFFFFFF  }
0x98: {  	s19 =	sld [smem:$0x3FDB];
	_ =	sdelay $0x1  }
0x99: {  	s4 =	simm.s32 $_scs_section_size  }
0x9a: {  	s5 =	simm.s32 $_size__tile_overlayer_lowered;
	s6 =	simm.s32 $_tile_overlayer_lowered  }
0x9b: {  	s22 =	simm.s32 $0x1BFF;
	s21 =	sshll.u32 s6, $0x1;
	s3 =	sadd.s32 s4, s19  }
0x9c: {  	s7 =	simm.s32 $0x0;
	s20 =	sshll.u32 s5, $0x1;
	s5 =	sadd.s32 s21, s3  }
0x9d: {  	[timem:s7], [sflag:s22] =	dma.local [hbm:s5], s20  }
0x9e: {  	_ =	swait.ge [sflag:s22], s20  }
0x9f: {  	s4 =	ssub.s32 $0x0, s20;
	[sflag:s22] =	ssyncset.done $0x0  }
0xa0: {  	[sflag:s22] =	ssyncadd.s32 s4;
	_ =	sdelay $0x1  }
0xa1: {  	s23 =	simm.s32 $0x1B8B  }
0xa2: {  	_ =	swait.ge [sflag:s23], $0x1  }
0xa3: {  	[sflag:s23] =	ssyncset.done $0x0  }
0xa4: {  	s25 =	simm.s32 $0x1B8E;
	s24 =	sld [smem:$0x3FFE];
	[sflag:s23] =	ssyncadd.s32 $0xFFFFFFFF  }
0xa5: {  	s26 =	simm.s32 $execute0_lowered;
	[smem:$0x3FD2] =	sst s25  }
0xa6: {  	s5 =	sshll.u32 s26, $0x1;
	_ =	strace $0x80000046;
	[dreg:$0x1] =	wrdreg $0xFFFFFFFF  }
0xa7: {  	s28 =	simm.s32 $_size_execute0_lowered;
	s3 =	sadd.s32 s3, s5;
	[dreg:$0x0] =	wrdreg $0x0  }
0xa8: {  	s5 =	sshll.u32 s28, $0x1;
	[dreg:$0x2] =	wrdreg s3  }
0xa9: {  	[dreg:$0x3] =	wrdreg s5  }
0xaa: {  	[dreg:$0x4] =	wrdreg $0xC0  }
0xab: {  	_ =	task [dreg:s7], $0x5FFFF  }
0xac: {  	[dreg:$0x1] =	wrdreg $0xFFFFFFFF  }
0xad: {  	[dreg:$0x0] =	wrdreg $0x60  }
0xae: {  	[dreg:$0x2] =	wrdreg s24  }
0xaf: {  	[dreg:$0x3] =	wrdreg s2  }
0xb0: {  	[dreg:$0x4] =	wrdreg $0x44000  }
0xb1: {  	[dreg:$0x5] =	wrdreg $0x9  }
0xb2: {  	_ =	task.clear_ibuf [dreg:s7], $0x6FFFF;
	_ =	strace $0x90000046  }
0xb3: {  	s29 =	simm.s32 $0x9;
	_ =	strace $0x80000048  }
0xb4: {  	_ =	swait.ge [sflag:s29], $0x1  }
0xb5: {  	[sflag:s29] =	ssyncadd.s32 $0xFFFFFFFF  }
0xb6: {  	_ =	strace $0x90000048  }
0xb7: {  	_ =	sfence  }
0xb8: {  	s30 =	sld [smem:$0x0];
	_ =	sdelay $0x2  }
0xb9: {  	s31 =	sshll.u32 s1, $0xD;
	s1 =	sshrl.u32 s1, $0x2  }
0xba: {  	s3 =	sand.u32 $0x4000, s31;
	s1 =	sadd.s32 s1, s30  }
0xbb: {  	s0 =	sor.u32 s3, s0;
	s1 =	sshll.u32 s1, $0x11  }
0xbc: {  	s0 =	sor.u32 s1, s0  }
0xbd: {  	s0 =	sadd.s32 $0x8F2B, s0  }
0xbe: {  	[sflag:s0] =	ssyncadd.remote.s32 $0x1  }
0xbf: {  	_ =	sfence.sel $0xFFFF  }
0xc0: {  	[dreg:$0x0] =	wrdreg $0xFFFFFFFF;
	(pc) =	sbr.abs _section_cstart, $3  }
0xc1: {  	[dreg:$0x1] =	wrdreg $0xFFFFFFFF  }
0xc2: {  	_ =	task.clear_ibuf [dreg:s7], $0x2FFFF;
	_ =	strace $0x9FFFFFFF  }
0xc3: {  	(tm) =	ssettm $0x7FFFFFFF  }
tec
execute0_lowered:
.L_overlay_start_1:
0x0: {  	(tag) =	ssettag $0x1  }
0x1: {  	s6 =	rddreg [dreg:$0x0]  }
0x2: {  	s1 =	srdreg.scid;
	s2 =	rddreg [dreg:$0x1]  }
0x3: {  	s0 =	stileid.u32;
	s3 =	rddreg [dreg:$0x2]  }
0x4: {  	s4 =	simm.s32 $0x0;
	s14 =	simm.s32 $0x80;
	s15 =	simm.s32 $0x1  }
0x5: {  	s18 =	simm.s32 $0x0;
	s7 =	sand.u32 $0x1, s1;
	s28 =	sshll.u32 s0, $0x1  }
0x6: {  	s9 =	smul.u32 $0x2800, s0;
	[smem:$0x7FF] =	sst s4;
	s16 =	sshll.u32 s0, $0x6  }
0x7: {  	s1 =	sor.u32 s7, s28;
	s10 =	smul.u32 $0x28000, s7;
	s7 =	ssub.s32 $0x2, s7  }
0x8: {  	s16 =	sor.u32 $0x1C02, s16;
	s8 =	smul.u32 $0x4E2, s1;
	s1 =	rddreg [dreg:$0x3]  }
0x9: {  	_ =	strace $0x80000047;
	s29 =	sshrl.u32 s7, $0x1;
	s10 =	sadd.s32 s9, s10  }
0xa: {  	s13 =	ssub.s32 s7, s29;
	s7 =	sadd.s32 s9, s3;
	s5 =	sshrl.u32 s8, $0x1  }
0xb: {  	s10 =	sshrl.u32 s10, $0x3;
	s12 =	sadd.s32 $0x4E2, s8;
	s30 =	sshrl.u32 s8, $0x5  }
.Ltmp0:
0xc: {  	s17 =	sshrl.u32 s7, $0x3;
	s5 =	sand.u32 $0x7FF0, s5;
	(pc) =	sbr.rel .LBB2_1-.Ltmp0, $4  }
0xd: {  	s10 =	sadd.s32 s10, s6;
	s31 =	sshrl.u32 s12, $0x5;
	s12 =	simm.s32 $0x2  }
0xe: {  	s11 =	sadd.s32 s5, s6;
	s5 =	sadd.s32 $0x7800, s6;
	s6 =	ssub.s32 s31, s30  }
0xf: {  	s9 =	sadd.s32 $0x7A00, s10;
	s10 =	smax.u32 s13, $0x1;
	s13 =	simm.s32 $0x1400  }
0x10: {  	s8 =	sadd.s32 $0x2800, s11;
	p0 =	slt.s32 s6, $0x1;
	s11 =	simm.s32 $0x1C00  }
.LBB2_6:
0x11: {  	[sflag:s15] =	ssyncadd.s32 $0xFFFFF800  }
.LBB2_7:
0x12: {  	s18 =	sadd.s32 $0x1, s18  }
0x13: {  	p1 =	sne.s32 s18, s10  }
.Ltmp1:
0x14: {  	[bflag:$0x0] =	sbarrier.arrive $0xFFFF;
	(pc) =	sbr.rel @!p1 .LBB2_8-.Ltmp1, $4  }
0x15: {  	[hbm:s9], [sflag:s16] =	dma.local [spmem:s17], $0x500  }
0x16: {  	_ =	swait.ge [sflag:s12], $0x500  }
0x17: {  	[sflag:s12] =	ssyncset.done $0x0  }
0x18: {  	[sflag:s12] =	ssyncadd.s32 $0xFFFFFB00  }
.LBB2_1:
0x19: {  	[tilespmem:s11], [sflag:$0x2] =	stream.linear.gather [hbm4b:s2+s4], $0x2800, $0x38;
	[tilespmem:$0x6C00] =	vst v63  }
0x1a: {  	_ =	swait.ge [sflag:s12], $0x2800  }
0x1b: {  	[sflag:s12] =	ssyncset.done $0x0  }
0x1c: {  	[sflag:s12] =	ssyncadd.s32 $0xFFFFD800  }
0x1d: {  	[spmem:s7] =	stream.linear.scatter [tilespmem:s11], [sflag:$0x2], $0x2800, $0x38;
	[tilespmem:$0x6C00] =	vst v63  }
0x1e: {  	_ =	swait.ge [sflag:s12], $0x2800  }
0x1f: {  	[sflag:s12] =	ssyncset.done $0x0  }
0x20: {  	[sflag:s12] =	ssyncadd.s32 $0xFFFFD800  }
0x21: {  	[tilespmem:s13], [sflag:$0x2] =	stream.linear.gather [hbm4b:s5+s4], $0x800, $0x38;
	[tilespmem:$0x6C00] =	vst v63  }
0x22: {  	_ =	swait.ge [sflag:s12], $0x800  }
0x23: {  	[sflag:s12] =	ssyncset.done $0x0  }
0x24: {  	[sflag:s12] =	ssyncadd.s32 $0xFFFFF800  }
0x25: {  	[tilespmem:s4], [sflag:$0x2] =	stream.linear.gather [hbm4b:s8+s4], $0x1400, $0x38;
	[tilespmem:$0x6C00] =	vst v63  }
.Ltmp2:
0x26: {  	_ =	swait.ge [sflag:s12], $0x1400;
	(pc) =	sbr.rel @p0 .LBB2_7-.Ltmp2, $3  }
0x27: {  	[sflag:s12] =	ssyncset.done $0x0  }
0x28: {  	[sflag:s12] =	ssyncadd.s32 $0xFFFFEC00  }
0x29: {  	[bflag:$0x0] =	sbarrier.arrive $0xFFFF;
	_ =	sdelay $0x1  }
0x2a: {  	s19 =	sadd.s32 $0x1, s4  }
0x2b: {  	p1 =	slt.s32 s19, s6  }
.Ltmp3:
0x2c: {  	_ = 	snop;
	(pc) =	sbr.rel @!p1 .LBB2_4-.Ltmp3, $3  }
0x2d: {  	_ =	sdelay $0x1  }
0x2e: {  	[spmem:s3] =	stream.indirect.scatter.add.f32 [tilespmem:s13], [sflag:$0x1], $0x10, s4, s14, $0xb8;
	[tilespmem:$0x6C00] =	vst v63  }
0x2f: {  	s20 =	simm.s32 $0x0  }
.LBB2_3:
0x30: {  	s19 =	sadd.s32 $0x1, s19  }
0x31: {  	p1 =	slt.s32 s19, s6  }
.Ltmp4:
0x32: {  	_ = 	snop;
	(pc) =	sbr.rel @p1 .LBB2_3-.Ltmp4, $3  }
0x33: {  	_ = 	snop  }
0x34: {  	s20 =	sadd.s32 $0x80, s20;
	_ =	sdelay $0x1  }
0x35: {  	[spmem:s3] =	stream.indirect.scatter.add.f32 [tilespmem:s13], [sflag:$0x1], $0x10, s20, s14, $0xb8;
	[tilespmem:$0x6C00] =	vst v63  }
.LBB2_4:
0x36: {  	p1 =	sgt.s32 s6, $0x1  }
.Ltmp5:
0x37: {  	_ = 	snop;
	(pc) =	sbr.rel @!p1 .LBB2_6-.Ltmp5, $3  }
0x38: {  	_ =	sdelay $0x1  }
0x39: {  	_ =	swait.ge [sflag:s15], $0x800  }
0x3a: {  	s19 =	simm.s32 $0x1;
	[sflag:s15] =	ssyncset.done $0x0  }
.LBB2_5:
0x3b: {  	s19 =	sadd.s32 $0x1, s19  }
0x3c: {  	[sflag:s15] =	ssyncadd.s32 $0xFFFFF800;
	p1 =	slt.s32 s19, s6  }
.Ltmp6:
0x3d: {  	(pc) =	sbr.rel @p1 .LBB2_5-.Ltmp6, $3  }
0x3e: {  	_ =	sdelay $0x1  }
0x3f: {  	_ =	swait.ge [sflag:s15], $0x800  }
0x40: {  	[sflag:s15] =	ssyncset.done $0x0  }
.Ltmp7:
0x41: {  	_ = 	snop;
	(pc) =	sbr.rel .LBB2_6-.Ltmp7, $1  }
0x42: {  	_ =	sdelay $0x3  }
.LBB2_8:
0x43: {  	_ =	sfence.sel $0x180000  }
0x44: {  	[bflag:$0x0] =	sbarrier.arrive $0xFFFF  }
0x45: {  	p0 =	sne.s32 s0, $0x0;
	_ =	strace $0x90000047  }
0x46: {  	s0 =	sadd.s32 @!p0 $0x100000, s1;
	[bflag:$0x2] =	sbarrier.arrive $0xFFFF  }
0x47: {  	[sflag:s0] =	ssyncadd.tile.s32 @!p0 $0x1;
	_ =	shalt  }
.Lfunc_end2:
_tile_overlayer_lowered:
.L_overlay_start_2:
0x48: {  	(tag) =	ssettag $0x2  }
0x49: {  	s0 =	rddreg [dreg:$0x0];
	s2 =	stileid.u32  }
0x4a: {  	s1 =	rddreg [dreg:$0x1];
	p0 =	sne.s32 s2, $0x0  }
0x4b: {  	s3 =	rddreg [dreg:$0x2];
	[bflag:$0x3] =	sbarrier.arrive $0xFFFF;
	s2 =	simm.s32 @!p0 $0x1C02  }
0x4c: {  	[timem:s3], [sflag:s2] =	dma.local @!p0 [hbm:s0], s1  }
0x4d: {  	s0 =	simm.s32 @!p0 $0x2  }
0x4e: {  	_ =	swait.ge @!p0 [sflag:s0], s1  }
0x4f: {  	s1 =	ssub.s32 @!p0 $0x0, s1;
	[sflag:s0] =	ssyncset.done @!p0 $0x0  }
0x50: {  	[sflag:s0] =	ssyncadd.s32 @!p0 s1  }
0x51: {  	[bflag:$0x3] =	sbarrier.arrive $0xFFFF  }
0x52: {  	_ =	shalt  }

// kernel: kernel.13.cloned.1.call-start
scs
__scs_entry_jumppad:
0x0: {  	(pc) =	sbr.rel $0x88, $3  }
0x1: {  	(tag) =	ssettag $0x0;
	lr =	simm.s32 $0x1  }
0x2: {  	[smem:$0x3F97] =	sst lr;
	_ =	strace $0xD0000000  }
0x3: {  	_ = 	snop  }
0x4: {  	_ = 	snop  }
0x5: {  	_ = 	snop  }
0x6: {  	_ = 	snop  }
0x7: {  	_ = 	snop  }
__scs_overlays_trampoline_lowered:
0x8: {  	[smem:$0x3FA6] =	sst s0  }
0x9: {  	[smem:$0x3FA7] =	sst s1  }
0xa: {  	[smem:$0x3FA8] =	sst s2  }
0xb: {  	[smem:$0x3FA9] =	sst s3  }
0xc: {  	[smem:$0x3FAA] =	sst s4  }
0xd: {  	[smem:$0x3FAB] =	sst s5  }
0xe: {  	[smem:$0x3FAC] =	sst s6  }
0xf: {  	[smem:$0x3FAD] =	sst s7  }
0x10: {  	[smem:$0x3FAE] =	sst s8  }
0x11: {  	[smem:$0x3FAF] =	sst s9;
	s0 =	simm.s32 @!p0 $0x0  }
0x12: {  	s1 =	sld [smem:$0x3F95];
	s0 =	simm.s32 @p0 $0x1  }
0x13: {  	[smem:$0x3FB0] =	sst s0;
	s0 =	simm.s32 @!p1 $0x0  }
0x14: {  	s2 =	sld [smem:$0x3F94];
	s0 =	simm.s32 @p1 $0x1  }
0x15: {  	[smem:$0x3FB1] =	sst s0;
	s0 =	simm.s32 @!p2 $0x0  }
0x16: {  	s3 =	sld [smem:$0x3FDB];
	s0 =	simm.s32 @p2 $0x1  }
0x17: {  	s4 =	simm.s32 $0x1BF5;
	[smem:$0x3FB3] =	sst s0  }
0x18: {  	s0 =	sld [smem:$0x3F96];
	_ =	swait.ge [sflag:s4], $0x0  }
0x19: {  	s7 =	sld [smem:$0x3F97]  }
0x1a: {  	s8 =	sadd.s32 $0xFFFFE003, lr  }
0x1b: {  	s9 =	sadd.s32 $0xFFFFFEF7, lr;
	s5 =	simm.s32 $0xFFFFFFFF;
	p2 =	slt.u32 s8, $0xFFFFF086  }
0x1c: {  	p1 =	slt.u32 s9, $0xF7A;
	s5 =	simm.s32 @!p2 $0x0  }
0x1d: {  	s5 =	simm.s32 @p1 $0x1;
	p0 =	seq.s32 s7, s2  }
0x1e: {  	s7 =	smul.u32 @!p0 $0xF7A, s2;
	p2 =	seq.s32 @!p0 s5, $0x0  }
0x1f: {  	s9 =	smul.u32 $0xF7A, s1;
	s8 =	simm.s32 @!p0 $0x1BF5;
	p2 =	por !p2, p0  }
0x20: {  	[sflag:s8] =	ssyncset.s32 @!p0 $0xFFFFF086;
	s6 =	sadd.s32 @!p0 s3, s7;
	s7 =	simm.s32 @!p0 $0x108  }
0x21: {  	s3 =	sadd.s32 s3, s9;
	s6 =	sadd.s32 @!p0 $0x88, s6;
	s7 =	simm.s32 @p2 $0x1082  }
0x22: {  	[simem:s7], [sflag:s8] =	dma.local @!p0 [hbm:s6], $0xF7A  }
0x23: {  	s9 =	sor.u32 $0xD0000000, s2;
	s6 =	simm.s32 $0x108;
	_ =	swait.ge @!p0 [sflag:s8], $0x0  }
0x24: {  	s3 =	sadd.s32 $0x88, s3;
	s6 =	simm.s32 @!p1 $0x1082;
	[sflag:s4] =	ssyncset.s32 $0xFFFFF086  }
0x25: {  	[simem:s6], [sflag:s4] =	dma.local [hbm:s3], $0xF7A  }
0x26: {  	[smem:$0x3F97] =	sst s1;
	(tag) =	ssettag s2;
	_ =	strace s9  }
0x27: {  	s1 =	sld [smem:$0x3FA7]  }
0x28: {  	s2 =	sld [smem:$0x3FA8]  }
0x29: {  	s4 =	sld [smem:$0x3FAA]  }
0x2a: {  	p0 =	seq.s32 s5, $0x0;
	s5 =	sld [smem:$0x3FAB]  }
0x2b: {  	s6 =	sld [smem:$0x3FAC]  }
0x2c: {  	s7 =	sld [smem:$0x3FAD]  }
0x2d: {  	s3 =	simm.s32 $0x108;
	s8 =	sld [smem:$0x3FAE]  }
0x2e: {  	s3 =	simm.s32 @!p0 $0x1082;
	s9 =	sld [smem:$0x3FAF]  }
0x2f: {  	lr =	sadd.s32 s0, s3;
	s0 =	sld [smem:$0x3FA6]  }
0x30: {  	s3 =	sld [smem:$0x3FA9]  }
0x31: {  	[smem:$0x3FB2] =	sst s10  }
0x32: {  	s10 =	sld [smem:$0x3FB0];
	_ =	sdelay $0x3  }
0x33: {  	p0 =	seq.s32 s10, $0x1;
	s10 =	sld [smem:$0x3FB2];
	_ =	sdelay $0x3  }
0x34: {  	[smem:$0x3FB2] =	sst s10  }
0x35: {  	s10 =	sld [smem:$0x3FB1];
	_ =	sdelay $0x3  }
0x36: {  	p1 =	seq.s32 s10, $0x1;
	s10 =	sld [smem:$0x3FB2];
	_ =	sdelay $0x3  }
0x37: {  	[smem:$0x3FB2] =	sst s10  }
0x38: {  	s10 =	sld [smem:$0x3FB3]  }
0x39: {  	_ = 	snop;
	(pc) =	sbr.ind lr, $3  }
0x3a: {  	_ = 	snop  }
0x3b: {  	_ = 	snop  }
0x3c: {  	p2 =	seq.s32 s10, $0x1;
	s10 =	sld [smem:$0x3FB2]  }
0x3d: {  	_ =	shalt  }
0x3e: {  	_ =	shalt  }
0x3f: {  	_ =	shalt  }
0x40: {  	_ =	shalt  }
0x41: {  	_ =	shalt  }
0x42: {  	_ =	shalt  }
0x43: {  	_ =	shalt  }
0x44: {  	_ =	shalt  }
0x45: {  	_ =	shalt  }
0x46: {  	_ =	shalt  }
0x47: {  	_ =	shalt  }
0x48: {  	_ =	shalt  }
0x49: {  	_ =	shalt  }
0x4a: {  	_ =	shalt  }
0x4b: {  	_ =	shalt  }
0x4c: {  	_ =	shalt  }
0x4d: {  	_ =	shalt  }
0x4e: {  	_ =	shalt  }
0x4f: {  	_ =	shalt  }
0x50: {  	_ =	shalt  }
0x51: {  	_ =	shalt  }
0x52: {  	_ =	shalt  }
0x53: {  	_ =	shalt  }
0x54: {  	_ =	shalt  }
0x55: {  	_ =	shalt  }
0x56: {  	_ =	shalt  }
0x57: {  	_ =	shalt  }
0x58: {  	_ =	shalt  }
0x59: {  	_ =	shalt  }
0x5a: {  	_ =	shalt  }
0x5b: {  	_ =	shalt  }
0x5c: {  	_ =	shalt  }
0x5d: {  	_ =	shalt  }
0x5e: {  	_ =	shalt  }
0x5f: {  	_ =	shalt  }
0x60: {  	_ =	shalt  }
0x61: {  	_ =	shalt  }
0x62: {  	_ =	shalt  }
0x63: {  	_ =	shalt  }
0x64: {  	_ =	shalt  }
0x65: {  	_ =	shalt  }
0x66: {  	_ =	shalt  }
0x67: {  	_ =	shalt  }
0x68: {  	_ =	shalt  }
0x69: {  	_ =	shalt  }
0x6a: {  	_ =	shalt  }
0x6b: {  	_ =	shalt  }
0x6c: {  	_ =	shalt  }
0x6d: {  	_ =	shalt  }
0x6e: {  	_ =	shalt  }
0x6f: {  	_ =	shalt  }
0x70: {  	_ =	shalt  }
0x71: {  	_ =	shalt  }
0x72: {  	_ =	shalt  }
0x73: {  	_ =	shalt  }
0x74: {  	_ =	shalt  }
0x75: {  	_ =	shalt  }
0x76: {  	_ =	shalt  }
0x77: {  	_ =	shalt  }
0x78: {  	_ =	shalt  }
0x79: {  	_ =	shalt  }
0x7a: {  	_ =	shalt  }
0x7b: {  	_ =	shalt  }
0x7c: {  	_ =	shalt  }
0x7d: {  	_ =	shalt  }
0x7e: {  	_ =	shalt  }
0x7f: {  	_ =	shalt  }
0x80: {  	_ =	shalt  }
0x81: {  	_ =	shalt  }
0x82: {  	_ =	shalt  }
0x83: {  	_ =	shalt  }
0x84: {  	_ =	shalt  }
0x85: {  	_ =	shalt  }
0x86: {  	_ =	shalt  }
0x87: {  	_ =	shalt  }
.Lfunc_end0:
.L_simem_size_0:
called_computation.1_lowered:
.L_overlay_start_0:
0x88: {  	s2 =	sld [smem:$0x3FD9]  }
0x89: {  	s3 =	sld [smem:$0x3FFE];
	_ =	sdelay $0x1  }
0x8a: {  	s1 =	srdreg.scid  }
0x8b: {  	s0 =	sand.u32 $0x1, s1  }
0x8c: {  	s16 =	sshll.u32 s0, $0xA;
	s2 =	sadd.s32 s3, s2  }
0x8d: {  	s2 =	sadd.s32 s2, s16  }
0x8e: {  	[smem:$0x3FBE] =	sst s2  }
0x8f: {  	_ = 	snop  }
0x90: {  	(tm) =	ssettm $0x1  }
0x91: {  	s17 =	sld [smem:$0x3FFB];
	_ =	sdelay $0x3  }
0x92: {  	_ =	strace s17  }
0x93: {  	s2 =	sld [smem:$0x3FFC];
	_ =	sdelay $0x3  }
0x94: {  	_ =	strace s2  }
0x95: {  	s2 =	sld [smem:$0x3FFD];
	_ =	sdelay $0x3  }
0x96: {  	_ =	strace s2  }
0x97: {  	_ =	strace $0x8FFFFFFF  }
0x98: {  	s18 =	sld [smem:$0x3FDB];
	_ =	sdelay $0x1  }
0x99: {  	s19 =	simm.s32 $_scs_section_size  }
0x9a: {  	s4 =	simm.s32 $_size__tile_overlayer_lowered;
	s5 =	simm.s32 $_tile_overlayer_lowered  }
0x9b: {  	s22 =	simm.s32 $0x1BFF;
	s21 =	sshll.u32 s5, $0x1;
	s2 =	sadd.s32 s19, s18  }
0x9c: {  	s6 =	simm.s32 $0x0;
	s20 =	sshll.u32 s4, $0x1;
	s4 =	sadd.s32 s21, s2  }
0x9d: {  	[timem:s6], [sflag:s22] =	dma.local [hbm:s4], s20  }
0x9e: {  	_ =	swait.ge [sflag:s22], s20  }
0x9f: {  	s3 =	ssub.s32 $0x0, s20;
	[sflag:s22] =	ssyncset.done $0x0  }
0xa0: {  	[sflag:s22] =	ssyncadd.s32 s3;
	_ =	sdelay $0x1  }
0xa1: {  	s23 =	simm.s32 $0x1B8B  }
0xa2: {  	_ =	swait.ge [sflag:s23], $0x1  }
0xa3: {  	[sflag:s23] =	ssyncset.done $0x0  }
0xa4: {  	s25 =	simm.s32 $0x1B8E;
	s24 =	sld [smem:$0x3FFE];
	[sflag:s23] =	ssyncadd.s32 $0xFFFFFFFF  }
0xa5: {  	s26 =	simm.s32 $execute0_lowered;
	[smem:$0x3FD2] =	sst s25  }
0xa6: {  	s4 =	sshll.u32 s26, $0x1;
	_ =	strace $0x80000049;
	[dreg:$0x1] =	wrdreg $0xFFFFFFFF  }
0xa7: {  	s28 =	simm.s32 $_size_execute0_lowered;
	s2 =	sadd.s32 s2, s4;
	[dreg:$0x0] =	wrdreg $0x0  }
0xa8: {  	s4 =	sshll.u32 s28, $0x1;
	[dreg:$0x2] =	wrdreg s2  }
0xa9: {  	[dreg:$0x3] =	wrdreg s4  }
0xaa: {  	[dreg:$0x4] =	wrdreg $0xC0  }
0xab: {  	_ =	task [dreg:s6], $0x5FFFF  }
0xac: {  	[dreg:$0x1] =	wrdreg $0xFFFFFFFF  }
0xad: {  	[dreg:$0x0] =	wrdreg $0x60  }
0xae: {  	[dreg:$0x2] =	wrdreg s24  }
0xaf: {  	[dreg:$0x3] =	wrdreg $0x68000  }
0xb0: {  	[dreg:$0x4] =	wrdreg $0xB8000  }
0xb1: {  	[dreg:$0x5] =	wrdreg $0x9  }
0xb2: {  	_ =	task.clear_ibuf [dreg:s6], $0x6FFFF;
	_ =	strace $0x90000049  }
0xb3: {  	s29 =	simm.s32 $0x9;
	_ =	strace $0x8000004B  }
0xb4: {  	_ =	swait.ge [sflag:s29], $0x1  }
0xb5: {  	[sflag:s29] =	ssyncadd.s32 $0xFFFFFFFF  }
0xb6: {  	_ =	strace $0x9000004B  }
0xb7: {  	_ =	sfence  }
0xb8: {  	s30 =	sld [smem:$0x0];
	_ =	sdelay $0x2  }
0xb9: {  	s31 =	sshll.u32 s1, $0xD;
	s1 =	sshrl.u32 s1, $0x2  }
0xba: {  	s3 =	sand.u32 $0x4000, s31;
	s1 =	sadd.s32 s1, s30  }
0xbb: {  	s0 =	sor.u32 s3, s0;
	s1 =	sshll.u32 s1, $0x11  }
0xbc: {  	s0 =	sor.u32 s1, s0  }
0xbd: {  	s0 =	sadd.s32 $0x8F2B, s0  }
0xbe: {  	[sflag:s0] =	ssyncadd.remote.s32 $0x1  }
0xbf: {  	_ =	sfence.sel $0xFFFF  }
0xc0: {  	[dreg:$0x0] =	wrdreg $0xFFFFFFFF;
	(pc) =	sbr.abs _section_cstart, $3  }
0xc1: {  	[dreg:$0x1] =	wrdreg $0xFFFFFFFF  }
0xc2: {  	_ =	task.clear_ibuf [dreg:s6], $0x2FFFF;
	_ =	strace $0x9FFFFFFF  }
0xc3: {  	(tm) =	ssettm $0x7FFFFFFF  }
tec
execute0_lowered:
.L_overlay_start_1:
0x0: {  	(tag) =	ssettag $0x1  }
0x1: {  	s0 =	rddreg [dreg:$0x0]  }
0x2: {  	s1 =	srdreg.scid;
	s2 =	rddreg [dreg:$0x1]  }
0x3: {  	s13 =	stileid.u32;
	s3 =	rddreg [dreg:$0x2];
	s17 =	simm.s32 $0x9  }
0x4: {  	s18 =	simm.s32 $0x1400;
	s19 =	simm.s32 $0x80;
	s20 =	simm.s32 $0x2800  }
0x5: {  	s21 =	simm.s32 $0x3800;
	s28 =	simm.s32 $0x2;
	s29 =	simm.s32 $0x5  }
0x6: {  	s30 =	simm.s32 $0x4;
	s31 =	simm.s32 $0x7;
	s22 =	simm.s32 $0x8  }
0x7: {  	s1 =	sand.u32 $0x1, s1;
	s4 =	sshll.u32 s13, $0x1;
	s6 =	smul.u32 $0xA000, s13  }
0x8: {  	s9 =	sadd.s32 $0x16A00, s0;
	p0 =	seq.s32 s13, $0xF;
	s26 =	sshll.u32 s13, $0x6  }
0x9: {  	s5 =	sor.u32 s1, s4;
	s4 =	simm.s32 $0x0;
	s8 =	smul.u32 $0xA0000, s1  }
0xa: {  	s1 =	ssub.s32 $0x2, s1;
	s15 =	sor.u32 $0x1C09, s26;
	s26 =	simm.s32 $0x5800  }
0xb: {  	s5 =	smul.u32 $0x280, s5;
	[smem:$0x7FF] =	sst s4;
	s7 =	sshrl.u32 s6, $0x4  }
0xc: {  	s23 =	sshrl.u32 s1, $0x1;
	_ =	strace $0x8000004A;
	s7 =	sadd.s32 s7, s0  }
0xd: {  	[dreg:$0x4] =	wrdreg s9;
	s8 =	sadd.s32 s6, s8;
	s6 =	sshrl.u32 s6, $0x1  }
0xe: {  	s1 =	ssub.s32 s1, s23;
	s23 =	simm.s32 $0x4800;
	s5 =	sadd.s32 s5, s0  }
0xf: {  	s8 =	sshrl.u32 s8, $0x4;
	s14 =	sadd.s32 s6, s2;
	s7 =	sadd.s32 $0x2800, s7  }
0x10: {  	s24 =	sadd.s32 s6, s3;
	s11 =	smax.u32 s1, $0x1;
	s1 =	sshll.u32 @!p0 s13, $0x6  }
0x11: {  	s10 =	sadd.s32 s8, s0;
	[dreg:$0x5] =	wrdreg s7;
	s7 =	sadd.s32 $0x4B000, s2  }
0x12: {  	s0 =	sadd.s32 $0xBE00, s0;
	s25 =	sadd.s32 $0x17400, s5;
	s9 =	sadd.s32 $0x11A00, s5  }
0x13: {  	s13 =	sor.u32 @!p0 $0x1C09, s1;
	s14 =	sshrl.u32 @!p0 s14, $0x3;
	s16 =	sshrl.u32 s24, $0x3  }
0x14: {  	s24 =	simm.s32 $0x1;
	s1 =	simm.s32 $0x3;
	[dreg:$0x6] =	wrdreg s0  }
0x15: {  	s5 =	simm.s32 $0x0;
	[dreg:$0x7] =	wrdreg s25;
	s10 =	sadd.s32 $0x1C400, s10  }
0x16: {  	s12 =	sshrl.u32 @p0 s7, $0x3;
	s0 =	simm.s32 $0x6;
	s25 =	simm.s32 $0x1380  }
.LBB2_1:
0x17: {  	s6 =	simm.s32 @p0 $0x1FC9;
	s7 =	rddreg [dreg:$0x6]  }
0x18: {  	[spmem:s12], [sflag:s6] =	dma.local @p0 [hbm:s7], $0x640  }
0x19: {  	s6 =	simm.s32 @p0 $0x9  }
0x1a: {  	_ =	swait.ge @p0 [sflag:s6], $0x640  }
0x1b: {  	[sflag:s6] =	ssyncset.done @p0 $0x0  }
0x1c: {  	[sflag:s6] =	ssyncadd.s32 @p0 $0xFFFFF9C0;
	s6 =	rddreg [dreg:$0x5]  }
0x1d: {  	[spmem:s14], [sflag:s13] =	dma.local @!p0 [hbm:s6], $0xA00  }
0x1e: {  	s6 =	simm.s32 @!p0 $0x9  }
0x1f: {  	_ =	swait.ge @!p0 [sflag:s6], $0xA00  }
0x20: {  	[sflag:s6] =	ssyncset.done @!p0 $0x0  }
0x21: {  	s8 =	rddreg [dreg:$0x4];
	[sflag:s6] =	ssyncadd.s32 @!p0 $0xFFFFF600  }
0x22: {  	[spmem:s16], [sflag:s15] =	dma.local [hbm:s8], $0xA00  }
0x23: {  	_ =	swait.ge [sflag:s17], $0xA00  }
0x24: {  	[sflag:s17] =	ssyncset.done $0x0  }
0x25: {  	s7 =	rddreg [dreg:$0x7];
	[sflag:s17] =	ssyncadd.s32 $0xFFFFF600  }
0x26: {  	[tilespmem:s4], [sflag:$0x9] =	stream.linear.gather [hbm4b:s7+s4], $0x1400, $0x38;
	[tilespmem:$0x10800] =	vst v63  }
0x27: {  	_ =	swait.ge [sflag:s17], $0x1400  }
0x28: {  	[sflag:s17] =	ssyncset.done $0x0  }
0x29: {  	[sflag:s17] =	ssyncadd.s32 $0xFFFFEC00  }
0x2a: {  	[tilespmem:s18], [sflag:$0x9] =	stream.linear.gather [hbm4b:s9+s4], $0x1400, $0x38;
	[tilespmem:$0x10800] =	vst v63  }
0x2b: {  	_ =	swait.ge [sflag:s17], $0x1400  }
0x2c: {  	[sflag:s17] =	ssyncset.done $0x0  }
0x2d: {  	[sflag:s17] =	ssyncadd.s32 $0xFFFFEC00  }
0x2e: {  	[bflag:$0x0] =	sbarrier.arrive $0xFFFF  }
0x2f: {  	[tilespmem:s20], [sflag:$0x1] =	stream.indirect.gather [spmem:s2], $0x20, s4, s19, $0xb8;
	[tilespmem:$0x10800] =	vst v63  }
0x30: {  	_ = 	snop  }
0x31: {  	[tilespmem:s21], [sflag:$0x2] =	stream.indirect.gather [spmem:s2], $0x20, s19, s19, $0xb8;
	[tilespmem:$0x10800] =	vst v63  }
0x32: {  	s8 =	simm.s32 $0x100  }
0x33: {  	[tilespmem:s23], [sflag:$0x3] =	stream.indirect.gather [spmem:s2], $0x20, s8, s19, $0xb8;
	[tilespmem:$0x10800] =	vst v63  }
0x34: {  	_ =	swait.ge [sflag:s24], $0x1000  }
0x35: {  	[sflag:s24] =	ssyncset.done $0x0  }
0x36: {  	s7 =	simm.s32 $0x180;
	[sflag:s24] =	ssyncadd.s32 $0xFFFFF000  }
0x37: {  	[tilespmem:s26], [sflag:$0x4] =	stream.indirect.gather [spmem:s2], $0x20, s7, s19, $0xb8;
	[tilespmem:$0x10800] =	vst v63  }
0x38: {  	_ = 	snop  }
0x39: {  	[spmem:s3] =	stream.indirect.scatter.add.bf16 [tilespmem:s20], [sflag:$0x5], $0x20, s18, s19, $0xb8;
	[tilespmem:$0x10800] =	vst v63  }
0x3a: {  	_ =	swait.ge [sflag:s28], $0x1000  }
0x3b: {  	[sflag:s28] =	ssyncset.done $0x0  }
0x3c: {  	[sflag:s28] =	ssyncadd.s32 $0xFFFFF000  }
0x3d: {  	_ =	swait.ge [sflag:s29], $0x1000  }
0x3e: {  	[sflag:s29] =	ssyncset.done $0x0  }
0x3f: {  	s8 =	simm.s32 $0x200;
	[sflag:s29] =	ssyncadd.s32 $0xFFFFF000  }
0x40: {  	[tilespmem:s20], [sflag:$0x1] =	stream.indirect.gather [spmem:s2], $0x20, s8, s19, $0xb8;
	[tilespmem:$0x10800] =	vst v63  }
0x41: {  	s7 =	simm.s32 $0x1480  }
0x42: {  	[spmem:s3] =	stream.indirect.scatter.add.bf16 [tilespmem:s21], [sflag:$0x6], $0x20, s7, s19, $0xb8;
	[tilespmem:$0x10800] =	vst v63  }
0x43: {  	_ =	swait.ge [sflag:s1], $0x1000  }
0x44: {  	[sflag:s1] =	ssyncset.done $0x0  }
0x45: {  	[sflag:s1] =	ssyncadd.s32 $0xFFFFF000  }
0x46: {  	_ =	swait.ge [sflag:s0], $0x1000  }
0x47: {  	[sflag:s0] =	ssyncset.done $0x0  }
0x48: {  	s8 =	simm.s32 $0x280;
	[sflag:s0] =	ssyncadd.s32 $0xFFFFF000  }
0x49: {  	[tilespmem:s21], [sflag:$0x2] =	stream.indirect.gather [spmem:s2], $0x20, s8, s19, $0xb8;
	[tilespmem:$0x10800] =	vst v63  }
0x4a: {  	s7 =	simm.s32 $0x1500  }
0x4b: {  	[spmem:s3] =	stream.indirect.scatter.add.bf16 [tilespmem:s23], [sflag:$0x7], $0x20, s7, s19, $0xb8;
	[tilespmem:$0x10800] =	vst v63  }
0x4c: {  	_ =	swait.ge [sflag:s30], $0x1000  }
0x4d: {  	[sflag:s30] =	ssyncset.done $0x0  }
0x4e: {  	[sflag:s30] =	ssyncadd.s32 $0xFFFFF000  }
0x4f: {  	_ =	swait.ge [sflag:s31], $0x1000  }
0x50: {  	[sflag:s31] =	ssyncset.done $0x0  }
0x51: {  	s8 =	simm.s32 $0x300;
	[sflag:s31] =	ssyncadd.s32 $0xFFFFF000  }
0x52: {  	[tilespmem:s23], [sflag:$0x3] =	stream.indirect.gather [spmem:s2], $0x20, s8, s19, $0xb8;
	[tilespmem:$0x10800] =	vst v63  }
0x53: {  	s7 =	simm.s32 $0x1580  }
0x54: {  	[spmem:s3] =	stream.indirect.scatter.add.bf16 [tilespmem:s26], [sflag:$0x8], $0x20, s7, s19, $0xb8;
	[tilespmem:$0x10800] =	vst v63  }
0x55: {  	_ =	swait.ge [sflag:s24], $0x1000  }
0x56: {  	[sflag:s24] =	ssyncset.done $0x0  }
0x57: {  	[sflag:s24] =	ssyncadd.s32 $0xFFFFF000  }
0x58: {  	_ =	swait.ge [sflag:s22], $0x1000  }
0x59: {  	[sflag:s22] =	ssyncset.done $0x0  }
0x5a: {  	s8 =	simm.s32 $0x380;
	[sflag:s22] =	ssyncadd.s32 $0xFFFFF000  }
0x5b: {  	[tilespmem:s26], [sflag:$0x4] =	stream.indirect.gather [spmem:s2], $0x20, s8, s19, $0xb8;
	[tilespmem:$0x10800] =	vst v63  }
0x5c: {  	s7 =	simm.s32 $0x1600  }
0x5d: {  	[spmem:s3] =	stream.indirect.scatter.add.bf16 [tilespmem:s20], [sflag:$0x5], $0x20, s7, s19, $0xb8;
	[tilespmem:$0x10800] =	vst v63  }
0x5e: {  	_ =	swait.ge [sflag:s28], $0x1000  }
0x5f: {  	[sflag:s28] =	ssyncset.done $0x0  }
0x60: {  	[sflag:s28] =	ssyncadd.s32 $0xFFFFF000  }
0x61: {  	_ =	swait.ge [sflag:s29], $0x1000  }
0x62: {  	[sflag:s29] =	ssyncset.done $0x0  }
0x63: {  	s8 =	simm.s32 $0x400;
	[sflag:s29] =	ssyncadd.s32 $0xFFFFF000  }
0x64: {  	[tilespmem:s20], [sflag:$0x1] =	stream.indirect.gather [spmem:s2], $0x20, s8, s19, $0xb8;
	[tilespmem:$0x10800] =	vst v63  }
0x65: {  	s7 =	simm.s32 $0x1680  }
0x66: {  	[spmem:s3] =	stream.indirect.scatter.add.bf16 [tilespmem:s21], [sflag:$0x6], $0x20, s7, s19, $0xb8;
	[tilespmem:$0x10800] =	vst v63  }
0x67: {  	_ =	swait.ge [sflag:s1], $0x1000  }
0x68: {  	[sflag:s1] =	ssyncset.done $0x0  }
0x69: {  	[sflag:s1] =	ssyncadd.s32 $0xFFFFF000  }
0x6a: {  	_ =	swait.ge [sflag:s0], $0x1000  }
0x6b: {  	[sflag:s0] =	ssyncset.done $0x0  }
0x6c: {  	s8 =	simm.s32 $0x480;
	[sflag:s0] =	ssyncadd.s32 $0xFFFFF000  }
0x6d: {  	[tilespmem:s21], [sflag:$0x2] =	stream.indirect.gather [spmem:s2], $0x20, s8, s19, $0xb8;
	[tilespmem:$0x10800] =	vst v63  }
0x6e: {  	s7 =	simm.s32 $0x1700  }
0x6f: {  	[spmem:s3] =	stream.indirect.scatter.add.bf16 [tilespmem:s23], [sflag:$0x7], $0x20, s7, s19, $0xb8;
	[tilespmem:$0x10800] =	vst v63  }
0x70: {  	_ =	swait.ge [sflag:s30], $0x1000  }
0x71: {  	[sflag:s30] =	ssyncset.done $0x0  }
0x72: {  	[sflag:s30] =	ssyncadd.s32 $0xFFFFF000  }
0x73: {  	_ =	swait.ge [sflag:s31], $0x1000  }
0x74: {  	s6 =	simm.s32 $0x800;
	[sflag:s31] =	ssyncset.done $0x0  }
0x75: {  	s8 =	simm.s32 $0x500;
	s7 =	simm.s32 $0x1780;
	[sflag:s31] =	ssyncadd.s32 $0xFFFFF000  }
0x76: {  	[tilespmem:s23], [sflag:$0x3] =	stream.indirect.gather [spmem:s2], $0x20, s8, s19, $0xb8;
	[tilespmem:$0x10800] =	vst v63  }
.LBB2_2:
0x77: {  	[spmem:s3] =	stream.indirect.scatter.add.bf16 [tilespmem:s26], [sflag:$0x8], $0x20, s7, s19, $0xb8;
	[tilespmem:$0x10800] =	vst v63  }
0x78: {  	s7 =	smov.u32 s6  }
0x79: {  	p1 =	sne.s32 s6, $0x3800;
	s6 =	sadd.s32 $0x800, s6;
	_ =	swait.ge [sflag:s24], $0x1000  }
0x7a: {  	[sflag:s24] =	ssyncset.done $0x0  }
0x7b: {  	[sflag:s24] =	ssyncadd.s32 $0xFFFFF000  }
0x7c: {  	_ =	swait.ge [sflag:s22], $0x1000  }
0x7d: {  	s7 =	sshra.s32 s7, $0x2;
	[sflag:s22] =	ssyncset.done $0x0  }
0x7e: {  	s8 =	sadd.s32 $0x380, s7;
	[sflag:s22] =	ssyncadd.s32 $0xFFFFF000  }
0x7f: {  	[tilespmem:s26], [sflag:$0x4] =	stream.indirect.gather [spmem:s2], $0x20, s8, s19, $0xb8;
	[tilespmem:$0x10800] =	vst v63  }
0x80: {  	s8 =	sadd.s32 $0x1600, s7  }
0x81: {  	[spmem:s3] =	stream.indirect.scatter.add.bf16 [tilespmem:s20], [sflag:$0x5], $0x20, s8, s19, $0xb8;
	[tilespmem:$0x10800] =	vst v63  }
0x82: {  	_ =	swait.ge [sflag:s28], $0x1000  }
0x83: {  	[sflag:s28] =	ssyncset.done $0x0  }
0x84: {  	[sflag:s28] =	ssyncadd.s32 $0xFFFFF000  }
0x85: {  	_ =	swait.ge [sflag:s29], $0x1000  }
0x86: {  	[sflag:s29] =	ssyncset.done $0x0  }
0x87: {  	s8 =	sadd.s32 $0x400, s7;
	[sflag:s29] =	ssyncadd.s32 $0xFFFFF000  }
0x88: {  	[tilespmem:s20], [sflag:$0x1] =	stream.indirect.gather [spmem:s2], $0x20, s8, s19, $0xb8;
	[tilespmem:$0x10800] =	vst v63  }
0x89: {  	s8 =	sadd.s32 $0x1680, s7  }
0x8a: {  	[spmem:s3] =	stream.indirect.scatter.add.bf16 [tilespmem:s21], [sflag:$0x6], $0x20, s8, s19, $0xb8;
	[tilespmem:$0x10800] =	vst v63  }
0x8b: {  	_ =	swait.ge [sflag:s1], $0x1000  }
0x8c: {  	[sflag:s1] =	ssyncset.done $0x0  }
0x8d: {  	[sflag:s1] =	ssyncadd.s32 $0xFFFFF000  }
0x8e: {  	_ =	swait.ge [sflag:s0], $0x1000  }
0x8f: {  	[sflag:s0] =	ssyncset.done $0x0  }
0x90: {  	s8 =	sadd.s32 $0x480, s7;
	[sflag:s0] =	ssyncadd.s32 $0xFFFFF000  }
0x91: {  	[tilespmem:s21], [sflag:$0x2] =	stream.indirect.gather [spmem:s2], $0x20, s8, s19, $0xb8;
	[tilespmem:$0x10800] =	vst v63  }
0x92: {  	s8 =	sadd.s32 $0x1700, s7  }
0x93: {  	[spmem:s3] =	stream.indirect.scatter.add.bf16 [tilespmem:s23], [sflag:$0x7], $0x20, s8, s19, $0xb8;
	[tilespmem:$0x10800] =	vst v63  }
0x94: {  	_ =	swait.ge [sflag:s30], $0x1000  }
0x95: {  	[sflag:s30] =	ssyncset.done $0x0  }
0x96: {  	[sflag:s30] =	ssyncadd.s32 $0xFFFFF000  }
.Ltmp0:
0x97: {  	_ =	swait.ge [sflag:s31], $0x1000;
	(pc) =	sbr.rel @p1 .LBB2_2-.Ltmp0, $4  }
0x98: {  	[sflag:s31] =	ssyncset.done $0x0  }
0x99: {  	s8 =	sadd.s32 $0x500, s7;
	[sflag:s31] =	ssyncadd.s32 $0xFFFFF000  }
0x9a: {  	[tilespmem:s23], [sflag:$0x3] =	stream.indirect.gather [spmem:s2], $0x20, s8, s19, $0xb8;
	[tilespmem:$0x10800] =	vst v63  }
0x9b: {  	s7 =	sadd.s32 $0x1780, s7  }
0x9c: {  	[spmem:s3] =	stream.indirect.scatter.add.bf16 [tilespmem:s26], [sflag:$0x8], $0x20, s7, s19, $0xb8;
	[tilespmem:$0x10800] =	vst v63  }
0x9d: {  	_ =	swait.ge [sflag:s24], $0x1000  }
0x9e: {  	[sflag:s24] =	ssyncset.done $0x0  }
0x9f: {  	[sflag:s24] =	ssyncadd.s32 $0xFFFFF000  }
0xa0: {  	_ =	swait.ge [sflag:s22], $0x1000  }
0xa1: {  	[sflag:s22] =	ssyncset.done $0x0  }
0xa2: {  	[sflag:s22] =	ssyncadd.s32 $0xFFFFF000  }
0xa3: {  	[tilespmem:s26], [sflag:$0x4] =	stream.indirect.gather [spmem:s2], $0x20, s25, s19, $0xb8;
	[tilespmem:$0x10800] =	vst v63  }
0xa4: {  	s6 =	simm.s32 $0x2600  }
0xa5: {  	[spmem:s3] =	stream.indirect.scatter.add.bf16 [tilespmem:s20], [sflag:$0x5], $0x20, s6, s19, $0xb8;
	[tilespmem:$0x10800] =	vst v63  }
0xa6: {  	_ =	swait.ge [sflag:s28], $0x1000  }
0xa7: {  	[sflag:s28] =	ssyncset.done $0x0  }
0xa8: {  	[sflag:s28] =	ssyncadd.s32 $0xFFFFF000  }
0xa9: {  	_ =	swait.ge [sflag:s29], $0x1000  }
0xaa: {  	[sflag:s29] =	ssyncset.done $0x0  }
0xab: {  	[sflag:s29] =	ssyncadd.s32 $0xFFFFF000  }
0xac: {  	[tilespmem:s20], [sflag:$0x1] =	stream.indirect.gather [spmem:s2], $0x20, s25, s19, $0xb8;
	[tilespmem:$0x10800] =	vst v63  }
0xad: {  	s8 =	simm.s32 $0x2680  }
0xae: {  	[spmem:s3] =	stream.indirect.scatter.add.bf16 [tilespmem:s21], [sflag:$0x6], $0x20, s8, s19, $0xb8;
	[tilespmem:$0x10800] =	vst v63  }
0xaf: {  	_ =	swait.ge [sflag:s1], $0x1000  }
0xb0: {  	[sflag:s1] =	ssyncset.done $0x0  }
0xb1: {  	[sflag:s1] =	ssyncadd.s32 $0xFFFFF000  }
0xb2: {  	_ =	swait.ge [sflag:s0], $0x1000  }
0xb3: {  	[sflag:s0] =	ssyncset.done $0x0  }
0xb4: {  	[sflag:s0] =	ssyncadd.s32 $0xFFFFF000  }
0xb5: {  	[tilespmem:s21], [sflag:$0x2] =	stream.indirect.gather [spmem:s2], $0x20, s25, s19, $0xb8;
	[tilespmem:$0x10800] =	vst v63  }
0xb6: {  	s7 =	simm.s32 $0x2700  }
0xb7: {  	[spmem:s3] =	stream.indirect.scatter.add.bf16 [tilespmem:s23], [sflag:$0x7], $0x20, s7, s19, $0xb8;
	[tilespmem:$0x10800] =	vst v63  }
0xb8: {  	_ =	swait.ge [sflag:s30], $0x1000  }
0xb9: {  	[sflag:s30] =	ssyncset.done $0x0  }
0xba: {  	[sflag:s30] =	ssyncadd.s32 $0xFFFFF000  }
0xbb: {  	_ =	swait.ge [sflag:s31], $0x1000  }
0xbc: {  	[sflag:s31] =	ssyncset.done $0x0  }
0xbd: {  	[sflag:s31] =	ssyncadd.s32 $0xFFFFF000  }
0xbe: {  	[tilespmem:s23], [sflag:$0x3] =	stream.indirect.gather [spmem:s2], $0x20, s25, s19, $0xb8;
	[tilespmem:$0x10800] =	vst v63  }
0xbf: {  	s8 =	simm.s32 $0x2780  }
0xc0: {  	[spmem:s3] =	stream.indirect.scatter.add.bf16 [tilespmem:s26], [sflag:$0x8], $0x20, s8, s19, $0xb8;
	[tilespmem:$0x10800] =	vst v63  }
0xc1: {  	_ =	swait.ge [sflag:s22], $0x1000  }
0xc2: {  	[sflag:s22] =	ssyncset.done $0x0  }
0xc3: {  	[sflag:s22] =	ssyncadd.s32 $0xFFFFF000  }
0xc4: {  	_ =	swait.ge [sflag:s24], $0x1000  }
0xc5: {  	[sflag:s24] =	ssyncset.done $0x0  }
0xc6: {  	[sflag:s24] =	ssyncadd.s32 $0xFFFFF000  }
0xc7: {  	_ =	swait.ge [sflag:s28], $0x1000  }
0xc8: {  	[sflag:s28] =	ssyncset.done $0x0  }
0xc9: {  	[sflag:s28] =	ssyncadd.s32 $0xFFFFF000  }
0xca: {  	_ =	swait.ge [sflag:s1], $0x1000  }
0xcb: {  	s5 =	sadd.s32 $0x1, s5;
	[sflag:s1] =	ssyncset.done $0x0  }
0xcc: {  	p1 =	sne.s32 s5, s11;
	[sflag:s1] =	ssyncadd.s32 $0xFFFFF000  }
.Ltmp1:
0xcd: {  	[bflag:$0x0] =	sbarrier.arrive $0xFFFF;
	(pc) =	sbr.rel @p1 .LBB2_1-.Ltmp1, $4  }
0xce: {  	[hbm:s10], [sflag:s15] =	dma.local [spmem:s16], $0xA00  }
0xcf: {  	_ =	swait.ge [sflag:s17], $0xA00  }
0xd0: {  	[sflag:s17] =	ssyncset.done $0x0  }
0xd1: {  	[sflag:s17] =	ssyncadd.s32 $0xFFFFF600  }
0xd2: {  	_ =	sfence.sel $0x180000  }
0xd3: {  	[bflag:$0x0] =	sbarrier.arrive $0xFFFF  }
0xd4: {  	_ =	strace $0x9000004A  }
0xd5: {  	s0 =	stileid.u32;
	[bflag:$0x2] =	sbarrier.arrive $0xFFFF  }
0xd6: {  	p0 =	sne.s32 s0, $0x0;
	s0 =	rddreg [dreg:$0x3]  }
0xd7: {  	s0 =	sadd.s32 @!p0 $0x100000, s0  }
0xd8: {  	[sflag:s0] =	ssyncadd.tile.s32 @!p0 $0x1;
	_ =	shalt  }
.Lfunc_end2:
_tile_overlayer_lowered:
.L_overlay_start_2:
0xd9: {  	(tag) =	ssettag $0x2  }
0xda: {  	s0 =	rddreg [dreg:$0x0];
	s2 =	stileid.u32  }
0xdb: {  	s1 =	rddreg [dreg:$0x1];
	p0 =	sne.s32 s2, $0x0  }
0xdc: {  	s3 =	rddreg [dreg:$0x2];
	[bflag:$0x3] =	sbarrier.arrive $0xFFFF;
	s2 =	simm.s32 @!p0 $0x1C09  }
0xdd: {  	[timem:s3], [sflag:s2] =	dma.local @!p0 [hbm:s0], s1  }
0xde: {  	s0 =	simm.s32 @!p0 $0x9  }
0xdf: {  	_ =	swait.ge @!p0 [sflag:s0], s1  }
0xe0: {  	s1 =	ssub.s32 @!p0 $0x0, s1;
	[sflag:s0] =	ssyncset.done @!p0 $0x0  }
0xe1: {  	[sflag:s0] =	ssyncadd.s32 @!p0 s1  }
0xe2: {  	[bflag:$0x3] =	sbarrier.arrive $0xFFFF  }
0xe3: {  	_ =	shalt  }

// kernel: kernel.16.cloned.1.call-start
scs
__scs_entry_jumppad:
0x0: {  	(pc) =	sbr.rel $0x88, $3  }
0x1: {  	(tag) =	ssettag $0x0;
	lr =	simm.s32 $0x1  }
0x2: {  	[smem:$0x3F97] =	sst lr;
	_ =	strace $0xD0000000  }
0x3: {  	_ = 	snop  }
0x4: {  	_ = 	snop  }
0x5: {  	_ = 	snop  }
0x6: {  	_ = 	snop  }
0x7: {  	_ = 	snop  }
__scs_overlays_trampoline_lowered:
0x8: {  	[smem:$0x3FA6] =	sst s0  }
0x9: {  	[smem:$0x3FA7] =	sst s1  }
0xa: {  	[smem:$0x3FA8] =	sst s2  }
0xb: {  	[smem:$0x3FA9] =	sst s3  }
0xc: {  	[smem:$0x3FAA] =	sst s4  }
0xd: {  	[smem:$0x3FAB] =	sst s5  }
0xe: {  	[smem:$0x3FAC] =	sst s6  }
0xf: {  	[smem:$0x3FAD] =	sst s7  }
0x10: {  	[smem:$0x3FAE] =	sst s8  }
0x11: {  	[smem:$0x3FAF] =	sst s9;
	s0 =	simm.s32 @!p0 $0x0  }
0x12: {  	s1 =	sld [smem:$0x3F95];
	s0 =	simm.s32 @p0 $0x1  }
0x13: {  	[smem:$0x3FB0] =	sst s0;
	s0 =	simm.s32 @!p1 $0x0  }
0x14: {  	s2 =	sld [smem:$0x3F94];
	s0 =	simm.s32 @p1 $0x1  }
0x15: {  	[smem:$0x3FB1] =	sst s0;
	s0 =	simm.s32 @!p2 $0x0  }
0x16: {  	s3 =	sld [smem:$0x3FDB];
	s0 =	simm.s32 @p2 $0x1  }
0x17: {  	s4 =	simm.s32 $0x1BF5;
	[smem:$0x3FB3] =	sst s0  }
0x18: {  	s0 =	sld [smem:$0x3F96];
	_ =	swait.ge [sflag:s4], $0x0  }
0x19: {  	s7 =	sld [smem:$0x3F97]  }
0x1a: {  	s8 =	sadd.s32 $0xFFFFE003, lr  }
0x1b: {  	s9 =	sadd.s32 $0xFFFFFEF7, lr;
	s5 =	simm.s32 $0xFFFFFFFF;
	p2 =	slt.u32 s8, $0xFFFFF086  }
0x1c: {  	p1 =	slt.u32 s9, $0xF7A;
	s5 =	simm.s32 @!p2 $0x0  }
0x1d: {  	s5 =	simm.s32 @p1 $0x1;
	p0 =	seq.s32 s7, s2  }
0x1e: {  	s7 =	smul.u32 @!p0 $0xF7A, s2;
	p2 =	seq.s32 @!p0 s5, $0x0  }
0x1f: {  	s9 =	smul.u32 $0xF7A, s1;
	s8 =	simm.s32 @!p0 $0x1BF5;
	p2 =	por !p2, p0  }
0x20: {  	[sflag:s8] =	ssyncset.s32 @!p0 $0xFFFFF086;
	s6 =	sadd.s32 @!p0 s3, s7;
	s7 =	simm.s32 @!p0 $0x108  }
0x21: {  	s3 =	sadd.s32 s3, s9;
	s6 =	sadd.s32 @!p0 $0x88, s6;
	s7 =	simm.s32 @p2 $0x1082  }
0x22: {  	[simem:s7], [sflag:s8] =	dma.local @!p0 [hbm:s6], $0xF7A  }
0x23: {  	s9 =	sor.u32 $0xD0000000, s2;
	s6 =	simm.s32 $0x108;
	_ =	swait.ge @!p0 [sflag:s8], $0x0  }
0x24: {  	s3 =	sadd.s32 $0x88, s3;
	s6 =	simm.s32 @!p1 $0x1082;
	[sflag:s4] =	ssyncset.s32 $0xFFFFF086  }
0x25: {  	[simem:s6], [sflag:s4] =	dma.local [hbm:s3], $0xF7A  }
0x26: {  	[smem:$0x3F97] =	sst s1;
	(tag) =	ssettag s2;
	_ =	strace s9  }
0x27: {  	s1 =	sld [smem:$0x3FA7]  }
0x28: {  	s2 =	sld [smem:$0x3FA8]  }
0x29: {  	s4 =	sld [smem:$0x3FAA]  }
0x2a: {  	p0 =	seq.s32 s5, $0x0;
	s5 =	sld [smem:$0x3FAB]  }
0x2b: {  	s6 =	sld [smem:$0x3FAC]  }
0x2c: {  	s7 =	sld [smem:$0x3FAD]  }
0x2d: {  	s3 =	simm.s32 $0x108;
	s8 =	sld [smem:$0x3FAE]  }
0x2e: {  	s3 =	simm.s32 @!p0 $0x1082;
	s9 =	sld [smem:$0x3FAF]  }
0x2f: {  	lr =	sadd.s32 s0, s3;
	s0 =	sld [smem:$0x3FA6]  }
0x30: {  	s3 =	sld [smem:$0x3FA9]  }
0x31: {  	[smem:$0x3FB2] =	sst s10  }
0x32: {  	s10 =	sld [smem:$0x3FB0];
	_ =	sdelay $0x3  }
0x33: {  	p0 =	seq.s32 s10, $0x1;
	s10 =	sld [smem:$0x3FB2];
	_ =	sdelay $0x3  }
0x34: {  	[smem:$0x3FB2] =	sst s10  }
0x35: {  	s10 =	sld [smem:$0x3FB1];
	_ =	sdelay $0x3  }
0x36: {  	p1 =	seq.s32 s10, $0x1;
	s10 =	sld [smem:$0x3FB2];
	_ =	sdelay $0x3  }
0x37: {  	[smem:$0x3FB2] =	sst s10  }
0x38: {  	s10 =	sld [smem:$0x3FB3]  }
0x39: {  	_ = 	snop;
	(pc) =	sbr.ind lr, $3  }
0x3a: {  	_ = 	snop  }
0x3b: {  	_ = 	snop  }
0x3c: {  	p2 =	seq.s32 s10, $0x1;
	s10 =	sld [smem:$0x3FB2]  }
0x3d: {  	_ =	shalt  }
0x3e: {  	_ =	shalt  }
0x3f: {  	_ =	shalt  }
0x40: {  	_ =	shalt  }
0x41: {  	_ =	shalt  }
0x42: {  	_ =	shalt  }
0x43: {  	_ =	shalt  }
0x44: {  	_ =	shalt  }
0x45: {  	_ =	shalt  }
0x46: {  	_ =	shalt  }
0x47: {  	_ =	shalt  }
0x48: {  	_ =	shalt  }
0x49: {  	_ =	shalt  }
0x4a: {  	_ =	shalt  }
0x4b: {  	_ =	shalt  }
0x4c: {  	_ =	shalt  }
0x4d: {  	_ =	shalt  }
0x4e: {  	_ =	shalt  }
0x4f: {  	_ =	shalt  }
0x50: {  	_ =	shalt  }
0x51: {  	_ =	shalt  }
0x52: {  	_ =	shalt  }
0x53: {  	_ =	shalt  }
0x54: {  	_ =	shalt  }
0x55: {  	_ =	shalt  }
0x56: {  	_ =	shalt  }
0x57: {  	_ =	shalt  }
0x58: {  	_ =	shalt  }
0x59: {  	_ =	shalt  }
0x5a: {  	_ =	shalt  }
0x5b: {  	_ =	shalt  }
0x5c: {  	_ =	shalt  }
0x5d: {  	_ =	shalt  }
0x5e: {  	_ =	shalt  }
0x5f: {  	_ =	shalt  }
0x60: {  	_ =	shalt  }
0x61: {  	_ =	shalt  }
0x62: {  	_ =	shalt  }
0x63: {  	_ =	shalt  }
0x64: {  	_ =	shalt  }
0x65: {  	_ =	shalt  }
0x66: {  	_ =	shalt  }
0x67: {  	_ =	shalt  }
0x68: {  	_ =	shalt  }
0x69: {  	_ =	shalt  }
0x6a: {  	_ =	shalt  }
0x6b: {  	_ =	shalt  }
0x6c: {  	_ =	shalt  }
0x6d: {  	_ =	shalt  }
0x6e: {  	_ =	shalt  }
0x6f: {  	_ =	shalt  }
0x70: {  	_ =	shalt  }
0x71: {  	_ =	shalt  }
0x72: {  	_ =	shalt  }
0x73: {  	_ =	shalt  }
0x74: {  	_ =	shalt  }
0x75: {  	_ =	shalt  }
0x76: {  	_ =	shalt  }
0x77: {  	_ =	shalt  }
0x78: {  	_ =	shalt  }
0x79: {  	_ =	shalt  }
0x7a: {  	_ =	shalt  }
0x7b: {  	_ =	shalt  }
0x7c: {  	_ =	shalt  }
0x7d: {  	_ =	shalt  }
0x7e: {  	_ =	shalt  }
0x7f: {  	_ =	shalt  }
0x80: {  	_ =	shalt  }
0x81: {  	_ =	shalt  }
0x82: {  	_ =	shalt  }
0x83: {  	_ =	shalt  }
0x84: {  	_ =	shalt  }
0x85: {  	_ =	shalt  }
0x86: {  	_ =	shalt  }
0x87: {  	_ =	shalt  }
.Lfunc_end0:
.L_simem_size_0:
called_computation.2_lowered:
.L_overlay_start_0:
0x88: {  	s2 =	sld [smem:$0x3FD9]  }
0x89: {  	s3 =	sld [smem:$0x3FFE];
	_ =	sdelay $0x1  }
0x8a: {  	s1 =	srdreg.scid  }
0x8b: {  	s0 =	sand.u32 $0x1, s1  }
0x8c: {  	s17 =	sshll.u32 s0, $0xA;
	s2 =	sadd.s32 s3, s2  }
0x8d: {  	s2 =	sadd.s32 s2, s17  }
0x8e: {  	[smem:$0x3FBE] =	sst s2  }
0x8f: {  	_ = 	snop  }
0x90: {  	s2 =	sld [smem:$0x3FD0];
	(tm) =	ssettm $0x1  }
0x91: {  	s18 =	sld [smem:$0x3FFB];
	_ =	sdelay $0x3  }
0x92: {  	_ =	strace s18  }
0x93: {  	s3 =	sld [smem:$0x3FFC];
	_ =	sdelay $0x3  }
0x94: {  	_ =	strace s3  }
0x95: {  	s3 =	sld [smem:$0x3FFD];
	_ =	sdelay $0x3  }
0x96: {  	_ =	strace s3  }
0x97: {  	_ =	strace $0x8FFFFFFF  }
0x98: {  	s19 =	sld [smem:$0x3FDB];
	_ =	sdelay $0x1  }
0x99: {  	s4 =	simm.s32 $_scs_section_size  }
0x9a: {  	s5 =	simm.s32 $_size__tile_overlayer_lowered;
	s6 =	simm.s32 $_tile_overlayer_lowered  }
0x9b: {  	s22 =	simm.s32 $0x1BFF;
	s21 =	sshll.u32 s6, $0x1;
	s3 =	sadd.s32 s4, s19  }
0x9c: {  	s7 =	simm.s32 $0x0;
	s20 =	sshll.u32 s5, $0x1;
	s5 =	sadd.s32 s21, s3  }
0x9d: {  	[timem:s7], [sflag:s22] =	dma.local [hbm:s5], s20  }
0x9e: {  	_ =	swait.ge [sflag:s22], s20  }
0x9f: {  	s4 =	ssub.s32 $0x0, s20;
	[sflag:s22] =	ssyncset.done $0x0  }
0xa0: {  	[sflag:s22] =	ssyncadd.s32 s4;
	_ =	sdelay $0x1  }
0xa1: {  	s23 =	simm.s32 $0x1B8B  }
0xa2: {  	_ =	swait.ge [sflag:s23], $0x1  }
0xa3: {  	[sflag:s23] =	ssyncset.done $0x0  }
0xa4: {  	s25 =	simm.s32 $0x1B8E;
	s24 =	sld [smem:$0x3FFE];
	[sflag:s23] =	ssyncadd.s32 $0xFFFFFFFF  }
0xa5: {  	s26 =	simm.s32 $execute0_lowered;
	[smem:$0x3FD2] =	sst s25  }
0xa6: {  	s5 =	sshll.u32 s26, $0x1;
	_ =	strace $0x8000004C;
	[dreg:$0x1] =	wrdreg $0xFFFFFFFF  }
0xa7: {  	s28 =	simm.s32 $_size_execute0_lowered;
	s3 =	sadd.s32 s3, s5;
	[dreg:$0x0] =	wrdreg $0x0  }
0xa8: {  	s5 =	sshll.u32 s28, $0x1;
	[dreg:$0x2] =	wrdreg s3  }
0xa9: {  	[dreg:$0x3] =	wrdreg s5  }
0xaa: {  	[dreg:$0x4] =	wrdreg $0xC0  }
0xab: {  	_ =	task [dreg:s7], $0x5FFFF  }
0xac: {  	[dreg:$0x1] =	wrdreg $0xFFFFFFFF  }
0xad: {  	[dreg:$0x0] =	wrdreg $0x60  }
0xae: {  	[dreg:$0x2] =	wrdreg s24  }
0xaf: {  	[dreg:$0x3] =	wrdreg s2  }
0xb0: {  	[dreg:$0x4] =	wrdreg $0x48000  }
0xb1: {  	[dreg:$0x5] =	wrdreg $0x70000  }
0xb2: {  	[dreg:$0x6] =	wrdreg $0x9  }
0xb3: {  	_ =	task.clear_ibuf [dreg:s7], $0x7FFFF;
	_ =	strace $0x9000004C  }
0xb4: {  	s29 =	simm.s32 $0x9;
	_ =	strace $0x8000004E  }
0xb5: {  	_ =	swait.ge [sflag:s29], $0x1  }
0xb6: {  	[sflag:s29] =	ssyncadd.s32 $0xFFFFFFFF  }
0xb7: {  	_ =	strace $0x9000004E  }
0xb8: {  	_ =	sfence  }
0xb9: {  	s30 =	sld [smem:$0x0];
	_ =	sdelay $0x2  }
0xba: {  	s31 =	sshll.u32 s1, $0xD;
	s1 =	sshrl.u32 s1, $0x2  }
0xbb: {  	s3 =	sand.u32 $0x4000, s31;
	s1 =	sadd.s32 s1, s30  }
0xbc: {  	s0 =	sor.u32 s3, s0;
	s1 =	sshll.u32 s1, $0x11  }
0xbd: {  	s0 =	sor.u32 s1, s0  }
0xbe: {  	s0 =	sadd.s32 $0x8F2B, s0  }
0xbf: {  	[sflag:s0] =	ssyncadd.remote.s32 $0x1  }
0xc0: {  	_ =	sfence.sel $0xFFFF  }
0xc1: {  	[dreg:$0x0] =	wrdreg $0xFFFFFFFF;
	(pc) =	sbr.abs _section_cstart, $3  }
0xc2: {  	[dreg:$0x1] =	wrdreg $0xFFFFFFFF  }
0xc3: {  	_ =	task.clear_ibuf [dreg:s7], $0x2FFFF;
	_ =	strace $0x9FFFFFFF  }
0xc4: {  	(tm) =	ssettm $0x7FFFFFFF  }
0xc5: {  	_ =	shalt  }
tec
execute0_lowered:
.L_overlay_start_1:
0x0: {  	(tag) =	ssettag $0x1  }
0x1: {  	s0 =	rddreg [dreg:$0x0];
	s1 =	srdreg.scid  }
0x2: {  	s13 =	stileid.u32;
	s3 =	rddreg [dreg:$0x2]  }
0x3: {  	s4 =	rddreg [dreg:$0x3];
	s5 =	simm.s32 $0x0;
	s17 =	simm.s32 $0x9  }
0x4: {  	s18 =	simm.s32 $0x1400;
	s19 =	simm.s32 $0x80;
	s20 =	simm.s32 $0x2800  }
0x5: {  	s21 =	simm.s32 $0x3000;
	s23 =	simm.s32 $0x3800;
	s28 =	simm.s32 $0x2  }
0x6: {  	s29 =	simm.s32 $0x5;
	s30 =	simm.s32 $0x7;
	s22 =	simm.s32 $0x8  }
0x7: {  	s31 =	simm.s32 $0x1380;
	s1 =	sand.u32 $0x1, s1;
	s2 =	sshll.u32 s13, $0x1  }
0x8: {  	s6 =	smul.u32 $0x5000, s13;
	[smem:$0x7FF] =	sst s5;
	s12 =	sadd.s32 $0x25800, s3  }
0x9: {  	p0 =	seq.s32 s13, $0xF;
	s26 =	sshll.u32 s13, $0x6;
	s2 =	sor.u32 s1, s2  }
0xa: {  	s7 =	smul.u32 $0x50000, s1;
	_ =	strace $0x8000004D;
	s1 =	ssub.s32 $0x2, s1  }
0xb: {  	s12 =	sshrl.u32 @p0 s12, $0x3;
	s15 =	sor.u32 $0x1C09, s26;
	s26 =	simm.s32 $0x4000  }
0xc: {  	s2 =	smul.u32 $0x280, s2;
	s8 =	sshrl.u32 s6, $0x4;
	s9 =	sshrl.u32 s1, $0x1  }
0xd: {  	s8 =	sadd.s32 s8, s0;
	s7 =	sadd.s32 s6, s7;
	s6 =	sshrl.u32 s6, $0x1  }
0xe: {  	s1 =	ssub.s32 s1, s9;
	s2 =	sadd.s32 s2, s0;
	s7 =	sshrl.u32 s7, $0x4  }
0xf: {  	s14 =	sadd.s32 s6, s3;
	s8 =	sadd.s32 $0x2800, s8;
	s24 =	sadd.s32 s6, s4  }
0x10: {  	s11 =	smax.u32 s1, $0x1;
	s1 =	sshll.u32 @!p0 s13, $0x6;
	s7 =	sadd.s32 s7, s0  }
0x11: {  	[dreg:$0x5] =	wrdreg s8;
	s0 =	sadd.s32 $0x7300, s0;
	s25 =	sadd.s32 $0x17400, s2  }
0x12: {  	s9 =	sadd.s32 $0x11A00, s2;
	s13 =	sor.u32 @!p0 $0x1C09, s1;
	s14 =	sshrl.u32 @!p0 s14, $0x3  }
0x13: {  	s16 =	sshrl.u32 s24, $0x3;
	s24 =	simm.s32 $0x1;
	[dreg:$0x6] =	wrdreg s0  }
0x14: {  	s2 =	simm.s32 $0x3;
	s1 =	simm.s32 $0x0;
	[dreg:$0x7] =	wrdreg s25  }
0x15: {  	s10 =	sadd.s32 $0x7800, s7;
	s0 =	simm.s32 $0x6;
	s25 =	simm.s32 $0x4  }
.LBB2_1:
0x16: {  	s6 =	simm.s32 @p0 $0x1FC9;
	s7 =	rddreg [dreg:$0x6]  }
0x17: {  	[spmem:s12], [sflag:s6] =	dma.local @p0 [hbm:s7], $0x320  }
0x18: {  	s6 =	simm.s32 @p0 $0x9  }
0x19: {  	_ =	swait.ge @p0 [sflag:s6], $0x320  }
0x1a: {  	[sflag:s6] =	ssyncset.done @p0 $0x0  }
0x1b: {  	[sflag:s6] =	ssyncadd.s32 @p0 $0xFFFFFCE0;
	s6 =	rddreg [dreg:$0x5]  }
0x1c: {  	[spmem:s14], [sflag:s13] =	dma.local @!p0 [hbm:s6], $0x500  }
0x1d: {  	s6 =	simm.s32 @!p0 $0x9  }
0x1e: {  	_ =	swait.ge @!p0 [sflag:s6], $0x500  }
0x1f: {  	[sflag:s6] =	ssyncset.done @!p0 $0x0  }
0x20: {  	[sflag:s6] =	ssyncadd.s32 @!p0 $0xFFFFFB00  }
0x21: {  	s6 =	rddreg [dreg:$0x1]  }
0x22: {  	[spmem:s16], [sflag:s15] =	dma.local [hbm:s6], $0x500  }
0x23: {  	_ =	swait.ge [sflag:s17], $0x500  }
0x24: {  	[sflag:s17] =	ssyncset.done $0x0  }
0x25: {  	s7 =	rddreg [dreg:$0x7];
	[sflag:s17] =	ssyncadd.s32 $0xFFFFFB00  }
0x26: {  	[tilespmem:s5], [sflag:$0x9] =	stream.linear.gather [hbm4b:s7+s5], $0x1400, $0x38;
	[tilespmem:$0x9800] =	vst v63  }
0x27: {  	_ =	swait.ge [sflag:s17], $0x1400  }
0x28: {  	[sflag:s17] =	ssyncset.done $0x0  }
0x29: {  	[sflag:s17] =	ssyncadd.s32 $0xFFFFEC00  }
0x2a: {  	[tilespmem:s18], [sflag:$0x9] =	stream.linear.gather [hbm4b:s9+s5], $0x1400, $0x38;
	[tilespmem:$0x9800] =	vst v63  }
0x2b: {  	_ =	swait.ge [sflag:s17], $0x1400  }
0x2c: {  	[sflag:s17] =	ssyncset.done $0x0  }
0x2d: {  	[sflag:s17] =	ssyncadd.s32 $0xFFFFEC00  }
0x2e: {  	[bflag:$0x0] =	sbarrier.arrive $0xFFFF  }
0x2f: {  	[tilespmem:s20], [sflag:$0x1] =	stream.indirect.gather [spmem:s3], $0x10, s5, s19, $0xb8;
	[tilespmem:$0x9800] =	vst v63  }
0x30: {  	_ = 	snop  }
0x31: {  	[tilespmem:s21], [sflag:$0x2] =	stream.indirect.gather [spmem:s3], $0x10, s19, s19, $0xb8;
	[tilespmem:$0x9800] =	vst v63  }
0x32: {  	s8 =	simm.s32 $0x100  }
0x33: {  	[tilespmem:s23], [sflag:$0x3] =	stream.indirect.gather [spmem:s3], $0x10, s8, s19, $0xb8;
	[tilespmem:$0x9800] =	vst v63  }
0x34: {  	_ =	swait.ge [sflag:s24], $0x800  }
0x35: {  	[sflag:s24] =	ssyncset.done $0x0  }
0x36: {  	s7 =	simm.s32 $0x180;
	[sflag:s24] =	ssyncadd.s32 $0xFFFFF800  }
0x37: {  	[tilespmem:s26], [sflag:$0x4] =	stream.indirect.gather [spmem:s3], $0x10, s7, s19, $0xb8;
	[tilespmem:$0x9800] =	vst v63  }
0x38: {  	_ = 	snop  }
0x39: {  	[spmem:s4] =	stream.indirect.scatter.add.bf16 [tilespmem:s20], [sflag:$0x5], $0x10, s18, s19, $0xb8;
	[tilespmem:$0x9800] =	vst v63  }
0x3a: {  	_ =	swait.ge [sflag:s28], $0x800  }
0x3b: {  	[sflag:s28] =	ssyncset.done $0x0  }
0x3c: {  	[sflag:s28] =	ssyncadd.s32 $0xFFFFF800  }
0x3d: {  	_ =	swait.ge [sflag:s29], $0x800  }
0x3e: {  	[sflag:s29] =	ssyncset.done $0x0  }
0x3f: {  	s8 =	simm.s32 $0x200;
	[sflag:s29] =	ssyncadd.s32 $0xFFFFF800  }
0x40: {  	[tilespmem:s20], [sflag:$0x1] =	stream.indirect.gather [spmem:s3], $0x10, s8, s19, $0xb8;
	[tilespmem:$0x9800] =	vst v63  }
0x41: {  	s7 =	simm.s32 $0x1480  }
0x42: {  	[spmem:s4] =	stream.indirect.scatter.add.bf16 [tilespmem:s21], [sflag:$0x6], $0x10, s7, s19, $0xb8;
	[tilespmem:$0x9800] =	vst v63  }
0x43: {  	_ =	swait.ge [sflag:s2], $0x800  }
0x44: {  	[sflag:s2] =	ssyncset.done $0x0  }
0x45: {  	[sflag:s2] =	ssyncadd.s32 $0xFFFFF800  }
0x46: {  	_ =	swait.ge [sflag:s0], $0x800  }
0x47: {  	[sflag:s0] =	ssyncset.done $0x0  }
0x48: {  	s8 =	simm.s32 $0x280;
	[sflag:s0] =	ssyncadd.s32 $0xFFFFF800  }
0x49: {  	[tilespmem:s21], [sflag:$0x2] =	stream.indirect.gather [spmem:s3], $0x10, s8, s19, $0xb8;
	[tilespmem:$0x9800] =	vst v63  }
0x4a: {  	s7 =	simm.s32 $0x1500  }
0x4b: {  	[spmem:s4] =	stream.indirect.scatter.add.bf16 [tilespmem:s23], [sflag:$0x7], $0x10, s7, s19, $0xb8;
	[tilespmem:$0x9800] =	vst v63  }
0x4c: {  	_ =	swait.ge [sflag:s25], $0x800  }
0x4d: {  	[sflag:s25] =	ssyncset.done $0x0  }
0x4e: {  	[sflag:s25] =	ssyncadd.s32 $0xFFFFF800  }
0x4f: {  	_ =	swait.ge [sflag:s30], $0x800  }
0x50: {  	[sflag:s30] =	ssyncset.done $0x0  }
0x51: {  	s8 =	simm.s32 $0x300;
	[sflag:s30] =	ssyncadd.s32 $0xFFFFF800  }
0x52: {  	[tilespmem:s23], [sflag:$0x3] =	stream.indirect.gather [spmem:s3], $0x10, s8, s19, $0xb8;
	[tilespmem:$0x9800] =	vst v63  }
0x53: {  	s7 =	simm.s32 $0x1580  }
0x54: {  	[spmem:s4] =	stream.indirect.scatter.add.bf16 [tilespmem:s26], [sflag:$0x8], $0x10, s7, s19, $0xb8;
	[tilespmem:$0x9800] =	vst v63  }
0x55: {  	_ =	swait.ge [sflag:s24], $0x800  }
0x56: {  	[sflag:s24] =	ssyncset.done $0x0  }
0x57: {  	[sflag:s24] =	ssyncadd.s32 $0xFFFFF800  }
0x58: {  	_ =	swait.ge [sflag:s22], $0x800  }
0x59: {  	[sflag:s22] =	ssyncset.done $0x0  }
0x5a: {  	s8 =	simm.s32 $0x380;
	[sflag:s22] =	ssyncadd.s32 $0xFFFFF800  }
0x5b: {  	[tilespmem:s26], [sflag:$0x4] =	stream.indirect.gather [spmem:s3], $0x10, s8, s19, $0xb8;
	[tilespmem:$0x9800] =	vst v63  }
0x5c: {  	s7 =	simm.s32 $0x1600  }
0x5d: {  	[spmem:s4] =	stream.indirect.scatter.add.bf16 [tilespmem:s20], [sflag:$0x5], $0x10, s7, s19, $0xb8;
	[tilespmem:$0x9800] =	vst v63  }
0x5e: {  	_ =	swait.ge [sflag:s28], $0x800  }
0x5f: {  	[sflag:s28] =	ssyncset.done $0x0  }
0x60: {  	[sflag:s28] =	ssyncadd.s32 $0xFFFFF800  }
0x61: {  	_ =	swait.ge [sflag:s29], $0x800  }
0x62: {  	[sflag:s29] =	ssyncset.done $0x0  }
0x63: {  	s8 =	simm.s32 $0x400;
	[sflag:s29] =	ssyncadd.s32 $0xFFFFF800  }
0x64: {  	[tilespmem:s20], [sflag:$0x1] =	stream.indirect.gather [spmem:s3], $0x10, s8, s19, $0xb8;
	[tilespmem:$0x9800] =	vst v63  }
0x65: {  	s7 =	simm.s32 $0x1680  }
0x66: {  	[spmem:s4] =	stream.indirect.scatter.add.bf16 [tilespmem:s21], [sflag:$0x6], $0x10, s7, s19, $0xb8;
	[tilespmem:$0x9800] =	vst v63  }
0x67: {  	_ =	swait.ge [sflag:s2], $0x800  }
0x68: {  	[sflag:s2] =	ssyncset.done $0x0  }
0x69: {  	[sflag:s2] =	ssyncadd.s32 $0xFFFFF800  }
0x6a: {  	_ =	swait.ge [sflag:s0], $0x800  }
0x6b: {  	[sflag:s0] =	ssyncset.done $0x0  }
0x6c: {  	s8 =	simm.s32 $0x480;
	[sflag:s0] =	ssyncadd.s32 $0xFFFFF800  }
0x6d: {  	[tilespmem:s21], [sflag:$0x2] =	stream.indirect.gather [spmem:s3], $0x10, s8, s19, $0xb8;
	[tilespmem:$0x9800] =	vst v63  }
0x6e: {  	s7 =	simm.s32 $0x1700  }
0x6f: {  	[spmem:s4] =	stream.indirect.scatter.add.bf16 [tilespmem:s23], [sflag:$0x7], $0x10, s7, s19, $0xb8;
	[tilespmem:$0x9800] =	vst v63  }
0x70: {  	_ =	swait.ge [sflag:s25], $0x800  }
0x71: {  	[sflag:s25] =	ssyncset.done $0x0  }
0x72: {  	[sflag:s25] =	ssyncadd.s32 $0xFFFFF800  }
0x73: {  	_ =	swait.ge [sflag:s30], $0x800  }
0x74: {  	s6 =	simm.s32 $0x800;
	[sflag:s30] =	ssyncset.done $0x0  }
0x75: {  	s8 =	simm.s32 $0x500;
	s7 =	simm.s32 $0x1780;
	[sflag:s30] =	ssyncadd.s32 $0xFFFFF800  }
0x76: {  	[tilespmem:s23], [sflag:$0x3] =	stream.indirect.gather [spmem:s3], $0x10, s8, s19, $0xb8;
	[tilespmem:$0x9800] =	vst v63  }
.LBB2_2:
0x77: {  	[spmem:s4] =	stream.indirect.scatter.add.bf16 [tilespmem:s26], [sflag:$0x8], $0x10, s7, s19, $0xb8;
	[tilespmem:$0x9800] =	vst v63  }
0x78: {  	s7 =	smov.u32 s6  }
0x79: {  	p1 =	sne.s32 s6, $0x3800;
	s6 =	sadd.s32 $0x800, s6;
	_ =	swait.ge [sflag:s24], $0x800  }
0x7a: {  	[sflag:s24] =	ssyncset.done $0x0  }
0x7b: {  	[sflag:s24] =	ssyncadd.s32 $0xFFFFF800  }
0x7c: {  	_ =	swait.ge [sflag:s22], $0x800  }
0x7d: {  	s7 =	sshra.s32 s7, $0x2;
	[sflag:s22] =	ssyncset.done $0x0  }
0x7e: {  	s8 =	sadd.s32 $0x380, s7;
	[sflag:s22] =	ssyncadd.s32 $0xFFFFF800  }
0x7f: {  	[tilespmem:s26], [sflag:$0x4] =	stream.indirect.gather [spmem:s3], $0x10, s8, s19, $0xb8;
	[tilespmem:$0x9800] =	vst v63  }
0x80: {  	s8 =	sadd.s32 $0x1600, s7  }
0x81: {  	[spmem:s4] =	stream.indirect.scatter.add.bf16 [tilespmem:s20], [sflag:$0x5], $0x10, s8, s19, $0xb8;
	[tilespmem:$0x9800] =	vst v63  }
0x82: {  	_ =	swait.ge [sflag:s28], $0x800  }
0x83: {  	[sflag:s28] =	ssyncset.done $0x0  }
0x84: {  	[sflag:s28] =	ssyncadd.s32 $0xFFFFF800  }
0x85: {  	_ =	swait.ge [sflag:s29], $0x800  }
0x86: {  	[sflag:s29] =	ssyncset.done $0x0  }
0x87: {  	s8 =	sadd.s32 $0x400, s7;
	[sflag:s29] =	ssyncadd.s32 $0xFFFFF800  }
0x88: {  	[tilespmem:s20], [sflag:$0x1] =	stream.indirect.gather [spmem:s3], $0x10, s8, s19, $0xb8;
	[tilespmem:$0x9800] =	vst v63  }
0x89: {  	s8 =	sadd.s32 $0x1680, s7  }
0x8a: {  	[spmem:s4] =	stream.indirect.scatter.add.bf16 [tilespmem:s21], [sflag:$0x6], $0x10, s8, s19, $0xb8;
	[tilespmem:$0x9800] =	vst v63  }
0x8b: {  	_ =	swait.ge [sflag:s2], $0x800  }
0x8c: {  	[sflag:s2] =	ssyncset.done $0x0  }
0x8d: {  	[sflag:s2] =	ssyncadd.s32 $0xFFFFF800  }
0x8e: {  	_ =	swait.ge [sflag:s0], $0x800  }
0x8f: {  	[sflag:s0] =	ssyncset.done $0x0  }
0x90: {  	s8 =	sadd.s32 $0x480, s7;
	[sflag:s0] =	ssyncadd.s32 $0xFFFFF800  }
0x91: {  	[tilespmem:s21], [sflag:$0x2] =	stream.indirect.gather [spmem:s3], $0x10, s8, s19, $0xb8;
	[tilespmem:$0x9800] =	vst v63  }
0x92: {  	s8 =	sadd.s32 $0x1700, s7  }
0x93: {  	[spmem:s4] =	stream.indirect.scatter.add.bf16 [tilespmem:s23], [sflag:$0x7], $0x10, s8, s19, $0xb8;
	[tilespmem:$0x9800] =	vst v63  }
0x94: {  	_ =	swait.ge [sflag:s25], $0x800  }
0x95: {  	[sflag:s25] =	ssyncset.done $0x0  }
0x96: {  	[sflag:s25] =	ssyncadd.s32 $0xFFFFF800  }
.Ltmp0:
0x97: {  	_ =	swait.ge [sflag:s30], $0x800;
	(pc) =	sbr.rel @p1 .LBB2_2-.Ltmp0, $4  }
0x98: {  	[sflag:s30] =	ssyncset.done $0x0  }
0x99: {  	s8 =	sadd.s32 $0x500, s7;
	[sflag:s30] =	ssyncadd.s32 $0xFFFFF800  }
0x9a: {  	[tilespmem:s23], [sflag:$0x3] =	stream.indirect.gather [spmem:s3], $0x10, s8, s19, $0xb8;
	[tilespmem:$0x9800] =	vst v63  }
0x9b: {  	s7 =	sadd.s32 $0x1780, s7  }
0x9c: {  	[spmem:s4] =	stream.indirect.scatter.add.bf16 [tilespmem:s26], [sflag:$0x8], $0x10, s7, s19, $0xb8;
	[tilespmem:$0x9800] =	vst v63  }
0x9d: {  	_ =	swait.ge [sflag:s24], $0x800  }
0x9e: {  	[sflag:s24] =	ssyncset.done $0x0  }
0x9f: {  	[sflag:s24] =	ssyncadd.s32 $0xFFFFF800  }
0xa0: {  	_ =	swait.ge [sflag:s22], $0x800  }
0xa1: {  	[sflag:s22] =	ssyncset.done $0x0  }
0xa2: {  	[sflag:s22] =	ssyncadd.s32 $0xFFFFF800  }
0xa3: {  	[tilespmem:s26], [sflag:$0x4] =	stream.indirect.gather [spmem:s3], $0x10, s31, s19, $0xb8;
	[tilespmem:$0x9800] =	vst v63  }
0xa4: {  	s6 =	simm.s32 $0x2600  }
0xa5: {  	[spmem:s4] =	stream.indirect.scatter.add.bf16 [tilespmem:s20], [sflag:$0x5], $0x10, s6, s19, $0xb8;
	[tilespmem:$0x9800] =	vst v63  }
0xa6: {  	_ =	swait.ge [sflag:s28], $0x800  }
0xa7: {  	[sflag:s28] =	ssyncset.done $0x0  }
0xa8: {  	[sflag:s28] =	ssyncadd.s32 $0xFFFFF800  }
0xa9: {  	_ =	swait.ge [sflag:s29], $0x800  }
0xaa: {  	[sflag:s29] =	ssyncset.done $0x0  }
0xab: {  	[sflag:s29] =	ssyncadd.s32 $0xFFFFF800  }
0xac: {  	[tilespmem:s20], [sflag:$0x1] =	stream.indirect.gather [spmem:s3], $0x10, s31, s19, $0xb8;
	[tilespmem:$0x9800] =	vst v63  }
0xad: {  	s8 =	simm.s32 $0x2680  }
0xae: {  	[spmem:s4] =	stream.indirect.scatter.add.bf16 [tilespmem:s21], [sflag:$0x6], $0x10, s8, s19, $0xb8;
	[tilespmem:$0x9800] =	vst v63  }
0xaf: {  	_ =	swait.ge [sflag:s2], $0x800  }
0xb0: {  	[sflag:s2] =	ssyncset.done $0x0  }
0xb1: {  	[sflag:s2] =	ssyncadd.s32 $0xFFFFF800  }
0xb2: {  	_ =	swait.ge [sflag:s0], $0x800  }
0xb3: {  	[sflag:s0] =	ssyncset.done $0x0  }
0xb4: {  	[sflag:s0] =	ssyncadd.s32 $0xFFFFF800  }
0xb5: {  	[tilespmem:s21], [sflag:$0x2] =	stream.indirect.gather [spmem:s3], $0x10, s31, s19, $0xb8;
	[tilespmem:$0x9800] =	vst v63  }
0xb6: {  	s7 =	simm.s32 $0x2700  }
0xb7: {  	[spmem:s4] =	stream.indirect.scatter.add.bf16 [tilespmem:s23], [sflag:$0x7], $0x10, s7, s19, $0xb8;
	[tilespmem:$0x9800] =	vst v63  }
0xb8: {  	_ =	swait.ge [sflag:s25], $0x800  }
0xb9: {  	[sflag:s25] =	ssyncset.done $0x0  }
0xba: {  	[sflag:s25] =	ssyncadd.s32 $0xFFFFF800  }
0xbb: {  	_ =	swait.ge [sflag:s30], $0x800  }
0xbc: {  	[sflag:s30] =	ssyncset.done $0x0  }
0xbd: {  	[sflag:s30] =	ssyncadd.s32 $0xFFFFF800  }
0xbe: {  	[tilespmem:s23], [sflag:$0x3] =	stream.indirect.gather [spmem:s3], $0x10, s31, s19, $0xb8;
	[tilespmem:$0x9800] =	vst v63  }
0xbf: {  	s8 =	simm.s32 $0x2780  }
0xc0: {  	[spmem:s4] =	stream.indirect.scatter.add.bf16 [tilespmem:s26], [sflag:$0x8], $0x10, s8, s19, $0xb8;
	[tilespmem:$0x9800] =	vst v63  }
0xc1: {  	_ =	swait.ge [sflag:s22], $0x800  }
0xc2: {  	[sflag:s22] =	ssyncset.done $0x0  }
0xc3: {  	[sflag:s22] =	ssyncadd.s32 $0xFFFFF800  }
0xc4: {  	_ =	swait.ge [sflag:s24], $0x800  }
0xc5: {  	[sflag:s24] =	ssyncset.done $0x0  }
0xc6: {  	[sflag:s24] =	ssyncadd.s32 $0xFFFFF800  }
0xc7: {  	_ =	swait.ge [sflag:s28], $0x800  }
0xc8: {  	[sflag:s28] =	ssyncset.done $0x0  }
0xc9: {  	[sflag:s28] =	ssyncadd.s32 $0xFFFFF800  }
0xca: {  	_ =	swait.ge [sflag:s2], $0x800  }
0xcb: {  	s1 =	sadd.s32 $0x1, s1;
	[sflag:s2] =	ssyncset.done $0x0  }
0xcc: {  	p1 =	sne.s32 s1, s11;
	[sflag:s2] =	ssyncadd.s32 $0xFFFFF800  }
.Ltmp1:
0xcd: {  	[bflag:$0x0] =	sbarrier.arrive $0xFFFF;
	(pc) =	sbr.rel @p1 .LBB2_1-.Ltmp1, $4  }
0xce: {  	[hbm:s10], [sflag:s15] =	dma.local [spmem:s16], $0x500  }
0xcf: {  	_ =	swait.ge [sflag:s17], $0x500  }
0xd0: {  	[sflag:s17] =	ssyncset.done $0x0  }
0xd1: {  	[sflag:s17] =	ssyncadd.s32 $0xFFFFFB00  }
0xd2: {  	_ =	sfence.sel $0x180000  }
0xd3: {  	[bflag:$0x0] =	sbarrier.arrive $0xFFFF  }
0xd4: {  	_ =	strace $0x9000004D  }
0xd5: {  	s0 =	stileid.u32;
	[bflag:$0x2] =	sbarrier.arrive $0xFFFF  }
0xd6: {  	p0 =	sne.s32 s0, $0x0;
	s0 =	rddreg [dreg:$0x4]  }
0xd7: {  	s0 =	sadd.s32 @!p0 $0x100000, s0  }
0xd8: {  	[sflag:s0] =	ssyncadd.tile.s32 @!p0 $0x1;
	_ =	shalt  }
.Lfunc_end2:
_tile_overlayer_lowered:
.L_overlay_start_2:
0xd9: {  	(tag) =	ssettag $0x2  }
0xda: {  	s0 =	rddreg [dreg:$0x0];
	s2 =	stileid.u32  }
0xdb: {  	s1 =	rddreg [dreg:$0x1];
	p0 =	sne.s32 s2, $0x0  }
0xdc: {  	s3 =	rddreg [dreg:$0x2];
	[bflag:$0x3] =	sbarrier.arrive $0xFFFF;
	s2 =	simm.s32 @!p0 $0x1C09  }
0xdd: {  	[timem:s3], [sflag:s2] =	dma.local @!p0 [hbm:s0], s1  }
0xde: {  	s0 =	simm.s32 @!p0 $0x9  }
0xdf: {  	_ =	swait.ge @!p0 [sflag:s0], s1  }
0xe0: {  	s1 =	ssub.s32 @!p0 $0x0, s1;
	[sflag:s0] =	ssyncset.done @!p0 $0x0  }
0xe1: {  	[sflag:s0] =	ssyncadd.s32 @!p0 s1  }
0xe2: {  	[bflag:$0x3] =	sbarrier.arrive $0xFFFF  }
0xe3: {  	_ =	shalt  }

// kernel: kernel.19.cloned.1.call-start
scs
__scs_entry_jumppad:
0x0: {  	(pc) =	sbr.rel $0x88, $3  }
0x1: {  	(tag) =	ssettag $0x0;
	lr =	simm.s32 $0x1  }
0x2: {  	[smem:$0x3F97] =	sst lr;
	_ =	strace $0xD0000000  }
0x3: {  	_ = 	snop  }
0x4: {  	_ = 	snop  }
0x5: {  	_ = 	snop  }
0x6: {  	_ = 	snop  }
0x7: {  	_ = 	snop  }
__scs_overlays_trampoline_lowered:
0x8: {  	[smem:$0x3FA6] =	sst s0  }
0x9: {  	[smem:$0x3FA7] =	sst s1  }
0xa: {  	[smem:$0x3FA8] =	sst s2  }
0xb: {  	[smem:$0x3FA9] =	sst s3  }
0xc: {  	[smem:$0x3FAA] =	sst s4  }
0xd: {  	[smem:$0x3FAB] =	sst s5  }
0xe: {  	[smem:$0x3FAC] =	sst s6  }
0xf: {  	[smem:$0x3FAD] =	sst s7  }
0x10: {  	[smem:$0x3FAE] =	sst s8  }
0x11: {  	[smem:$0x3FAF] =	sst s9;
	s0 =	simm.s32 @!p0 $0x0  }
0x12: {  	s1 =	sld [smem:$0x3F95];
	s0 =	simm.s32 @p0 $0x1  }
0x13: {  	[smem:$0x3FB0] =	sst s0;
	s0 =	simm.s32 @!p1 $0x0  }
0x14: {  	s2 =	sld [smem:$0x3F94];
	s0 =	simm.s32 @p1 $0x1  }
0x15: {  	[smem:$0x3FB1] =	sst s0;
	s0 =	simm.s32 @!p2 $0x0  }
0x16: {  	s3 =	sld [smem:$0x3FDB];
	s0 =	simm.s32 @p2 $0x1  }
0x17: {  	s4 =	simm.s32 $0x1BF5;
	[smem:$0x3FB3] =	sst s0  }
0x18: {  	s0 =	sld [smem:$0x3F96];
	_ =	swait.ge [sflag:s4], $0x0  }
0x19: {  	s7 =	sld [smem:$0x3F97]  }
0x1a: {  	s8 =	sadd.s32 $0xFFFFE003, lr  }
0x1b: {  	s9 =	sadd.s32 $0xFFFFFEF7, lr;
	s5 =	simm.s32 $0xFFFFFFFF;
	p2 =	slt.u32 s8, $0xFFFFF086  }
0x1c: {  	p1 =	slt.u32 s9, $0xF7A;
	s5 =	simm.s32 @!p2 $0x0  }
0x1d: {  	s5 =	simm.s32 @p1 $0x1;
	p0 =	seq.s32 s7, s2  }
0x1e: {  	s7 =	smul.u32 @!p0 $0xF7A, s2;
	p2 =	seq.s32 @!p0 s5, $0x0  }
0x1f: {  	s9 =	smul.u32 $0xF7A, s1;
	s8 =	simm.s32 @!p0 $0x1BF5;
	p2 =	por !p2, p0  }
0x20: {  	[sflag:s8] =	ssyncset.s32 @!p0 $0xFFFFF086;
	s6 =	sadd.s32 @!p0 s3, s7;
	s7 =	simm.s32 @!p0 $0x108  }
0x21: {  	s3 =	sadd.s32 s3, s9;
	s6 =	sadd.s32 @!p0 $0x88, s6;
	s7 =	simm.s32 @p2 $0x1082  }
0x22: {  	[simem:s7], [sflag:s8] =	dma.local @!p0 [hbm:s6], $0xF7A  }
0x23: {  	s9 =	sor.u32 $0xD0000000, s2;
	s6 =	simm.s32 $0x108;
	_ =	swait.ge @!p0 [sflag:s8], $0x0  }
0x24: {  	s3 =	sadd.s32 $0x88, s3;
	s6 =	simm.s32 @!p1 $0x1082;
	[sflag:s4] =	ssyncset.s32 $0xFFFFF086  }
0x25: {  	[simem:s6], [sflag:s4] =	dma.local [hbm:s3], $0xF7A  }
0x26: {  	[smem:$0x3F97] =	sst s1;
	(tag) =	ssettag s2;
	_ =	strace s9  }
0x27: {  	s1 =	sld [smem:$0x3FA7]  }
0x28: {  	s2 =	sld [smem:$0x3FA8]  }
0x29: {  	s4 =	sld [smem:$0x3FAA]  }
0x2a: {  	p0 =	seq.s32 s5, $0x0;
	s5 =	sld [smem:$0x3FAB]  }
0x2b: {  	s6 =	sld [smem:$0x3FAC]  }
0x2c: {  	s7 =	sld [smem:$0x3FAD]  }
0x2d: {  	s3 =	simm.s32 $0x108;
	s8 =	sld [smem:$0x3FAE]  }
0x2e: {  	s3 =	simm.s32 @!p0 $0x1082;
	s9 =	sld [smem:$0x3FAF]  }
0x2f: {  	lr =	sadd.s32 s0, s3;
	s0 =	sld [smem:$0x3FA6]  }
0x30: {  	s3 =	sld [smem:$0x3FA9]  }
0x31: {  	[smem:$0x3FB2] =	sst s10  }
0x32: {  	s10 =	sld [smem:$0x3FB0];
	_ =	sdelay $0x3  }
0x33: {  	p0 =	seq.s32 s10, $0x1;
	s10 =	sld [smem:$0x3FB2];
	_ =	sdelay $0x3  }
0x34: {  	[smem:$0x3FB2] =	sst s10  }
0x35: {  	s10 =	sld [smem:$0x3FB1];
	_ =	sdelay $0x3  }
0x36: {  	p1 =	seq.s32 s10, $0x1;
	s10 =	sld [smem:$0x3FB2];
	_ =	sdelay $0x3  }
0x37: {  	[smem:$0x3FB2] =	sst s10  }
0x38: {  	s10 =	sld [smem:$0x3FB3]  }
0x39: {  	_ = 	snop;
	(pc) =	sbr.ind lr, $3  }
0x3a: {  	_ = 	snop  }
0x3b: {  	_ = 	snop  }
0x3c: {  	p2 =	seq.s32 s10, $0x1;
	s10 =	sld [smem:$0x3FB2]  }
0x3d: {  	_ =	shalt  }
0x3e: {  	_ =	shalt  }
0x3f: {  	_ =	shalt  }
0x40: {  	_ =	shalt  }
0x41: {  	_ =	shalt  }
0x42: {  	_ =	shalt  }
0x43: {  	_ =	shalt  }
0x44: {  	_ =	shalt  }
0x45: {  	_ =	shalt  }
0x46: {  	_ =	shalt  }
0x47: {  	_ =	shalt  }
0x48: {  	_ =	shalt  }
0x49: {  	_ =	shalt  }
0x4a: {  	_ =	shalt  }
0x4b: {  	_ =	shalt  }
0x4c: {  	_ =	shalt  }
0x4d: {  	_ =	shalt  }
0x4e: {  	_ =	shalt  }
0x4f: {  	_ =	shalt  }
0x50: {  	_ =	shalt  }
0x51: {  	_ =	shalt  }
0x52: {  	_ =	shalt  }
0x53: {  	_ =	shalt  }
0x54: {  	_ =	shalt  }
0x55: {  	_ =	shalt  }
0x56: {  	_ =	shalt  }
0x57: {  	_ =	shalt  }
0x58: {  	_ =	shalt  }
0x59: {  	_ =	shalt  }
0x5a: {  	_ =	shalt  }
0x5b: {  	_ =	shalt  }
0x5c: {  	_ =	shalt  }
0x5d: {  	_ =	shalt  }
0x5e: {  	_ =	shalt  }
0x5f: {  	_ =	shalt  }
0x60: {  	_ =	shalt  }
0x61: {  	_ =	shalt  }
0x62: {  	_ =	shalt  }
0x63: {  	_ =	shalt  }
0x64: {  	_ =	shalt  }
0x65: {  	_ =	shalt  }
0x66: {  	_ =	shalt  }
0x67: {  	_ =	shalt  }
0x68: {  	_ =	shalt  }
0x69: {  	_ =	shalt  }
0x6a: {  	_ =	shalt  }
0x6b: {  	_ =	shalt  }
0x6c: {  	_ =	shalt  }
0x6d: {  	_ =	shalt  }
0x6e: {  	_ =	shalt  }
0x6f: {  	_ =	shalt  }
0x70: {  	_ =	shalt  }
0x71: {  	_ =	shalt  }
0x72: {  	_ =	shalt  }
0x73: {  	_ =	shalt  }
0x74: {  	_ =	shalt  }
0x75: {  	_ =	shalt  }
0x76: {  	_ =	shalt  }
0x77: {  	_ =	shalt  }
0x78: {  	_ =	shalt  }
0x79: {  	_ =	shalt  }
0x7a: {  	_ =	shalt  }
0x7b: {  	_ =	shalt  }
0x7c: {  	_ =	shalt  }
0x7d: {  	_ =	shalt  }
0x7e: {  	_ =	shalt  }
0x7f: {  	_ =	shalt  }
0x80: {  	_ =	shalt  }
0x81: {  	_ =	shalt  }
0x82: {  	_ =	shalt  }
0x83: {  	_ =	shalt  }
0x84: {  	_ =	shalt  }
0x85: {  	_ =	shalt  }
0x86: {  	_ =	shalt  }
0x87: {  	_ =	shalt  }
.Lfunc_end0:
.L_simem_size_0:
called_computation.3_lowered:
.L_overlay_start_0:
0x88: {  	s2 =	sld [smem:$0x3FD9]  }
0x89: {  	s3 =	sld [smem:$0x3FFE];
	_ =	sdelay $0x1  }
0x8a: {  	s1 =	srdreg.scid  }
0x8b: {  	s0 =	sand.u32 $0x1, s1  }
0x8c: {  	s16 =	sshll.u32 s0, $0xA;
	s2 =	sadd.s32 s3, s2  }
0x8d: {  	s2 =	sadd.s32 s2, s16  }
0x8e: {  	[smem:$0x3FBE] =	sst s2  }
0x8f: {  	_ = 	snop  }
0x90: {  	(tm) =	ssettm $0x1  }
0x91: {  	s17 =	sld [smem:$0x3FFB];
	_ =	sdelay $0x3  }
0x92: {  	_ =	strace s17  }
0x93: {  	s2 =	sld [smem:$0x3FFC];
	_ =	sdelay $0x3  }
0x94: {  	_ =	strace s2  }
0x95: {  	s2 =	sld [smem:$0x3FFD];
	_ =	sdelay $0x3  }
0x96: {  	_ =	strace s2  }
0x97: {  	_ =	strace $0x8FFFFFFF  }
0x98: {  	s18 =	sld [smem:$0x3FDB];
	_ =	sdelay $0x1  }
0x99: {  	s19 =	simm.s32 $_scs_section_size  }
0x9a: {  	s4 =	simm.s32 $_size__tile_overlayer_lowered;
	s5 =	simm.s32 $_tile_overlayer_lowered  }
0x9b: {  	s22 =	simm.s32 $0x1BFF;
	s21 =	sshll.u32 s5, $0x1;
	s2 =	sadd.s32 s19, s18  }
0x9c: {  	s6 =	simm.s32 $0x0;
	s20 =	sshll.u32 s4, $0x1;
	s4 =	sadd.s32 s21, s2  }
0x9d: {  	[timem:s6], [sflag:s22] =	dma.local [hbm:s4], s20  }
0x9e: {  	_ =	swait.ge [sflag:s22], s20  }
0x9f: {  	s3 =	ssub.s32 $0x0, s20;
	[sflag:s22] =	ssyncset.done $0x0  }
0xa0: {  	[sflag:s22] =	ssyncadd.s32 s3;
	_ =	sdelay $0x1  }
0xa1: {  	s23 =	simm.s32 $0x1B8B  }
0xa2: {  	_ =	swait.ge [sflag:s23], $0x1  }
0xa3: {  	[sflag:s23] =	ssyncset.done $0x0  }
0xa4: {  	s25 =	simm.s32 $0x1B8E;
	s24 =	sld [smem:$0x3FFE];
	[sflag:s23] =	ssyncadd.s32 $0xFFFFFFFF  }
0xa5: {  	s26 =	simm.s32 $execute0_lowered;
	[smem:$0x3FD2] =	sst s25  }
0xa6: {  	s4 =	sshll.u32 s26, $0x1;
	_ =	strace $0x8000004F;
	[dreg:$0x1] =	wrdreg $0xFFFFFFFF  }
0xa7: {  	s28 =	simm.s32 $_size_execute0_lowered;
	s2 =	sadd.s32 s2, s4;
	[dreg:$0x0] =	wrdreg $0x0  }
0xa8: {  	s4 =	sshll.u32 s28, $0x1;
	[dreg:$0x2] =	wrdreg s2  }
0xa9: {  	[dreg:$0x3] =	wrdreg s4  }
0xaa: {  	[dreg:$0x4] =	wrdreg $0xC0  }
0xab: {  	_ =	task [dreg:s6], $0x5FFFF  }
0xac: {  	[dreg:$0x1] =	wrdreg $0xFFFFFFFF  }
0xad: {  	[dreg:$0x0] =	wrdreg $0x60  }
0xae: {  	[dreg:$0x2] =	wrdreg s24  }
0xaf: {  	[dreg:$0x3] =	wrdreg $0x38000  }
0xb0: {  	[dreg:$0x4] =	wrdreg $0x4C000  }
0xb1: {  	[dreg:$0x5] =	wrdreg $0x9  }
0xb2: {  	_ =	task.clear_ibuf [dreg:s6], $0x6FFFF;
	_ =	strace $0x9000004F  }
0xb3: {  	s29 =	simm.s32 $0x9;
	_ =	strace $0x80000051  }
0xb4: {  	_ =	swait.ge [sflag:s29], $0x1  }
0xb5: {  	[sflag:s29] =	ssyncadd.s32 $0xFFFFFFFF  }
0xb6: {  	_ =	strace $0x90000051  }
0xb7: {  	_ =	sfence  }
0xb8: {  	s30 =	sld [smem:$0x0];
	_ =	sdelay $0x2  }
0xb9: {  	s31 =	sshll.u32 s1, $0xD;
	s1 =	sshrl.u32 s1, $0x2  }
0xba: {  	s3 =	sand.u32 $0x4000, s31;
	s1 =	sadd.s32 s1, s30  }
0xbb: {  	s0 =	sor.u32 s3, s0;
	s1 =	sshll.u32 s1, $0x11  }
0xbc: {  	s0 =	sor.u32 s1, s0  }
0xbd: {  	s0 =	sadd.s32 $0x8F2B, s0  }
0xbe: {  	[sflag:s0] =	ssyncadd.remote.s32 $0x1  }
0xbf: {  	_ =	sfence.sel $0xFFFF  }
0xc0: {  	[dreg:$0x0] =	wrdreg $0xFFFFFFFF;
	(pc) =	sbr.abs _section_cstart, $3  }
0xc1: {  	[dreg:$0x1] =	wrdreg $0xFFFFFFFF  }
0xc2: {  	_ =	task.clear_ibuf [dreg:s6], $0x2FFFF;
	_ =	strace $0x9FFFFFFF  }
0xc3: {  	(tm) =	ssettm $0x7FFFFFFF  }
tec
execute0_lowered:
.L_overlay_start_1:
0x0: {  	(tag) =	ssettag $0x1  }
0x1: {  	s0 =	rddreg [dreg:$0x0]  }
0x2: {  	s1 =	srdreg.scid;
	s2 =	rddreg [dreg:$0x1]  }
0x3: {  	s13 =	stileid.u32;
	s3 =	rddreg [dreg:$0x2];
	s17 =	simm.s32 $0x9  }
0x4: {  	s18 =	simm.s32 $0x1400;
	s19 =	simm.s32 $0x80;
	s20 =	simm.s32 $0x2800  }
0x5: {  	s21 =	simm.s32 $0x2C00;
	s28 =	simm.s32 $0x2;
	s29 =	simm.s32 $0x5  }
0x6: {  	s30 =	simm.s32 $0x4;
	s31 =	simm.s32 $0x7;
	s22 =	simm.s32 $0x8  }
0x7: {  	s1 =	sand.u32 $0x1, s1;
	s4 =	sshll.u32 s13, $0x1;
	s6 =	smul.u32 $0x2800, s13  }
0x8: {  	s9 =	sadd.s32 $0x16A00, s0;
	p0 =	seq.s32 s13, $0xF;
	s26 =	sshll.u32 s13, $0x6  }
0x9: {  	s5 =	sor.u32 s1, s4;
	s4 =	simm.s32 $0x0;
	s8 =	smul.u32 $0x28000, s1  }
0xa: {  	s1 =	ssub.s32 $0x2, s1;
	s15 =	sor.u32 $0x1C09, s26;
	s26 =	simm.s32 $0x3400  }
0xb: {  	s5 =	smul.u32 $0x280, s5;
	[smem:$0x7FF] =	sst s4;
	s7 =	sshrl.u32 s6, $0x4  }
0xc: {  	s23 =	sshrl.u32 s1, $0x1;
	_ =	strace $0x80000050;
	s7 =	sadd.s32 s7, s0  }
0xd: {  	[dreg:$0x4] =	wrdreg s9;
	s8 =	sadd.s32 s6, s8;
	s6 =	sshrl.u32 s6, $0x1  }
0xe: {  	s1 =	ssub.s32 s1, s23;
	s23 =	simm.s32 $0x3000;
	s5 =	sadd.s32 s5, s0  }
0xf: {  	s8 =	sshrl.u32 s8, $0x4;
	s14 =	sadd.s32 s6, s2;
	s7 =	sadd.s32 $0x2800, s7  }
0x10: {  	s24 =	sadd.s32 s6, s3;
	s11 =	smax.u32 s1, $0x1;
	s1 =	sshll.u32 @!p0 s13, $0x6  }
0x11: {  	s10 =	sadd.s32 s8, s0;
	[dreg:$0x5] =	wrdreg s7;
	s7 =	sadd.s32 $0x12C00, s2  }
0x12: {  	s0 =	sadd.s32 $0x4D80, s0;
	s25 =	sadd.s32 $0x17400, s5;
	s9 =	sadd.s32 $0x11A00, s5  }
0x13: {  	s13 =	sor.u32 @!p0 $0x1C09, s1;
	s14 =	sshrl.u32 @!p0 s14, $0x3;
	s16 =	sshrl.u32 s24, $0x3  }
0x14: {  	s24 =	simm.s32 $0x1;
	s1 =	simm.s32 $0x3;
	[dreg:$0x6] =	wrdreg s0  }
0x15: {  	s5 =	simm.s32 $0x0;
	[dreg:$0x7] =	wrdreg s25;
	s10 =	sadd.s32 $0x5000, s10  }
0x16: {  	s12 =	sshrl.u32 @p0 s7, $0x3;
	s0 =	simm.s32 $0x6;
	s25 =	simm.s32 $0x1380  }
.LBB2_1:
0x17: {  	s6 =	simm.s32 @p0 $0x1FC9;
	s7 =	rddreg [dreg:$0x6]  }
0x18: {  	[spmem:s12], [sflag:s6] =	dma.local @p0 [hbm:s7], $0x190  }
0x19: {  	s6 =	simm.s32 @p0 $0x9  }
0x1a: {  	_ =	swait.ge @p0 [sflag:s6], $0x190  }
0x1b: {  	[sflag:s6] =	ssyncset.done @p0 $0x0  }
0x1c: {  	[sflag:s6] =	ssyncadd.s32 @p0 $0xFFFFFE70;
	s6 =	rddreg [dreg:$0x5]  }
0x1d: {  	[spmem:s14], [sflag:s13] =	dma.local @!p0 [hbm:s6], $0x280  }
0x1e: {  	s6 =	simm.s32 @!p0 $0x9  }
0x1f: {  	_ =	swait.ge @!p0 [sflag:s6], $0x280  }
0x20: {  	[sflag:s6] =	ssyncset.done @!p0 $0x0  }
0x21: {  	s8 =	rddreg [dreg:$0x4];
	[sflag:s6] =	ssyncadd.s32 @!p0 $0xFFFFFD80  }
0x22: {  	[spmem:s16], [sflag:s15] =	dma.local [hbm:s8], $0x280  }
0x23: {  	_ =	swait.ge [sflag:s17], $0x280  }
0x24: {  	[sflag:s17] =	ssyncset.done $0x0  }
0x25: {  	s7 =	rddreg [dreg:$0x7];
	[sflag:s17] =	ssyncadd.s32 $0xFFFFFD80  }
0x26: {  	[tilespmem:s4], [sflag:$0x9] =	stream.linear.gather [hbm4b:s7+s4], $0x1400, $0x38;
	[tilespmem:$0x6000] =	vst v63  }
0x27: {  	_ =	swait.ge [sflag:s17], $0x1400  }
0x28: {  	[sflag:s17] =	ssyncset.done $0x0  }
0x29: {  	[sflag:s17] =	ssyncadd.s32 $0xFFFFEC00  }
0x2a: {  	[tilespmem:s18], [sflag:$0x9] =	stream.linear.gather [hbm4b:s9+s4], $0x1400, $0x38;
	[tilespmem:$0x6000] =	vst v63  }
0x2b: {  	_ =	swait.ge [sflag:s17], $0x1400  }
0x2c: {  	[sflag:s17] =	ssyncset.done $0x0  }
0x2d: {  	[sflag:s17] =	ssyncadd.s32 $0xFFFFEC00  }
0x2e: {  	[bflag:$0x0] =	sbarrier.arrive $0xFFFF  }
0x2f: {  	[tilespmem:s20], [sflag:$0x1] =	stream.indirect.gather [spmem:s2], $0x8, s4, s19, $0xb8;
	[tilespmem:$0x6000] =	vst v63  }
0x30: {  	_ = 	snop  }
0x31: {  	[tilespmem:s21], [sflag:$0x2] =	stream.indirect.gather [spmem:s2], $0x8, s19, s19, $0xb8;
	[tilespmem:$0x6000] =	vst v63  }
0x32: {  	s8 =	simm.s32 $0x100  }
0x33: {  	[tilespmem:s23], [sflag:$0x3] =	stream.indirect.gather [spmem:s2], $0x8, s8, s19, $0xb8;
	[tilespmem:$0x6000] =	vst v63  }
0x34: {  	_ =	swait.ge [sflag:s24], $0x400  }
0x35: {  	[sflag:s24] =	ssyncset.done $0x0  }
0x36: {  	s7 =	simm.s32 $0x180;
	[sflag:s24] =	ssyncadd.s32 $0xFFFFFC00  }
0x37: {  	[tilespmem:s26], [sflag:$0x4] =	stream.indirect.gather [spmem:s2], $0x8, s7, s19, $0xb8;
	[tilespmem:$0x6000] =	vst v63  }
0x38: {  	_ = 	snop  }
0x39: {  	[spmem:s3] =	stream.indirect.scatter.add.bf16 [tilespmem:s20], [sflag:$0x5], $0x8, s18, s19, $0xb8;
	[tilespmem:$0x6000] =	vst v63  }
0x3a: {  	_ =	swait.ge [sflag:s28], $0x400  }
0x3b: {  	[sflag:s28] =	ssyncset.done $0x0  }
0x3c: {  	[sflag:s28] =	ssyncadd.s32 $0xFFFFFC00  }
0x3d: {  	_ =	swait.ge [sflag:s29], $0x400  }
0x3e: {  	[sflag:s29] =	ssyncset.done $0x0  }
0x3f: {  	s8 =	simm.s32 $0x200;
	[sflag:s29] =	ssyncadd.s32 $0xFFFFFC00  }
0x40: {  	[tilespmem:s20], [sflag:$0x1] =	stream.indirect.gather [spmem:s2], $0x8, s8, s19, $0xb8;
	[tilespmem:$0x6000] =	vst v63  }
0x41: {  	s7 =	simm.s32 $0x1480  }
0x42: {  	[spmem:s3] =	stream.indirect.scatter.add.bf16 [tilespmem:s21], [sflag:$0x6], $0x8, s7, s19, $0xb8;
	[tilespmem:$0x6000] =	vst v63  }
0x43: {  	_ =	swait.ge [sflag:s1], $0x400  }
0x44: {  	[sflag:s1] =	ssyncset.done $0x0  }
0x45: {  	[sflag:s1] =	ssyncadd.s32 $0xFFFFFC00  }
0x46: {  	_ =	swait.ge [sflag:s0], $0x400  }
0x47: {  	[sflag:s0] =	ssyncset.done $0x0  }
0x48: {  	s8 =	simm.s32 $0x280;
	[sflag:s0] =	ssyncadd.s32 $0xFFFFFC00  }
0x49: {  	[tilespmem:s21], [sflag:$0x2] =	stream.indirect.gather [spmem:s2], $0x8, s8, s19, $0xb8;
	[tilespmem:$0x6000] =	vst v63  }
0x4a: {  	s7 =	simm.s32 $0x1500  }
0x4b: {  	[spmem:s3] =	stream.indirect.scatter.add.bf16 [tilespmem:s23], [sflag:$0x7], $0x8, s7, s19, $0xb8;
	[tilespmem:$0x6000] =	vst v63  }
0x4c: {  	_ =	swait.ge [sflag:s30], $0x400  }
0x4d: {  	[sflag:s30] =	ssyncset.done $0x0  }
0x4e: {  	[sflag:s30] =	ssyncadd.s32 $0xFFFFFC00  }
0x4f: {  	_ =	swait.ge [sflag:s31], $0x400  }
0x50: {  	[sflag:s31] =	ssyncset.done $0x0  }
0x51: {  	s8 =	simm.s32 $0x300;
	[sflag:s31] =	ssyncadd.s32 $0xFFFFFC00  }
0x52: {  	[tilespmem:s23], [sflag:$0x3] =	stream.indirect.gather [spmem:s2], $0x8, s8, s19, $0xb8;
	[tilespmem:$0x6000] =	vst v63  }
0x53: {  	s7 =	simm.s32 $0x1580  }
0x54: {  	[spmem:s3] =	stream.indirect.scatter.add.bf16 [tilespmem:s26], [sflag:$0x8], $0x8, s7, s19, $0xb8;
	[tilespmem:$0x6000] =	vst v63  }
0x55: {  	_ =	swait.ge [sflag:s24], $0x400  }
0x56: {  	[sflag:s24] =	ssyncset.done $0x0  }
0x57: {  	[sflag:s24] =	ssyncadd.s32 $0xFFFFFC00  }
0x58: {  	_ =	swait.ge [sflag:s22], $0x400  }
0x59: {  	[sflag:s22] =	ssyncset.done $0x0  }
0x5a: {  	s8 =	simm.s32 $0x380;
	[sflag:s22] =	ssyncadd.s32 $0xFFFFFC00  }
0x5b: {  	[tilespmem:s26], [sflag:$0x4] =	stream.indirect.gather [spmem:s2], $0x8, s8, s19, $0xb8;
	[tilespmem:$0x6000] =	vst v63  }
0x5c: {  	s7 =	simm.s32 $0x1600  }
0x5d: {  	[spmem:s3] =	stream.indirect.scatter.add.bf16 [tilespmem:s20], [sflag:$0x5], $0x8, s7, s19, $0xb8;
	[tilespmem:$0x6000] =	vst v63  }
0x5e: {  	_ =	swait.ge [sflag:s28], $0x400  }
0x5f: {  	[sflag:s28] =	ssyncset.done $0x0  }
0x60: {  	[sflag:s28] =	ssyncadd.s32 $0xFFFFFC00  }
0x61: {  	_ =	swait.ge [sflag:s29], $0x400  }
0x62: {  	[sflag:s29] =	ssyncset.done $0x0  }
0x63: {  	s8 =	simm.s32 $0x400;
	[sflag:s29] =	ssyncadd.s32 $0xFFFFFC00  }
0x64: {  	[tilespmem:s20], [sflag:$0x1] =	stream.indirect.gather [spmem:s2], $0x8, s8, s19, $0xb8;
	[tilespmem:$0x6000] =	vst v63  }
0x65: {  	s7 =	simm.s32 $0x1680  }
0x66: {  	[spmem:s3] =	stream.indirect.scatter.add.bf16 [tilespmem:s21], [sflag:$0x6], $0x8, s7, s19, $0xb8;
	[tilespmem:$0x6000] =	vst v63  }
0x67: {  	_ =	swait.ge [sflag:s1], $0x400  }
0x68: {  	[sflag:s1] =	ssyncset.done $0x0  }
0x69: {  	[sflag:s1] =	ssyncadd.s32 $0xFFFFFC00  }
0x6a: {  	_ =	swait.ge [sflag:s0], $0x400  }
0x6b: {  	[sflag:s0] =	ssyncset.done $0x0  }
0x6c: {  	s8 =	simm.s32 $0x480;
	[sflag:s0] =	ssyncadd.s32 $0xFFFFFC00  }
0x6d: {  	[tilespmem:s21], [sflag:$0x2] =	stream.indirect.gather [spmem:s2], $0x8, s8, s19, $0xb8;
	[tilespmem:$0x6000] =	vst v63  }
0x6e: {  	s7 =	simm.s32 $0x1700  }
0x6f: {  	[spmem:s3] =	stream.indirect.scatter.add.bf16 [tilespmem:s23], [sflag:$0x7], $0x8, s7, s19, $0xb8;
	[tilespmem:$0x6000] =	vst v63  }
0x70: {  	_ =	swait.ge [sflag:s30], $0x400  }
0x71: {  	[sflag:s30] =	ssyncset.done $0x0  }
0x72: {  	[sflag:s30] =	ssyncadd.s32 $0xFFFFFC00  }
0x73: {  	_ =	swait.ge [sflag:s31], $0x400  }
0x74: {  	s6 =	simm.s32 $0x800;
	[sflag:s31] =	ssyncset.done $0x0  }
0x75: {  	s8 =	simm.s32 $0x500;
	s7 =	simm.s32 $0x1780;
	[sflag:s31] =	ssyncadd.s32 $0xFFFFFC00  }
0x76: {  	[tilespmem:s23], [sflag:$0x3] =	stream.indirect.gather [spmem:s2], $0x8, s8, s19, $0xb8;
	[tilespmem:$0x6000] =	vst v63  }
.LBB2_2:
0x77: {  	[spmem:s3] =	stream.indirect.scatter.add.bf16 [tilespmem:s26], [sflag:$0x8], $0x8, s7, s19, $0xb8;
	[tilespmem:$0x6000] =	vst v63  }
0x78: {  	s7 =	smov.u32 s6  }
0x79: {  	p1 =	sne.s32 s6, $0x3800;
	s6 =	sadd.s32 $0x800, s6;
	_ =	swait.ge [sflag:s24], $0x400  }
0x7a: {  	[sflag:s24] =	ssyncset.done $0x0  }
0x7b: {  	[sflag:s24] =	ssyncadd.s32 $0xFFFFFC00  }
0x7c: {  	_ =	swait.ge [sflag:s22], $0x400  }
0x7d: {  	s7 =	sshra.s32 s7, $0x2;
	[sflag:s22] =	ssyncset.done $0x0  }
0x7e: {  	s8 =	sadd.s32 $0x380, s7;
	[sflag:s22] =	ssyncadd.s32 $0xFFFFFC00  }
0x7f: {  	[tilespmem:s26], [sflag:$0x4] =	stream.indirect.gather [spmem:s2], $0x8, s8, s19, $0xb8;
	[tilespmem:$0x6000] =	vst v63  }
0x80: {  	s8 =	sadd.s32 $0x1600, s7  }
0x81: {  	[spmem:s3] =	stream.indirect.scatter.add.bf16 [tilespmem:s20], [sflag:$0x5], $0x8, s8, s19, $0xb8;
	[tilespmem:$0x6000] =	vst v63  }
0x82: {  	_ =	swait.ge [sflag:s28], $0x400  }
0x83: {  	[sflag:s28] =	ssyncset.done $0x0  }
0x84: {  	[sflag:s28] =	ssyncadd.s32 $0xFFFFFC00  }
0x85: {  	_ =	swait.ge [sflag:s29], $0x400  }
0x86: {  	[sflag:s29] =	ssyncset.done $0x0  }
0x87: {  	s8 =	sadd.s32 $0x400, s7;
	[sflag:s29] =	ssyncadd.s32 $0xFFFFFC00  }
0x88: {  	[tilespmem:s20], [sflag:$0x1] =	stream.indirect.gather [spmem:s2], $0x8, s8, s19, $0xb8;
	[tilespmem:$0x6000] =	vst v63  }
0x89: {  	s8 =	sadd.s32 $0x1680, s7  }
0x8a: {  	[spmem:s3] =	stream.indirect.scatter.add.bf16 [tilespmem:s21], [sflag:$0x6], $0x8, s8, s19, $0xb8;
	[tilespmem:$0x6000] =	vst v63  }
0x8b: {  	_ =	swait.ge [sflag:s1], $0x400  }
0x8c: {  	[sflag:s1] =	ssyncset.done $0x0  }
0x8d: {  	[sflag:s1] =	ssyncadd.s32 $0xFFFFFC00  }
0x8e: {  	_ =	swait.ge [sflag:s0], $0x400  }
0x8f: {  	[sflag:s0] =	ssyncset.done $0x0  }
0x90: {  	s8 =	sadd.s32 $0x480, s7;
	[sflag:s0] =	ssyncadd.s32 $0xFFFFFC00  }
0x91: {  	[tilespmem:s21], [sflag:$0x2] =	stream.indirect.gather [spmem:s2], $0x8, s8, s19, $0xb8;
	[tilespmem:$0x6000] =	vst v63  }
0x92: {  	s8 =	sadd.s32 $0x1700, s7  }
0x93: {  	[spmem:s3] =	stream.indirect.scatter.add.bf16 [tilespmem:s23], [sflag:$0x7], $0x8, s8, s19, $0xb8;
	[tilespmem:$0x6000] =	vst v63  }
0x94: {  	_ =	swait.ge [sflag:s30], $0x400  }
0x95: {  	[sflag:s30] =	ssyncset.done $0x0  }
0x96: {  	[sflag:s30] =	ssyncadd.s32 $0xFFFFFC00  }
.Ltmp0:
0x97: {  	_ =	swait.ge [sflag:s31], $0x400;
	(pc) =	sbr.rel @p1 .LBB2_2-.Ltmp0, $4  }
0x98: {  	[sflag:s31] =	ssyncset.done $0x0  }
0x99: {  	s8 =	sadd.s32 $0x500, s7;
	[sflag:s31] =	ssyncadd.s32 $0xFFFFFC00  }
0x9a: {  	[tilespmem:s23], [sflag:$0x3] =	stream.indirect.gather [spmem:s2], $0x8, s8, s19, $0xb8;
	[tilespmem:$0x6000] =	vst v63  }
0x9b: {  	s7 =	sadd.s32 $0x1780, s7  }
0x9c: {  	[spmem:s3] =	stream.indirect.scatter.add.bf16 [tilespmem:s26], [sflag:$0x8], $0x8, s7, s19, $0xb8;
	[tilespmem:$0x6000] =	vst v63  }
0x9d: {  	_ =	swait.ge [sflag:s24], $0x400  }
0x9e: {  	[sflag:s24] =	ssyncset.done $0x0  }
0x9f: {  	[sflag:s24] =	ssyncadd.s32 $0xFFFFFC00  }
0xa0: {  	_ =	swait.ge [sflag:s22], $0x400  }
0xa1: {  	[sflag:s22] =	ssyncset.done $0x0  }
0xa2: {  	[sflag:s22] =	ssyncadd.s32 $0xFFFFFC00  }
0xa3: {  	[tilespmem:s26], [sflag:$0x4] =	stream.indirect.gather [spmem:s2], $0x8, s25, s19, $0xb8;
	[tilespmem:$0x6000] =	vst v63  }
0xa4: {  	s6 =	simm.s32 $0x2600  }
0xa5: {  	[spmem:s3] =	stream.indirect.scatter.add.bf16 [tilespmem:s20], [sflag:$0x5], $0x8, s6, s19, $0xb8;
	[tilespmem:$0x6000] =	vst v63  }
0xa6: {  	_ =	swait.ge [sflag:s28], $0x400  }
0xa7: {  	[sflag:s28] =	ssyncset.done $0x0  }
0xa8: {  	[sflag:s28] =	ssyncadd.s32 $0xFFFFFC00  }
0xa9: {  	_ =	swait.ge [sflag:s29], $0x400  }
0xaa: {  	[sflag:s29] =	ssyncset.done $0x0  }
0xab: {  	[sflag:s29] =	ssyncadd.s32 $0xFFFFFC00  }
0xac: {  	[tilespmem:s20], [sflag:$0x1] =	stream.indirect.gather [spmem:s2], $0x8, s25, s19, $0xb8;
	[tilespmem:$0x6000] =	vst v63  }
0xad: {  	s8 =	simm.s32 $0x2680  }
0xae: {  	[spmem:s3] =	stream.indirect.scatter.add.bf16 [tilespmem:s21], [sflag:$0x6], $0x8, s8, s19, $0xb8;
	[tilespmem:$0x6000] =	vst v63  }
0xaf: {  	_ =	swait.ge [sflag:s1], $0x400  }
0xb0: {  	[sflag:s1] =	ssyncset.done $0x0  }
0xb1: {  	[sflag:s1] =	ssyncadd.s32 $0xFFFFFC00  }
0xb2: {  	_ =	swait.ge [sflag:s0], $0x400  }
0xb3: {  	[sflag:s0] =	ssyncset.done $0x0  }
0xb4: {  	[sflag:s0] =	ssyncadd.s32 $0xFFFFFC00  }
0xb5: {  	[tilespmem:s21], [sflag:$0x2] =	stream.indirect.gather [spmem:s2], $0x8, s25, s19, $0xb8;
	[tilespmem:$0x6000] =	vst v63  }
0xb6: {  	s7 =	simm.s32 $0x2700  }
0xb7: {  	[spmem:s3] =	stream.indirect.scatter.add.bf16 [tilespmem:s23], [sflag:$0x7], $0x8, s7, s19, $0xb8;
	[tilespmem:$0x6000] =	vst v63  }
0xb8: {  	_ =	swait.ge [sflag:s30], $0x400  }
0xb9: {  	[sflag:s30] =	ssyncset.done $0x0  }
0xba: {  	[sflag:s30] =	ssyncadd.s32 $0xFFFFFC00  }
0xbb: {  	_ =	swait.ge [sflag:s31], $0x400  }
0xbc: {  	[sflag:s31] =	ssyncset.done $0x0  }
0xbd: {  	[sflag:s31] =	ssyncadd.s32 $0xFFFFFC00  }
0xbe: {  	[tilespmem:s23], [sflag:$0x3] =	stream.indirect.gather [spmem:s2], $0x8, s25, s19, $0xb8;
	[tilespmem:$0x6000] =	vst v63  }
0xbf: {  	s8 =	simm.s32 $0x2780  }
0xc0: {  	[spmem:s3] =	stream.indirect.scatter.add.bf16 [tilespmem:s26], [sflag:$0x8], $0x8, s8, s19, $0xb8;
	[tilespmem:$0x6000] =	vst v63  }
0xc1: {  	_ =	swait.ge [sflag:s22], $0x400  }
0xc2: {  	[sflag:s22] =	ssyncset.done $0x0  }
0xc3: {  	[sflag:s22] =	ssyncadd.s32 $0xFFFFFC00  }
0xc4: {  	_ =	swait.ge [sflag:s24], $0x400  }
0xc5: {  	[sflag:s24] =	ssyncset.done $0x0  }
0xc6: {  	[sflag:s24] =	ssyncadd.s32 $0xFFFFFC00  }
0xc7: {  	_ =	swait.ge [sflag:s28], $0x400  }
0xc8: {  	[sflag:s28] =	ssyncset.done $0x0  }
0xc9: {  	[sflag:s28] =	ssyncadd.s32 $0xFFFFFC00  }
0xca: {  	_ =	swait.ge [sflag:s1], $0x400  }
0xcb: {  	s5 =	sadd.s32 $0x1, s5;
	[sflag:s1] =	ssyncset.done $0x0  }
0xcc: {  	p1 =	sne.s32 s5, s11;
	[sflag:s1] =	ssyncadd.s32 $0xFFFFFC00  }
.Ltmp1:
0xcd: {  	[bflag:$0x0] =	sbarrier.arrive $0xFFFF;
	(pc) =	sbr.rel @p1 .LBB2_1-.Ltmp1, $4  }
0xce: {  	[hbm:s10], [sflag:s15] =	dma.local [spmem:s16], $0x280  }
0xcf: {  	_ =	swait.ge [sflag:s17], $0x280  }
0xd0: {  	[sflag:s17] =	ssyncset.done $0x0  }
0xd1: {  	[sflag:s17] =	ssyncadd.s32 $0xFFFFFD80  }
0xd2: {  	_ =	sfence.sel $0x180000  }
0xd3: {  	[bflag:$0x0] =	sbarrier.arrive $0xFFFF  }
0xd4: {  	_ =	strace $0x90000050  }
0xd5: {  	s0 =	stileid.u32;
	[bflag:$0x2] =	sbarrier.arrive $0xFFFF  }
0xd6: {  	p0 =	sne.s32 s0, $0x0;
	s0 =	rddreg [dreg:$0x3]  }
0xd7: {  	s0 =	sadd.s32 @!p0 $0x100000, s0  }
0xd8: {  	[sflag:s0] =	ssyncadd.tile.s32 @!p0 $0x1;
	_ =	shalt  }
.Lfunc_end2:
_tile_overlayer_lowered:
.L_overlay_start_2:
0xd9: {  	(tag) =	ssettag $0x2  }
0xda: {  	s0 =	rddreg [dreg:$0x0];
	s2 =	stileid.u32  }
0xdb: {  	s1 =	rddreg [dreg:$0x1];
	p0 =	sne.s32 s2, $0x0  }
0xdc: {  	s3 =	rddreg [dreg:$0x2];
	[bflag:$0x3] =	sbarrier.arrive $0xFFFF;
	s2 =	simm.s32 @!p0 $0x1C09  }
0xdd: {  	[timem:s3], [sflag:s2] =	dma.local @!p0 [hbm:s0], s1  }
0xde: {  	s0 =	simm.s32 @!p0 $0x9  }
0xdf: {  	_ =	swait.ge @!p0 [sflag:s0], s1  }
0xe0: {  	s1 =	ssub.s32 @!p0 $0x0, s1;
	[sflag:s0] =	ssyncset.done @!p0 $0x0  }
0xe1: {  	[sflag:s0] =	ssyncadd.s32 @!p0 s1  }
0xe2: {  	[bflag:$0x3] =	sbarrier.arrive $0xFFFF  }
0xe3: {  	_ =	shalt  }

</sc_bundles>
